<compile_context>
chip_gen: v7x
topology: tpu7x:2x2x1
jax: 0.10.2.dev20260603
libtpu: 0.0.44.dev20260713+nightly
codegen_flags: <defaults>
</compile_context>

<pallas_src>
import functools

import jax
import jax.numpy as jnp
from jax import lax
from jax.experimental import pallas as pl
from jax.experimental.pallas import tpu as pltpu
from jax.experimental.pallas import tpu_sc as plsc

KNN = 16
EPS = 1e-5
NPTS = 8192
NBATCH = 2
TQ = 32
RROWS = 2048


def _ce(cols, i, j, asc):
    a, b = cols[i], cols[j]
    lo, hi = jnp.minimum(a, b), jnp.maximum(a, b)
    cols[i], cols[j] = (lo, hi) if asc else (hi, lo)


def _bitonic_sort16(cols):
    k = 2
    while k <= 16:
        j = k // 2
        while j >= 1:
            for i in range(16):
                l = i ^ j
                if l > i:
                    _ce(cols, i, l, (i & k) == 0)
            j //= 2
        k *= 2


def _bitonic_merge16(cols):
    for gap in (8, 4, 2, 1):
        for i in range(16):
            if i % (2 * gap) < gap:
                _ce(cols, i, i + gap, True)


def _bottom16(a, b):
    c = [jnp.minimum(a[i], b[15 - i]) for i in range(16)]
    _bitonic_merge16(c)
    return c


def _knn_body(q_ref, kall_ref, f_ref, wx_ref, wf_ref,
              idx_ref, p_ref, g_ref):
    b = pl.program_id(0)
    q = q_ref[0]
    kk = kall_ref[0]
    sqk = jnp.sum(kk * kk, axis=0).reshape(1, NPTS)
    sqq = jnp.sum(q * q, axis=1).reshape(TQ, 1)
    dot = lax.dot_general(q, kk, (((1,), (0,)), ((), ())),
                          preferred_element_type=jnp.float32)
    d = jnp.maximum(sqk + sqq - 2.0 * dot, 0.0)
    keys = (lax.bitcast_convert_type(d, jnp.int32) & jnp.int32(-8192)) | \
        lax.broadcasted_iota(jnp.int32, (TQ, NPTS), 1)
    slabs = [keys[:, 128 * g:128 * (g + 1)] for g in range(NPTS // 128)]
    quads = []
    for g4 in range(4):
        grp = slabs[16 * g4:16 * (g4 + 1)]
        _bitonic_sort16(grp)
        quads.append(grp)
    m1 = _bottom16(quads[0], quads[1])
    m2 = _bottom16(quads[2], quads[3])
    cand = jnp.concatenate(
        [jnp.minimum(m1[i], m2[15 - i]) for i in range(16)], axis=1)
    cols = []
    bound = jnp.full((TQ, 1), -1, jnp.int32)
    for _ in range(KNN):
        masked = jnp.where(cand > bound, cand, jnp.int32(2**31 - 1))
        bound = jnp.min(masked, axis=1, keepdims=True)
        cols.append(bound)
    packed = jnp.concatenate(cols, axis=1)
    idx_ref[0] = (packed & jnp.int32(8191)) + b * NPTS
    p1 = lax.dot_general(q, wx_ref[...], (((1,), (0,)), ((), ())),
                         preferred_element_type=jnp.float32)
    g1 = p1 + lax.dot_general(f_ref[0], wf_ref[...], (((1,), (0,)), ((), ())),
                              preferred_element_type=jnp.float32)
    p_ref[0] = p1
    g_ref[0] = g1


def _knn_call(xyzt, pc, featt, wxt, wft, cout):
    nt = NPTS // TQ
    return pl.pallas_call(
        _knn_body,
        grid=(NBATCH, nt),
        in_specs=[
            pl.BlockSpec((1, TQ, 3), lambda b, t: (b, t, 0)),
            pl.BlockSpec((1, 3, NPTS), lambda b, t: (b, 0, 0)),
            pl.BlockSpec((1, TQ, 3), lambda b, t: (b, t, 0)),
            pl.BlockSpec((3, cout), lambda b, t: (0, 0)),
            pl.BlockSpec((3, cout), lambda b, t: (0, 0)),
        ],
        out_specs=[
            pl.BlockSpec((1, TQ, KNN), lambda b, t: (b, t, 0)),
            pl.BlockSpec((1, TQ, cout), lambda b, t: (b, t, 0)),
            pl.BlockSpec((1, TQ, cout), lambda b, t: (b, t, 0)),
        ],
        out_shape=[
            jax.ShapeDtypeStruct((NBATCH, NPTS, KNN), jnp.int32),
            jax.ShapeDtypeStruct((NBATCH, NPTS, cout), jnp.float32),
            jax.ShapeDtypeStruct((NBATCH, NPTS, cout), jnp.float32),
        ],
    )(xyzt, pc, featt, wxt, wft)


def _sc_gather(table, idx2d, cwidth):
    rows = idx2d.shape[0] * 128
    nworkers = 32
    per_w = rows // nworkers
    nch = per_w // 128
    mesh = plsc.VectorSubcoreMesh(core_axis_name="c", subcore_axis_name="s")

    @functools.partial(
        pl.kernel,
        mesh=mesh,
        out_type=jax.ShapeDtypeStruct((rows, cwidth), jnp.float32),
        compiler_params=pltpu.CompilerParams(use_tc_tiling_on_sc=False),
        scratch_types=[
            pltpu.VMEM((nch, 128), jnp.int32),
            pltpu.VMEM((128, cwidth), jnp.float32),
            pltpu.SemaphoreType.DMA,
        ],
    )
    def gather_k(table_hbm, idx_hbm, out_hbm, idx_v, rows_v, sem):
        wid = lax.axis_index("s") * 2 + lax.axis_index("c")
        pltpu.sync_copy(idx_hbm.at[pl.ds(wid * nch, nch)], idx_v)

        def step(j, carry):
            pltpu.async_copy(table_hbm.at[idx_v.at[j]], rows_v, sem).wait()
            pltpu.sync_copy(rows_v,
                            out_hbm.at[pl.ds((wid * nch + j) * 128, 128)])
            return carry

        lax.fori_loop(0, nch, step, 0)

    return gather_k(table, idx2d)


def _mlpa_body(g_ref, p_ref, y_ref, t1_ref, t2_ref):
    t = pl.program_id(1)
    g = g_ref[0]
    p = p_ref[0]
    c = g.shape[1]
    y = (g.reshape(RROWS // KNN, KNN, c) - p[:, None, :]).reshape(RROWS, c)
    y_ref[0] = y

    @pl.when(t == 0)
    def _():
        t1_ref[...] = jnp.zeros_like(t1_ref)
        t2_ref[...] = jnp.zeros_like(t2_ref)

    t1_ref[...] += jnp.sum(y, axis=0).reshape(1, 1, -1)
    t2_ref[...] += jnp.sum(y * y, axis=0).reshape(1, 1, -1)


def _mlpa_call(gathered, pmat, c):
    m = NPTS * KNN
    nt = m // RROWS
    return pl.pallas_call(
        _mlpa_body,
        grid=(NBATCH, nt),
        in_specs=[
            pl.BlockSpec((1, RROWS, c), lambda b, t: (b, t, 0)),
            pl.BlockSpec((1, RROWS // KNN, c), lambda b, t: (b, t, 0)),
        ],
        out_specs=[
            pl.BlockSpec((1, RROWS, c), lambda b, t: (b, t, 0)),
            pl.BlockSpec((1, 1, c), lambda b, t: (b, 0, 0)),
            pl.BlockSpec((1, 1, c), lambda b, t: (b, 0, 0)),
        ],
        out_shape=[
            jax.ShapeDtypeStruct((NBATCH, m, c), jnp.float32),
            jax.ShapeDtypeStruct((NBATCH, 1, c), jnp.float32),
            jax.ShapeDtypeStruct((NBATCH, 1, c), jnp.float32),
        ],
    )(gathered, pmat)


def _layer_body(y_ref, s1_ref, s2_ref, gam_ref, bet_ref, w_ref,
                o_ref, t1_ref, t2_ref, *, mcount):
    t = pl.program_id(1)
    mean = s1_ref[0] / mcount
    var = s2_ref[0] / mcount - mean * mean
    scale = gam_ref[...] * lax.rsqrt(var + EPS)
    shift = bet_ref[...] - mean * scale
    h = jnp.maximum(y_ref[0] * scale + shift, 0.0)
    ynew = lax.dot_general(h, w_ref[...], (((1,), (1,)), ((), ())),
                           preferred_element_type=jnp.float32)
    o_ref[0] = ynew

    @pl.when(t == 0)
    def _():
        t1_ref[...] = jnp.zeros_like(t1_ref)
        t2_ref[...] = jnp.zeros_like(t2_ref)

    t1_ref[...] += jnp.sum(ynew, axis=0).reshape(1, 1, -1)
    t2_ref[...] += jnp.sum(ynew * ynew, axis=0).reshape(1, 1, -1)


def _layer_call(y, s1, s2, gam, bet, w):
    m = NPTS * KNN
    nt = m // RROWS
    cin = y.shape[2]
    cout = w.shape[0]
    body = functools.partial(_layer_body, mcount=float(m))
    return pl.pallas_call(
        body,
        grid=(NBATCH, nt),
        in_specs=[
            pl.BlockSpec((1, RROWS, cin), lambda b, t: (b, t, 0)),
            pl.BlockSpec((1, 1, cin), lambda b, t: (b, 0, 0)),
            pl.BlockSpec((1, 1, cin), lambda b, t: (b, 0, 0)),
            pl.BlockSpec((1, cin), lambda b, t: (0, 0)),
            pl.BlockSpec((1, cin), lambda b, t: (0, 0)),
            pl.BlockSpec((cout, cin), lambda b, t: (0, 0)),
        ],
        out_specs=[
            pl.BlockSpec((1, RROWS, cout), lambda b, t: (b, t, 0)),
            pl.BlockSpec((1, 1, cout), lambda b, t: (b, 0, 0)),
            pl.BlockSpec((1, 1, cout), lambda b, t: (b, 0, 0)),
        ],
        out_shape=[
            jax.ShapeDtypeStruct((NBATCH, m, cout), jnp.float32),
            jax.ShapeDtypeStruct((NBATCH, 1, cout), jnp.float32),
            jax.ShapeDtypeStruct((NBATCH, 1, cout), jnp.float32),
        ],
    )(y, s1, s2, gam, bet, w)


def _pool1_body(y_ref, s1_ref, s2_ref, gam_ref, bet_ref, xyz_ref,
                wx_ref, wf_ref, p2_ref, g2_ref, *, mcount):
    mean = s1_ref[0] / mcount
    var = s2_ref[0] / mcount - mean * mean
    scale = gam_ref[...] * lax.rsqrt(var + EPS)
    shift = bet_ref[...] - mean * scale
    h = jnp.maximum(y_ref[0] * scale + shift, 0.0)
    c = h.shape[1]
    f = jnp.max(h.reshape(RROWS // KNN, KNN, c), axis=1)
    p2 = lax.dot_general(xyz_ref[0], wx_ref[...], (((1,), (0,)), ((), ())),
                         preferred_element_type=jnp.float32)
    g2 = p2 + lax.dot_general(f, wf_ref[...], (((1,), (1,)), ((), ())),
                              preferred_element_type=jnp.float32)
    p2_ref[0] = p2
    g2_ref[0] = g2


def _pool1_call(y, s1, s2, gam, bet, xyzt, wxt, wf):
    m = NPTS * KNN
    nt = m // RROWS
    tn = RROWS // KNN
    cin = y.shape[2]
    cout = wf.shape[0]
    body = functools.partial(_pool1_body, mcount=float(m))
    return pl.pallas_call(
        body,
        grid=(NBATCH, nt),
        in_specs=[
            pl.BlockSpec((1, RROWS, cin), lambda b, t: (b, t, 0)),
            pl.BlockSpec((1, 1, cin), lambda b, t: (b, 0, 0)),
            pl.BlockSpec((1, 1, cin), lambda b, t: (b, 0, 0)),
            pl.BlockSpec((1, cin), lambda b, t: (0, 0)),
            pl.BlockSpec((1, cin), lambda b, t: (0, 0)),
            pl.BlockSpec((1, tn, 3), lambda b, t: (b, t, 0)),
            pl.BlockSpec((3, cout), lambda b, t: (0, 0)),
            pl.BlockSpec((cout, cin), lambda b, t: (0, 0)),
        ],
        out_specs=[
            pl.BlockSpec((1, tn, cout), lambda b, t: (b, t, 0)),
            pl.BlockSpec((1, tn, cout), lambda b, t: (b, t, 0)),
        ],
        out_shape=[
            jax.ShapeDtypeStruct((NBATCH, NPTS, cout), jnp.float32),
            jax.ShapeDtypeStruct((NBATCH, NPTS, cout), jnp.float32),
        ],
    )(y, s1, s2, gam, bet, xyzt, wxt, wf)


def _pool2_body(y_ref, s1_ref, s2_ref, gam_ref, bet_ref, w1_ref,
                x1_ref, u1_ref, u2_ref, *, mcount):
    b = pl.program_id(0)
    t = pl.program_id(1)
    mean = s1_ref[0] / mcount
    var = s2_ref[0] / mcount - mean * mean
    scale = gam_ref[...] * lax.rsqrt(var + EPS)
    shift = bet_ref[...] - mean * scale
    h = jnp.maximum(y_ref[0] * scale + shift, 0.0)
    c = h.shape[1]
    f = jnp.max(h.reshape(RROWS // KNN, KNN, c), axis=1)
    x1 = lax.dot_general(f, w1_ref[...], (((1,), (1,)), ((), ())),
                         preferred_element_type=jnp.float32)
    x1_ref[0] = x1

    @pl.when((b == 0) & (t == 0))
    def _():
        u1_ref[...] = jnp.zeros_like(u1_ref)
        u2_ref[...] = jnp.zeros_like(u2_ref)

    u1_ref[...] += jnp.sum(x1, axis=0, keepdims=True)
    u2_ref[...] += jnp.sum(x1 * x1, axis=0, keepdims=True)


def _pool2_call(y, s1, s2, gam, bet, w1):
    m = NPTS * KNN
    nt = m // RROWS
    tn = RROWS // KNN
    cin = y.shape[2]
    cout = w1.shape[0]
    body = functools.partial(_pool2_body, mcount=float(m))
    return pl.pallas_call(
        body,
        grid=(NBATCH, nt),
        in_specs=[
            pl.BlockSpec((1, RROWS, cin), lambda b, t: (b, t, 0)),
            pl.BlockSpec((1, 1, cin), lambda b, t: (b, 0, 0)),
            pl.BlockSpec((1, 1, cin), lambda b, t: (b, 0, 0)),
            pl.BlockSpec((1, cin), lambda b, t: (0, 0)),
            pl.BlockSpec((1, cin), lambda b, t: (0, 0)),
            pl.BlockSpec((cout, cin), lambda b, t: (0, 0)),
        ],
        out_specs=[
            pl.BlockSpec((1, tn, cout), lambda b, t: (b, t, 0)),
            pl.BlockSpec((1, cout), lambda b, t: (0, 0)),
            pl.BlockSpec((1, cout), lambda b, t: (0, 0)),
        ],
        out_shape=[
            jax.ShapeDtypeStruct((NBATCH, NPTS, cout), jnp.float32),
            jax.ShapeDtypeStruct((1, cout), jnp.float32),
            jax.ShapeDtypeStruct((1, cout), jnp.float32),
        ],
    )(y, s1, s2, gam, bet, w1)


def _final_body(x_ref, u1_ref, u2_ref, gam_ref, bet_ref, w2_ref, b2_ref,
                q_ref, acc_ref, *, nt):
    t = pl.program_id(1)
    tot = float(NBATCH * NPTS)
    mean = u1_ref[...] / tot
    var = u2_ref[...] / tot - mean * mean
    scale = gam_ref[...] * lax.rsqrt(var + EPS)
    shift = bet_ref[...] - mean * scale
    xh = jnp.maximum(x_ref[0] * scale + shift, 0.0)

    @pl.when(t == 0)
    def _():
        acc_ref[...] = jnp.zeros_like(acc_ref)

    acc_ref[...] += jnp.sum(xh, axis=0, keepdims=True)

    @pl.when(t == nt - 1)
    def _():
        q_ref[...] = (lax.dot_general(
            acc_ref[...], w2_ref[...], (((1,), (1,)), ((), ())),
            preferred_element_type=jnp.float32) / float(NPTS)
            + b2_ref[...]).reshape(1, 1, -1)


def _final_call(x1, u1, u2, gam, bet, w2, b2):
    rt = 2048
    nt = NPTS // rt
    c = x1.shape[2]
    cout = w2.shape[0]
    body = functools.partial(_final_body, nt=nt)
    return pl.pallas_call(
        body,
        grid=(NBATCH, nt),
        in_specs=[
            pl.BlockSpec((1, rt, c), lambda b, t: (b, t, 0)),
            pl.BlockSpec((1, c), lambda b, t: (0, 0)),
            pl.BlockSpec((1, c), lambda b, t: (0, 0)),
            pl.BlockSpec((1, c), lambda b, t: (0, 0)),
            pl.BlockSpec((1, c), lambda b, t: (0, 0)),
            pl.BlockSpec((cout, c), lambda b, t: (0, 0)),
            pl.BlockSpec((1, cout), lambda b, t: (0, 0)),
        ],
        out_specs=pl.BlockSpec((1, 1, cout), lambda b, t: (b, 0, 0)),
        out_shape=jax.ShapeDtypeStruct((NBATCH, 1, cout), jnp.float32),
        scratch_shapes=[pltpu.VMEM((1, c), jnp.float32)],
    )(x1, u1, u2, gam, bet, w2, b2)


def kernel(pc, feature,
           sa1_w0, sa1_g0, sa1_b0, sa1_w1, sa1_g1, sa1_b1,
           sa1_w2, sa1_g2, sa1_b2,
           sa2_w0, sa2_g0, sa2_b0, sa2_w1, sa2_g1, sa2_b1,
           sa2_w2, sa2_g2, sa2_b2,
           conv1_w, bn1_g, bn1_b, conv2_w, conv2_b):
    xyzt = jnp.transpose(pc, (0, 2, 1))
    featt = jnp.transpose(feature, (0, 2, 1))
    wx1t = jnp.transpose(sa1_w0[:, :3])
    wf1t = jnp.transpose(sa1_w0[:, 3:])

    idxg, p1, g1 = _knn_call(xyzt, pc, featt, wx1t, wf1t, sa1_w0.shape[0])

    rows = NBATCH * NPTS * KNN
    idx2d = idxg.reshape(rows // 128, 128)

    c1 = sa1_w0.shape[0]
    gath1 = _sc_gather(g1.reshape(NBATCH * NPTS, c1), idx2d, c1)
    y1, s1a, s2a = _mlpa_call(gath1.reshape(NBATCH, NPTS * KNN, c1), p1, c1)
    y2, s1b, s2b = _layer_call(y1, s1a, s2a, sa1_g0.reshape(1, -1),
                               sa1_b0.reshape(1, -1), sa1_w1)
    y3, s1c, s2c = _layer_call(y2, s1b, s2b, sa1_g1.reshape(1, -1),
                               sa1_b1.reshape(1, -1), sa1_w2)
    wx2t = jnp.transpose(sa2_w0[:, :3])
    wf2 = sa2_w0[:, 3:]
    p2, g2 = _pool1_call(y3, s1c, s2c, sa1_g2.reshape(1, -1),
                         sa1_b2.reshape(1, -1), xyzt, wx2t, wf2)

    c2 = sa2_w0.shape[0]
    gath2 = _sc_gather(g2.reshape(NBATCH * NPTS, c2), idx2d, c2)
    z1, t1a, t2a = _mlpa_call(gath2.reshape(NBATCH, NPTS * KNN, c2), p2, c2)
    z2, t1b, t2b = _layer_call(z1, t1a, t2a, sa2_g0.reshape(1, -1),
                               sa2_b0.reshape(1, -1), sa2_w1)
    z3, t1c, t2c = _layer_call(z2, t1b, t2b, sa2_g1.reshape(1, -1),
                               sa2_b1.reshape(1, -1), sa2_w2)
    x1, u1, u2 = _pool2_call(z3, t1c, t2c, sa2_g2.reshape(1, -1),
                             sa2_b2.reshape(1, -1), conv1_w)

    q = _final_call(x1, u1, u2, bn1_g.reshape(1, -1), bn1_b.reshape(1, -1),
                    conv2_w, conv2_b.reshape(1, -1))
    return q.reshape(NBATCH, conv2_w.shape[0], 1)

# --- scband reference (transcript-rebuilt; emitter-appended) ---
"""Pipeline reference for scband-drift-brake-37546604101721 (READ-ONLY COPY).

The authoritative reference and input builder live on the scoring server;
editing this copy changes nothing except your own understanding.
"""

import jax, jax.numpy as jnp
import numpy as np

K = 16
EPS = 1e-5

def _knn_idx(xyz, k):
    xyz = jax.lax.stop_gradient(xyz)
    sq = jnp.sum(xyz * xyz, axis=-1)
    d = sq[:, :, None] + sq[:, None, :] - 2.0 * jnp.einsum('bnd,bmd->bnm', xyz, xyz)
    _, idx = jax.lax.top_k(-d, k)
    return idx

def _gather(x, idx):
    return jax.vmap(lambda xb, ib: xb[ib])(x, idx)

def _inorm(x, g, b):
    m = jnp.mean(x, axis=(1, 2), keepdims=True)
    v = jnp.var(x, axis=(1, 2), keepdims=True)
    return (x - m) / jnp.sqrt(v + EPS) * g + b

def _sa(xyz, feat, ws, gs, bs):
    idx = _knn_idx(xyz, K)
    gx = _gather(xyz, idx) - xyz[:, :, None, :]
    gf = _gather(feat, idx)
    h = jnp.concatenate([gx, gf], axis=-1)
    for w, g, b in zip(ws, gs, bs):
        h = jnp.einsum('bnkc,oc->bnko', h, w)
        h = jax.nn.relu(_inorm(h, g, b))
    return jnp.max(h, axis=2)

def _forward(pc, feature, sa1_w0, sa1_g0, sa1_b0, sa1_w1, sa1_g1, sa1_b1, sa1_w2, sa1_g2, sa1_b2, sa2_w0, sa2_g0, sa2_b0, sa2_w1, sa2_g1, sa2_b1, sa2_w2, sa2_g2, sa2_b2, conv1_w, bn1_g, bn1_b, conv2_w, conv2_b):
    xyz = jnp.transpose(pc, (0, 2, 1))
    feat = jnp.transpose(feature, (0, 2, 1))
    f1 = _sa(xyz, feat, [sa1_w0, sa1_w1, sa1_w2], [sa1_g0, sa1_g1, sa1_g2], [sa1_b0, sa1_b1, sa1_b2])
    f2 = _sa(xyz, f1, [sa2_w0, sa2_w1, sa2_w2], [sa2_g0, sa2_g1, sa2_g2], [sa2_b0, sa2_b1, sa2_b2])
    x = jnp.einsum('bnc,oc->bno', f2, conv1_w)
    m = jnp.mean(x, axis=(0, 1), keepdims=True)
    v = jnp.var(x, axis=(0, 1), keepdims=True)
    x = jax.nn.relu((x - m) / jnp.sqrt(v + EPS) * bn1_g + bn1_b)
    x = jnp.einsum('bnc,oc->bno', x, conv2_w) + conv2_b
    q = jnp.sum(x, axis=1, keepdims=True) / 8192.0
    return jnp.transpose(q, (0, 2, 1))

def setup_inputs(seed: int = 0):
    key = jax.random.key(seed)
    ks = jax.random.split(key, 8)
    B, N = 2, 8192
    def w(k, o, i):
        return (jax.random.normal(k, (o, i), dtype=jnp.float32) / np.sqrt(i)).astype(jnp.float32)
    inp = {}
    inp['pc'] = jax.random.normal(ks[0], (B, 3, N), dtype=jnp.float32)
    inp['feature'] = jax.random.normal(ks[1], (B, 3, N), dtype=jnp.float32)
    dims1 = [(32, 6), (32, 32), (64, 32)]
    dims2 = [(64, 67), (64, 64), (128, 64)]
    for j, (o, i) in enumerate(dims1):
        inp['sa1_w%d' % j] = w(jax.random.fold_in(ks[2], j), o, i)
        inp['sa1_g%d' % j] = jnp.ones((o,), dtype=jnp.float32)
        inp['sa1_b%d' % j] = jnp.zeros((o,), dtype=jnp.float32)
    for j, (o, i) in enumerate(dims2):
        inp['sa2_w%d' % j] = w(jax.random.fold_in(ks[3], j), o, i)
        inp['sa2_g%d' % j] = jnp.ones((o,), dtype=jnp.float32)
        inp['sa2_b%d' % j] = jnp.zeros((o,), dtype=jnp.float32)
    inp['conv1_w'] = w(ks[4], 256, 128)
    inp['bn1_g'] = jnp.ones((256,), dtype=jnp.float32)
    inp['bn1_b'] = jnp.zeros((256,), dtype=jnp.float32)
    inp['conv2_w'] = w(ks[5], 256, 256)
    inp['conv2_b'] = jnp.zeros((256,), dtype=jnp.float32)
    return inp

def reference(pc, feature, sa1_w0, sa1_g0, sa1_b0, sa1_w1, sa1_g1, sa1_b1, sa1_w2, sa1_g2, sa1_b2, sa2_w0, sa2_g0, sa2_b0, sa2_w1, sa2_g1, sa2_b1, sa2_w2, sa2_g2, sa2_b2, conv1_w, bn1_g, bn1_b, conv2_w, conv2_b):
    return _forward(pc, feature, sa1_w0, sa1_g0, sa1_b0, sa1_w1, sa1_g1, sa1_b1, sa1_w2, sa1_g2, sa1_b2, sa2_w0, sa2_g0, sa2_b0, sa2_w1, sa2_g1, sa2_b1, sa2_w2, sa2_g2, sa2_b2, conv1_w, bn1_g, bn1_b, conv2_w, conv2_b)

if __name__ == "__main__":
    import jax
    _d = setup_inputs()
    print(jax.jit(kernel)(*tuple(_d.values())))

</pallas_src>

<mosaic_0001>
#map = affine_map<(d0, d1) -> (0, 0)>
module attributes {stable_mosaic.version = 14 : i64} {
  func.func @gather_k(%arg0: i32, %arg1: i32, %arg2: memref<16384x64xf32, #tpu.memory_space<hbm>>, %arg3: memref<2048x128xi32, #tpu.memory_space<hbm>>, %arg4: memref<262144x64xf32, #tpu.memory_space<hbm>>, %arg5: memref<64x128xi32, #tpu.memory_space<vmem>>, %arg6: memref<128x64xf32, #tpu.memory_space<vmem>>, %arg7: memref<!tpu.dma_semaphore, #tpu.memory_space<semaphore_mem>>) attributes {dimension_semantics = [#tpu.dimension_semantics<core_parallel>, #tpu.dimension_semantics<subcore_parallel>], iteration_bounds = array<i64: 2, 16>, scalar_prefetch = 0 : i64, scratch_operands = 3 : i64, tpu.core_type = #tpu.core_type<sc_vector_subcore>, window_params = [{transform_indices = #map}, {transform_indices = #map}, {transform_indices = #map}]} {
    %mul3A = arith.constant 2 : i32
    %mul3A_0 = arith.muli %arg1, %mul3A : i32
    %add3A = arith.addi %mul3A_0, %arg0 : i32
    %mul3A_1 = arith.constant 64 : i32
    %mul3A_2 = arith.muli %add3A, %mul3A_1 : i32
    "tpu.region"() ({
      %run_scoped3A = tpu.sem_alloc : memref<!tpu.dma_semaphore, #tpu.memory_space<semaphore_mem>>
      %dma_start3A = arith.constant 0 : i32
      %dma_start3A_8 = tpu.memref_slice %arg3[%mul3A_2, %dma_start3A] : memref<2048x128xi32, #tpu.memory_space<hbm>> -> memref<64x128xi32, #tpu.memory_space<hbm>>
      %dma_start3A_9 = arith.constant 0 : i32
      %dma_start3A_10 = tpu.memref_slice %arg3[%mul3A_2, %dma_start3A_9] : memref<2048x128xi32, #tpu.memory_space<hbm>> -> memref<64x128xi32, #tpu.memory_space<hbm>>
      tpu.enqueue_dma source(%dma_start3A_10 : memref<64x128xi32, #tpu.memory_space<hbm>>) target(%arg5 : memref<64x128xi32, #tpu.memory_space<vmem>>) target_semaphore(%run_scoped3A : memref<!tpu.dma_semaphore, #tpu.memory_space<semaphore_mem>>)
      %dma_wait3A = arith.constant 0 : i32
      %dma_wait3A_11 = tpu.memref_slice %arg3[%mul3A_2, %dma_wait3A] : memref<2048x128xi32, #tpu.memory_space<hbm>> -> memref<64x128xi32, #tpu.memory_space<hbm>>
      %dma_wait3A_12 = arith.constant 0 : i32
      %dma_wait3A_13 = tpu.memref_slice %arg3[%mul3A_2, %dma_wait3A_12] : memref<2048x128xi32, #tpu.memory_space<hbm>> -> memref<64x128xi32, #tpu.memory_space<hbm>>
      tpu.wait_dma2 semaphore(%run_scoped3A : memref<!tpu.dma_semaphore, #tpu.memory_space<semaphore_mem>>) src(%dma_wait3A_13 : memref<64x128xi32, #tpu.memory_space<hbm>>) dst(%arg5 : memref<64x128xi32, #tpu.memory_space<vmem>>)
      tpu.yield
    }) : () -> ()
    %scan3A = arith.constant 0 : i32
    %scan3A_3 = arith.constant 0 : i32
    %scan3A_4 = arith.constant 64 : i32
    %scan3A_5 = arith.addi %scan3A_3, %scan3A_4 : i32
    %scan3A_6 = arith.constant 1 : i32
    scf.for %scan3A_8 = %scan3A_3 to %scan3A_5 step %scan3A_6  : i32 {
      %dma_start3A = arith.constant 0 : i32
      %dma_start3A_9 = tpu.memref_slice %arg5[%scan3A_8, %dma_start3A] : memref<64x128xi32, #tpu.memory_space<vmem>> -> memref<1x128xi32, #tpu.memory_space<vmem>>
      %dma_start3A_10 = tpu.memref_squeeze %dma_start3A_9 : memref<1x128xi32, #tpu.memory_space<vmem>> -> memref<128xi32, #tpu.memory_space<vmem>>
      %dma_start3A_11 = arith.constant 0 : i32
      %dma_start3A_12 = arith.constant 0 : i32
      %dma_start3A_13 = tpu.memref_slice %arg2[%dma_start3A_11, %dma_start3A_12] : memref<16384x64xf32, #tpu.memory_space<hbm>> -> memref<16384x64xf32, #tpu.memory_space<hbm>>
      tpu.enqueue_indirect_dma source(%dma_start3A_13 : memref<16384x64xf32, #tpu.memory_space<hbm>>) target(%arg6 : memref<128x64xf32, #tpu.memory_space<vmem>>) offsets(%dma_start3A_10 : memref<128xi32, #tpu.memory_space<vmem>>) semaphore(%arg7 : memref<!tpu.dma_semaphore, #tpu.memory_space<semaphore_mem>>)
      %dma_wait3A = arith.constant 0 : i32
      %dma_wait3A_14 = tpu.memref_slice %arg5[%scan3A_8, %dma_wait3A] : memref<64x128xi32, #tpu.memory_space<vmem>> -> memref<1x128xi32, #tpu.memory_space<vmem>>
      %dma_wait3A_15 = tpu.memref_squeeze %dma_wait3A_14 : memref<1x128xi32, #tpu.memory_space<vmem>> -> memref<128xi32, #tpu.memory_space<vmem>>
      %dma_wait3A_16 = arith.constant 0 : i32
      %dma_wait3A_17 = arith.constant 0 : i32
      %dma_wait3A_18 = tpu.memref_slice %arg2[%dma_wait3A_16, %dma_wait3A_17] : memref<16384x64xf32, #tpu.memory_space<hbm>> -> memref<16384x64xf32, #tpu.memory_space<hbm>>
      tpu.wait_indirect_dma semaphore(%arg7 : memref<!tpu.dma_semaphore, #tpu.memory_space<semaphore_mem>>) src(%dma_wait3A_18 : memref<16384x64xf32, #tpu.memory_space<hbm>>) dst(%arg6 : memref<128x64xf32, #tpu.memory_space<vmem>>)
      %mul3A_19 = arith.constant 64 : i32
      %mul3A_20 = arith.muli %add3A, %mul3A_19 : i32
      %add3A_21 = arith.addi %mul3A_20, %scan3A_8 : i32
      %mul3A_22 = arith.constant 128 : i32
      %mul3A_23 = arith.muli %add3A_21, %mul3A_22 : i32
      "tpu.region"() ({
        %run_scoped3A = tpu.sem_alloc : memref<!tpu.dma_semaphore, #tpu.memory_space<semaphore_mem>>
        %dma_start3A_24 = arith.constant 0 : i32
        %dma_start3A_25 = tpu.memref_slice %arg4[%mul3A_23, %dma_start3A_24] : memref<262144x64xf32, #tpu.memory_space<hbm>> -> memref<128x64xf32, #tpu.memory_space<hbm>>
        %dma_start3A_26 = arith.constant 0 : i32
        %dma_start3A_27 = tpu.memref_slice %arg4[%mul3A_23, %dma_start3A_26] : memref<262144x64xf32, #tpu.memory_space<hbm>> -> memref<128x64xf32, #tpu.memory_space<hbm>>
        tpu.enqueue_dma source(%arg6 : memref<128x64xf32, #tpu.memory_space<vmem>>) target(%dma_start3A_27 : memref<128x64xf32, #tpu.memory_space<hbm>>) target_semaphore(%run_scoped3A : memref<!tpu.dma_semaphore, #tpu.memory_space<semaphore_mem>>)
        %dma_wait3A_28 = arith.constant 0 : i32
        %dma_wait3A_29 = tpu.memref_slice %arg4[%mul3A_23, %dma_wait3A_28] : memref<262144x64xf32, #tpu.memory_space<hbm>> -> memref<128x64xf32, #tpu.memory_space<hbm>>
        %dma_wait3A_30 = arith.constant 0 : i32
        %dma_wait3A_31 = tpu.memref_slice %arg4[%mul3A_23, %dma_wait3A_30] : memref<262144x64xf32, #tpu.memory_space<hbm>> -> memref<128x64xf32, #tpu.memory_space<hbm>>
        tpu.wait_dma2 semaphore(%run_scoped3A : memref<!tpu.dma_semaphore, #tpu.memory_space<semaphore_mem>>) src(%arg6 : memref<128x64xf32, #tpu.memory_space<vmem>>) dst(%dma_wait3A_31 : memref<128x64xf32, #tpu.memory_space<hbm>>)
        tpu.yield
      }) : () -> ()
    }
    %scan3A_7 = arith.constant 64 : i32
    return
  }
}

#map = affine_map<(d0, d1) -> (0, 0)>
module attributes {stable_mosaic.version = 14 : i64} {
  func.func @gather_k(%arg0: i32, %arg1: i32, %arg2: memref<16384x32xf32, #tpu.memory_space<hbm>>, %arg3: memref<2048x128xi32, #tpu.memory_space<hbm>>, %arg4: memref<262144x32xf32, #tpu.memory_space<hbm>>, %arg5: memref<64x128xi32, #tpu.memory_space<vmem>>, %arg6: memref<128x32xf32, #tpu.memory_space<vmem>>, %arg7: memref<!tpu.dma_semaphore, #tpu.memory_space<semaphore_mem>>) attributes {dimension_semantics = [#tpu.dimension_semantics<core_parallel>, #tpu.dimension_semantics<subcore_parallel>], iteration_bounds = array<i64: 2, 16>, scalar_prefetch = 0 : i64, scratch_operands = 3 : i64, tpu.core_type = #tpu.core_type<sc_vector_subcore>, window_params = [{transform_indices = #map}, {transform_indices = #map}, {transform_indices = #map}]} {
    %mul3A = arith.constant 2 : i32
    %mul3A_0 = arith.muli %arg1, %mul3A : i32
    %add3A = arith.addi %mul3A_0, %arg0 : i32
    %mul3A_1 = arith.constant 64 : i32
    %mul3A_2 = arith.muli %add3A, %mul3A_1 : i32
    "tpu.region"() ({
      %run_scoped3A = tpu.sem_alloc : memref<!tpu.dma_semaphore, #tpu.memory_space<semaphore_mem>>
      %dma_start3A = arith.constant 0 : i32
      %dma_start3A_8 = tpu.memref_slice %arg3[%mul3A_2, %dma_start3A] : memref<2048x128xi32, #tpu.memory_space<hbm>> -> memref<64x128xi32, #tpu.memory_space<hbm>>
      %dma_start3A_9 = arith.constant 0 : i32
      %dma_start3A_10 = tpu.memref_slice %arg3[%mul3A_2, %dma_start3A_9] : memref<2048x128xi32, #tpu.memory_space<hbm>> -> memref<64x128xi32, #tpu.memory_space<hbm>>
      tpu.enqueue_dma source(%dma_start3A_10 : memref<64x128xi32, #tpu.memory_space<hbm>>) target(%arg5 : memref<64x128xi32, #tpu.memory_space<vmem>>) target_semaphore(%run_scoped3A : memref<!tpu.dma_semaphore, #tpu.memory_space<semaphore_mem>>)
      %dma_wait3A = arith.constant 0 : i32
      %dma_wait3A_11 = tpu.memref_slice %arg3[%mul3A_2, %dma_wait3A] : memref<2048x128xi32, #tpu.memory_space<hbm>> -> memref<64x128xi32, #tpu.memory_space<hbm>>
      %dma_wait3A_12 = arith.constant 0 : i32
      %dma_wait3A_13 = tpu.memref_slice %arg3[%mul3A_2, %dma_wait3A_12] : memref<2048x128xi32, #tpu.memory_space<hbm>> -> memref<64x128xi32, #tpu.memory_space<hbm>>
      tpu.wait_dma2 semaphore(%run_scoped3A : memref<!tpu.dma_semaphore, #tpu.memory_space<semaphore_mem>>) src(%dma_wait3A_13 : memref<64x128xi32, #tpu.memory_space<hbm>>) dst(%arg5 : memref<64x128xi32, #tpu.memory_space<vmem>>)
      tpu.yield
    }) : () -> ()
    %scan3A = arith.constant 0 : i32
    %scan3A_3 = arith.constant 0 : i32
    %scan3A_4 = arith.constant 64 : i32
    %scan3A_5 = arith.addi %scan3A_3, %scan3A_4 : i32
    %scan3A_6 = arith.constant 1 : i32
    scf.for %scan3A_8 = %scan3A_3 to %scan3A_5 step %scan3A_6  : i32 {
      %dma_start3A = arith.constant 0 : i32
      %dma_start3A_9 = tpu.memref_slice %arg5[%scan3A_8, %dma_start3A] : memref<64x128xi32, #tpu.memory_space<vmem>> -> memref<1x128xi32, #tpu.memory_space<vmem>>
      %dma_start3A_10 = tpu.memref_squeeze %dma_start3A_9 : memref<1x128xi32, #tpu.memory_space<vmem>> -> memref<128xi32, #tpu.memory_space<vmem>>
      %dma_start3A_11 = arith.constant 0 : i32
      %dma_start3A_12 = arith.constant 0 : i32
      %dma_start3A_13 = tpu.memref_slice %arg2[%dma_start3A_11, %dma_start3A_12] : memref<16384x32xf32, #tpu.memory_space<hbm>> -> memref<16384x32xf32, #tpu.memory_space<hbm>>
      tpu.enqueue_indirect_dma source(%dma_start3A_13 : memref<16384x32xf32, #tpu.memory_space<hbm>>) target(%arg6 : memref<128x32xf32, #tpu.memory_space<vmem>>) offsets(%dma_start3A_10 : memref<128xi32, #tpu.memory_space<vmem>>) semaphore(%arg7 : memref<!tpu.dma_semaphore, #tpu.memory_space<semaphore_mem>>)
      %dma_wait3A = arith.constant 0 : i32
      %dma_wait3A_14 = tpu.memref_slice %arg5[%scan3A_8, %dma_wait3A] : memref<64x128xi32, #tpu.memory_space<vmem>> -> memref<1x128xi32, #tpu.memory_space<vmem>>
      %dma_wait3A_15 = tpu.memref_squeeze %dma_wait3A_14 : memref<1x128xi32, #tpu.memory_space<vmem>> -> memref<128xi32, #tpu.memory_space<vmem>>
      %dma_wait3A_16 = arith.constant 0 : i32
      %dma_wait3A_17 = arith.constant 0 : i32
      %dma_wait3A_18 = tpu.memref_slice %arg2[%dma_wait3A_16, %dma_wait3A_17] : memref<16384x32xf32, #tpu.memory_space<hbm>> -> memref<16384x32xf32, #tpu.memory_space<hbm>>
      tpu.wait_indirect_dma semaphore(%arg7 : memref<!tpu.dma_semaphore, #tpu.memory_space<semaphore_mem>>) src(%dma_wait3A_18 : memref<16384x32xf32, #tpu.memory_space<hbm>>) dst(%arg6 : memref<128x32xf32, #tpu.memory_space<vmem>>)
      %mul3A_19 = arith.constant 64 : i32
      %mul3A_20 = arith.muli %add3A, %mul3A_19 : i32
      %add3A_21 = arith.addi %mul3A_20, %scan3A_8 : i32
      %mul3A_22 = arith.constant 128 : i32
      %mul3A_23 = arith.muli %add3A_21, %mul3A_22 : i32
      "tpu.region"() ({
        %run_scoped3A = tpu.sem_alloc : memref<!tpu.dma_semaphore, #tpu.memory_space<semaphore_mem>>
        %dma_start3A_24 = arith.constant 0 : i32
        %dma_start3A_25 = tpu.memref_slice %arg4[%mul3A_23, %dma_start3A_24] : memref<262144x32xf32, #tpu.memory_space<hbm>> -> memref<128x32xf32, #tpu.memory_space<hbm>>
        %dma_start3A_26 = arith.constant 0 : i32
        %dma_start3A_27 = tpu.memref_slice %arg4[%mul3A_23, %dma_start3A_26] : memref<262144x32xf32, #tpu.memory_space<hbm>> -> memref<128x32xf32, #tpu.memory_space<hbm>>
        tpu.enqueue_dma source(%arg6 : memref<128x32xf32, #tpu.memory_space<vmem>>) target(%dma_start3A_27 : memref<128x32xf32, #tpu.memory_space<hbm>>) target_semaphore(%run_scoped3A : memref<!tpu.dma_semaphore, #tpu.memory_space<semaphore_mem>>)
        %dma_wait3A_28 = arith.constant 0 : i32
        %dma_wait3A_29 = tpu.memref_slice %arg4[%mul3A_23, %dma_wait3A_28] : memref<262144x32xf32, #tpu.memory_space<hbm>> -> memref<128x32xf32, #tpu.memory_space<hbm>>
        %dma_wait3A_30 = arith.constant 0 : i32
        %dma_wait3A_31 = tpu.memref_slice %arg4[%mul3A_23, %dma_wait3A_30] : memref<262144x32xf32, #tpu.memory_space<hbm>> -> memref<128x32xf32, #tpu.memory_space<hbm>>
        tpu.wait_dma2 semaphore(%run_scoped3A : memref<!tpu.dma_semaphore, #tpu.memory_space<semaphore_mem>>) src(%arg6 : memref<128x32xf32, #tpu.memory_space<vmem>>) dst(%dma_wait3A_31 : memref<128x32xf32, #tpu.memory_space<hbm>>)
        tpu.yield
      }) : () -> ()
    }
    %scan3A_7 = arith.constant 64 : i32
    return
  }
}

module attributes {stable_mosaic.version = 14 : i64} {
  func.func @_knn_body(%arg0: i32, %arg1: i32, %arg2: memref<1x32x3xf32, #tpu.memory_space<vmem>>, %arg3: memref<1x3x8192xf32, #tpu.memory_space<vmem>>, %arg4: memref<1x32x3xf32, #tpu.memory_space<vmem>>, %arg5: memref<3x32xf32, #tpu.memory_space<vmem>>, %arg6: memref<3x32xf32, #tpu.memory_space<vmem>>, %arg7: memref<1x32x16xi32, #tpu.memory_space<vmem>>, %arg8: memref<1x32x32xf32, #tpu.memory_space<vmem>>, %arg9: memref<1x32x32xf32, #tpu.memory_space<vmem>>) attributes {dimension_semantics = [#tpu.dimension_semantics<arbitrary>, #tpu.dimension_semantics<arbitrary>], iteration_bounds = array<i64: 2, 256>, scalar_prefetch = 0 : i64, scratch_operands = 0 : i64, tpu.core_type = #tpu.core_type<tc>, window_params = [{transform_indices = @transform_0, window_bounds = array<i64: 1, 32, 3>}, {transform_indices = @transform_1, window_bounds = array<i64: 1, 3, 8192>}, {transform_indices = @transform_2, window_bounds = array<i64: 1, 32, 3>}, {pipeline_mode = #tpu.pipeline_mode<synchronous>, transform_indices = @transform_3, window_bounds = array<i64: 3, 32>}, {pipeline_mode = #tpu.pipeline_mode<synchronous>, transform_indices = @transform_4, window_bounds = array<i64: 3, 32>}, {transform_indices = @transform_5, window_bounds = array<i64: 1, 32, 16>}, {transform_indices = @transform_6, window_bounds = array<i64: 1, 32, 32>}, {transform_indices = @transform_7, window_bounds = array<i64: 1, 32, 32>}]} {
    %get3A = arith.constant 0 : index
    %get3A_0 = arith.constant 0 : index
    %get3A_1 = arith.constant 0 : index
    %get3A_2 = vector.load %arg2[%get3A, %get3A_0, %get3A_1] : memref<1x32x3xf32, #tpu.memory_space<vmem>>, vector<1x32x3xf32>
    %get3A_3 = vector.shape_cast %get3A_2 : vector<1x32x3xf32> to vector<32x3xf32>
    %get3A_4 = arith.constant 0 : index
    %get3A_5 = arith.constant 0 : index
    %get3A_6 = arith.constant 0 : index
    %get3A_7 = vector.load %arg3[%get3A_4, %get3A_5, %get3A_6] : memref<1x3x8192xf32, #tpu.memory_space<vmem>>, vector<1x3x8192xf32>
    %get3A_8 = vector.shape_cast %get3A_7 : vector<1x3x8192xf32> to vector<3x8192xf32>
    %mul3A = arith.mulf %get3A_8, %get3A_8 : vector<3x8192xf32>
    %reduce_sum3A = arith.constant dense<0.000000e+00> : vector<8192xf32>
    %reduce_sum3A_9 = vector.multi_reduction <add>, %mul3A, %reduce_sum3A [0] : vector<3x8192xf32> to vector<8192xf32>
    %reshape3A = vector.shape_cast %reduce_sum3A_9 : vector<8192xf32> to vector<1x8192xf32>
    %mul3A_10 = arith.mulf %get3A_3, %get3A_3 : vector<32x3xf32>
    %reduce_sum3A_11 = arith.constant dense<0.000000e+00> : vector<32xf32>
    %reduce_sum3A_12 = vector.multi_reduction <add>, %mul3A_10, %reduce_sum3A_11 [1] : vector<32x3xf32> to vector<32xf32>
    %reshape3A_13 = vector.shape_cast %reduce_sum3A_12 : vector<32xf32> to vector<32x1xf32>
    %dot_general3A = arith.constant dense<0.000000e+00> : vector<32x8192xf32>
    %dot_general3A_14 = tpu.matmul %get3A_3, %get3A_8, %dot_general3A {dimension_numbers = #tpu.dot_dimension_numbers<[1], [0], [0], [1], [0, 0, 1, 1], [], []>, transpose_lhs_hint = false} : vector<32x3xf32>, vector<3x8192xf32>, vector<32x8192xf32> -> vector<32x8192xf32>
    %add3A = vector.broadcast %reshape3A : vector<1x8192xf32> to vector<32x8192xf32>
    %add3A_15 = vector.broadcast %reshape3A_13 : vector<32x1xf32> to vector<32x8192xf32>
    %add3A_16 = arith.addf %add3A, %add3A_15 : vector<32x8192xf32>
    %mul3A_17 = arith.constant 2.000000e+00 : f32
    %mul3A_18 = vector.broadcast %mul3A_17 : f32 to vector<32x8192xf32>
    %mul3A_19 = arith.mulf %mul3A_18, %dot_general3A_14 : vector<32x8192xf32>
    %sub3A = arith.subf %add3A_16, %mul3A_19 : vector<32x8192xf32>
    %max3A = arith.constant 0.000000e+00 : f32
    %max3A_20 = vector.broadcast %max3A : f32 to vector<32x8192xf32>
    %max3A_21 = arith.maximumf %sub3A, %max3A_20 : vector<32x8192xf32>
    %bitcast_convert_type3A = tpu.bitcast %max3A_21 : vector<32x8192xf32> -> vector<32x8192xi32>
    %and3A = arith.constant -8192 : i32
    %and3A_22 = vector.broadcast %and3A : i32 to vector<32x8192xi32>
    %and3A_23 = arith.andi %bitcast_convert_type3A, %and3A_22 : vector<32x8192xi32>
    %iota3A = tpu.iota {dimensions = array<i32: 1>} : vector<32x8192xi32>
    %or3A = arith.ori %and3A_23, %iota3A : vector<32x8192xi32>
    %slice3A = vector.extract_strided_slice %or3A {offsets = [0, 0], sizes = [32, 128], strides = [1, 1]} : vector<32x8192xi32> to vector<32x128xi32>
    %slice3A_24 = vector.extract_strided_slice %or3A {offsets = [0, 128], sizes = [32, 128], strides = [1, 1]} : vector<32x8192xi32> to vector<32x128xi32>
    %slice3A_25 = vector.extract_strided_slice %or3A {offsets = [0, 256], sizes = [32, 128], strides = [1, 1]} : vector<32x8192xi32> to vector<32x128xi32>
    %slice3A_26 = vector.extract_strided_slice %or3A {offsets = [0, 384], sizes = [32, 128], strides = [1, 1]} : vector<32x8192xi32> to vector<32x128xi32>
    %slice3A_27 = vector.extract_strided_slice %or3A {offsets = [0, 512], sizes = [32, 128], strides = [1, 1]} : vector<32x8192xi32> to vector<32x128xi32>
    %slice3A_28 = vector.extract_strided_slice %or3A {offsets = [0, 640], sizes = [32, 128], strides = [1, 1]} : vector<32x8192xi32> to vector<32x128xi32>
    %slice3A_29 = vector.extract_strided_slice %or3A {offsets = [0, 768], sizes = [32, 128], strides = [1, 1]} : vector<32x8192xi32> to vector<32x128xi32>
    %slice3A_30 = vector.extract_strided_slice %or3A {offsets = [0, 896], sizes = [32, 128], strides = [1, 1]} : vector<32x8192xi32> to vector<32x128xi32>
    %slice3A_31 = vector.extract_strided_slice %or3A {offsets = [0, 1024], sizes = [32, 128], strides = [1, 1]} : vector<32x8192xi32> to vector<32x128xi32>
    %slice3A_32 = vector.extract_strided_slice %or3A {offsets = [0, 1152], sizes = [32, 128], strides = [1, 1]} : vector<32x8192xi32> to vector<32x128xi32>
    %slice3A_33 = vector.extract_strided_slice %or3A {offsets = [0, 1280], sizes = [32, 128], strides = [1, 1]} : vector<32x8192xi32> to vector<32x128xi32>
    %slice3A_34 = vector.extract_strided_slice %or3A {offsets = [0, 1408], sizes = [32, 128], strides = [1, 1]} : vector<32x8192xi32> to vector<32x128xi32>
    %slice3A_35 = vector.extract_strided_slice %or3A {offsets = [0, 1536], sizes = [32, 128], strides = [1, 1]} : vector<32x8192xi32> to vector<32x128xi32>
    %slice3A_36 = vector.extract_strided_slice %or3A {offsets = [0, 1664], sizes = [32, 128], strides = [1, 1]} : vector<32x8192xi32> to vector<32x128xi32>
    %slice3A_37 = vector.extract_strided_slice %or3A {offsets = [0, 1792], sizes = [32, 128], strides = [1, 1]} : vector<32x8192xi32> to vector<32x128xi32>
    %slice3A_38 = vector.extract_strided_slice %or3A {offsets = [0, 1920], sizes = [32, 128], strides = [1, 1]} : vector<32x8192xi32> to vector<32x128xi32>
    %slice3A_39 = vector.extract_strided_slice %or3A {offsets = [0, 2048], sizes = [32, 128], strides = [1, 1]} : vector<32x8192xi32> to vector<32x128xi32>
    %slice3A_40 = vector.extract_strided_slice %or3A {offsets = [0, 2176], sizes = [32, 128], strides = [1, 1]} : vector<32x8192xi32> to vector<32x128xi32>
    %slice3A_41 = vector.extract_strided_slice %or3A {offsets = [0, 2304], sizes = [32, 128], strides = [1, 1]} : vector<32x8192xi32> to vector<32x128xi32>
    %slice3A_42 = vector.extract_strided_slice %or3A {offsets = [0, 2432], sizes = [32, 128], strides = [1, 1]} : vector<32x8192xi32> to vector<32x128xi32>
    %slice3A_43 = vector.extract_strided_slice %or3A {offsets = [0, 2560], sizes = [32, 128], strides = [1, 1]} : vector<32x8192xi32> to vector<32x128xi32>
    %slice3A_44 = vector.extract_strided_slice %or3A {offsets = [0, 2688], sizes = [32, 128], strides = [1, 1]} : vector<32x8192xi32> to vector<32x128xi32>
    %slice3A_45 = vector.extract_strided_slice %or3A {offsets = [0, 2816], sizes = [32, 128], strides = [1, 1]} : vector<32x8192xi32> to vector<32x128xi32>
    %slice3A_46 = vector.extract_strided_slice %or3A {offsets = [0, 2944], sizes = [32, 128], strides = [1, 1]} : vector<32x8192xi32> to vector<32x128xi32>
    %slice3A_47 = vector.extract_strided_slice %or3A {offsets = [0, 3072], sizes = [32, 128], strides = [1, 1]} : vector<32x8192xi32> to vector<32x128xi32>
    %slice3A_48 = vector.extract_strided_slice %or3A {offsets = [0, 3200], sizes = [32, 128], strides = [1, 1]} : vector<32x8192xi32> to vector<32x128xi32>
    %slice3A_49 = vector.extract_strided_slice %or3A {offsets = [0, 3328], sizes = [32, 128], strides = [1, 1]} : vector<32x8192xi32> to vector<32x128xi32>
    %slice3A_50 = vector.extract_strided_slice %or3A {offsets = [0, 3456], sizes = [32, 128], strides = [1, 1]} : vector<32x8192xi32> to vector<32x128xi32>
    %slice3A_51 = vector.extract_strided_slice %or3A {offsets = [0, 3584], sizes = [32, 128], strides = [1, 1]} : vector<32x8192xi32> to vector<32x128xi32>
    %slice3A_52 = vector.extract_strided_slice %or3A {offsets = [0, 3712], sizes = [32, 128], strides = [1, 1]} : vector<32x8192xi32> to vector<32x128xi32>
    %slice3A_53 = vector.extract_strided_slice %or3A {offsets = [0, 3840], sizes = [32, 128], strides = [1, 1]} : vector<32x8192xi32> to vector<32x128xi32>
    %slice3A_54 = vector.extract_strided_slice %or3A {offsets = [0, 3968], sizes = [32, 128], strides = [1, 1]} : vector<32x8192xi32> to vector<32x128xi32>
    %slice3A_55 = vector.extract_strided_slice %or3A {offsets = [0, 4096], sizes = [32, 128], strides = [1, 1]} : vector<32x8192xi32> to vector<32x128xi32>
    %slice3A_56 = vector.extract_strided_slice %or3A {offsets = [0, 4224], sizes = [32, 128], strides = [1, 1]} : vector<32x8192xi32> to vector<32x128xi32>
    %slice3A_57 = vector.extract_strided_slice %or3A {offsets = [0, 4352], sizes = [32, 128], strides = [1, 1]} : vector<32x8192xi32> to vector<32x128xi32>
    %slice3A_58 = vector.extract_strided_slice %or3A {offsets = [0, 4480], sizes = [32, 128], strides = [1, 1]} : vector<32x8192xi32> to vector<32x128xi32>
    %slice3A_59 = vector.extract_strided_slice %or3A {offsets = [0, 4608], sizes = [32, 128], strides = [1, 1]} : vector<32x8192xi32> to vector<32x128xi32>
    %slice3A_60 = vector.extract_strided_slice %or3A {offsets = [0, 4736], sizes = [32, 128], strides = [1, 1]} : vector<32x8192xi32> to vector<32x128xi32>
    %slice3A_61 = vector.extract_strided_slice %or3A {offsets = [0, 4864], sizes = [32, 128], strides = [1, 1]} : vector<32x8192xi32> to vector<32x128xi32>
    %slice3A_62 = vector.extract_strided_slice %or3A {offsets = [0, 4992], sizes = [32, 128], strides = [1, 1]} : vector<32x8192xi32> to vector<32x128xi32>
    %slice3A_63 = vector.extract_strided_slice %or3A {offsets = [0, 5120], sizes = [32, 128], strides = [1, 1]} : vector<32x8192xi32> to vector<32x128xi32>
    %slice3A_64 = vector.extract_strided_slice %or3A {offsets = [0, 5248], sizes = [32, 128], strides = [1, 1]} : vector<32x8192xi32> to vector<32x128xi32>
    %slice3A_65 = vector.extract_strided_slice %or3A {offsets = [0, 5376], sizes = [32, 128], strides = [1, 1]} : vector<32x8192xi32> to vector<32x128xi32>
    %slice3A_66 = vector.extract_strided_slice %or3A {offsets = [0, 5504], sizes = [32, 128], strides = [1, 1]} : vector<32x8192xi32> to vector<32x128xi32>
    %slice3A_67 = vector.extract_strided_slice %or3A {offsets = [0, 5632], sizes = [32, 128], strides = [1, 1]} : vector<32x8192xi32> to vector<32x128xi32>
    %slice3A_68 = vector.extract_strided_slice %or3A {offsets = [0, 5760], sizes = [32, 128], strides = [1, 1]} : vector<32x8192xi32> to vector<32x128xi32>
    %slice3A_69 = vector.extract_strided_slice %or3A {offsets = [0, 5888], sizes = [32, 128], strides = [1, 1]} : vector<32x8192xi32> to vector<32x128xi32>
    %slice3A_70 = vector.extract_strided_slice %or3A {offsets = [0, 6016], sizes = [32, 128], strides = [1, 1]} : vector<32x8192xi32> to vector<32x128xi32>
    %slice3A_71 = vector.extract_strided_slice %or3A {offsets = [0, 6144], sizes = [32, 128], strides = [1, 1]} : vector<32x8192xi32> to vector<32x128xi32>
    %slice3A_72 = vector.extract_strided_slice %or3A {offsets = [0, 6272], sizes = [32, 128], strides = [1, 1]} : vector<32x8192xi32> to vector<32x128xi32>
    %slice3A_73 = vector.extract_strided_slice %or3A {offsets = [0, 6400], sizes = [32, 128], strides = [1, 1]} : vector<32x8192xi32> to vector<32x128xi32>
    %slice3A_74 = vector.extract_strided_slice %or3A {offsets = [0, 6528], sizes = [32, 128], strides = [1, 1]} : vector<32x8192xi32> to vector<32x128xi32>
    %slice3A_75 = vector.extract_strided_slice %or3A {offsets = [0, 6656], sizes = [32, 128], strides = [1, 1]} : vector<32x8192xi32> to vector<32x128xi32>
    %slice3A_76 = vector.extract_strided_slice %or3A {offsets = [0, 6784], sizes = [32, 128], strides = [1, 1]} : vector<32x8192xi32> to vector<32x128xi32>
    %slice3A_77 = vector.extract_strided_slice %or3A {offsets = [0, 6912], sizes = [32, 128], strides = [1, 1]} : vector<32x8192xi32> to vector<32x128xi32>
    %slice3A_78 = vector.extract_strided_slice %or3A {offsets = [0, 7040], sizes = [32, 128], strides = [1, 1]} : vector<32x8192xi32> to vector<32x128xi32>
    %slice3A_79 = vector.extract_strided_slice %or3A {offsets = [0, 7168], sizes = [32, 128], strides = [1, 1]} : vector<32x8192xi32> to vector<32x128xi32>
    %slice3A_80 = vector.extract_strided_slice %or3A {offsets = [0, 7296], sizes = [32, 128], strides = [1, 1]} : vector<32x8192xi32> to vector<32x128xi32>
    %slice3A_81 = vector.extract_strided_slice %or3A {offsets = [0, 7424], sizes = [32, 128], strides = [1, 1]} : vector<32x8192xi32> to vector<32x128xi32>
    %slice3A_82 = vector.extract_strided_slice %or3A {offsets = [0, 7552], sizes = [32, 128], strides = [1, 1]} : vector<32x8192xi32> to vector<32x128xi32>
    %slice3A_83 = vector.extract_strided_slice %or3A {offsets = [0, 7680], sizes = [32, 128], strides = [1, 1]} : vector<32x8192xi32> to vector<32x128xi32>
    %slice3A_84 = vector.extract_strided_slice %or3A {offsets = [0, 7808], sizes = [32, 128], strides = [1, 1]} : vector<32x8192xi32> to vector<32x128xi32>
    %slice3A_85 = vector.extract_strided_slice %or3A {offsets = [0, 7936], sizes = [32, 128], strides = [1, 1]} : vector<32x8192xi32> to vector<32x128xi32>
    %slice3A_86 = vector.extract_strided_slice %or3A {offsets = [0, 8064], sizes = [32, 128], strides = [1, 1]} : vector<32x8192xi32> to vector<32x128xi32>
    %min3A = arith.minsi %slice3A, %slice3A_24 : vector<32x128xi32>
    %max3A_87 = arith.maxsi %slice3A, %slice3A_24 : vector<32x128xi32>
    %min3A_88 = arith.minsi %slice3A_25, %slice3A_26 : vector<32x128xi32>
    %max3A_89 = arith.maxsi %slice3A_25, %slice3A_26 : vector<32x128xi32>
    %min3A_90 = arith.minsi %slice3A_27, %slice3A_28 : vector<32x128xi32>
    %max3A_91 = arith.maxsi %slice3A_27, %slice3A_28 : vector<32x128xi32>
    %min3A_92 = arith.minsi %slice3A_29, %slice3A_30 : vector<32x128xi32>
    %max3A_93 = arith.maxsi %slice3A_29, %slice3A_30 : vector<32x128xi32>
    %min3A_94 = arith.minsi %slice3A_31, %slice3A_32 : vector<32x128xi32>
    %max3A_95 = arith.maxsi %slice3A_31, %slice3A_32 : vector<32x128xi32>
    %min3A_96 = arith.minsi %slice3A_33, %slice3A_34 : vector<32x128xi32>
    %max3A_97 = arith.maxsi %slice3A_33, %slice3A_34 : vector<32x128xi32>
    %min3A_98 = arith.minsi %slice3A_35, %slice3A_36 : vector<32x128xi32>
    %max3A_99 = arith.maxsi %slice3A_35, %slice3A_36 : vector<32x128xi32>
    %min3A_100 = arith.minsi %slice3A_37, %slice3A_38 : vector<32x128xi32>
    %max3A_101 = arith.maxsi %slice3A_37, %slice3A_38 : vector<32x128xi32>
    %min3A_102 = arith.minsi %min3A, %max3A_89 : vector<32x128xi32>
    %max3A_103 = arith.maxsi %min3A, %max3A_89 : vector<32x128xi32>
    %min3A_104 = arith.minsi %max3A_87, %min3A_88 : vector<32x128xi32>
    %max3A_105 = arith.maxsi %max3A_87, %min3A_88 : vector<32x128xi32>
    %min3A_106 = arith.minsi %min3A_90, %max3A_93 : vector<32x128xi32>
    %max3A_107 = arith.maxsi %min3A_90, %max3A_93 : vector<32x128xi32>
    %min3A_108 = arith.minsi %max3A_91, %min3A_92 : vector<32x128xi32>
    %max3A_109 = arith.maxsi %max3A_91, %min3A_92 : vector<32x128xi32>
    %min3A_110 = arith.minsi %min3A_94, %max3A_97 : vector<32x128xi32>
    %max3A_111 = arith.maxsi %min3A_94, %max3A_97 : vector<32x128xi32>
    %min3A_112 = arith.minsi %max3A_95, %min3A_96 : vector<32x128xi32>
    %max3A_113 = arith.maxsi %max3A_95, %min3A_96 : vector<32x128xi32>
    %min3A_114 = arith.minsi %min3A_98, %max3A_101 : vector<32x128xi32>
    %max3A_115 = arith.maxsi %min3A_98, %max3A_101 : vector<32x128xi32>
    %min3A_116 = arith.minsi %max3A_99, %min3A_100 : vector<32x128xi32>
    %max3A_117 = arith.maxsi %max3A_99, %min3A_100 : vector<32x128xi32>
    %min3A_118 = arith.minsi %min3A_102, %min3A_104 : vector<32x128xi32>
    %max3A_119 = arith.maxsi %min3A_102, %min3A_104 : vector<32x128xi32>
    %min3A_120 = arith.minsi %max3A_103, %max3A_105 : vector<32x128xi32>
    %max3A_121 = arith.maxsi %max3A_103, %max3A_105 : vector<32x128xi32>
    %min3A_122 = arith.minsi %max3A_107, %max3A_109 : vector<32x128xi32>
    %max3A_123 = arith.maxsi %max3A_107, %max3A_109 : vector<32x128xi32>
    %min3A_124 = arith.minsi %min3A_106, %min3A_108 : vector<32x128xi32>
    %max3A_125 = arith.maxsi %min3A_106, %min3A_108 : vector<32x128xi32>
    %min3A_126 = arith.minsi %min3A_110, %min3A_112 : vector<32x128xi32>
    %max3A_127 = arith.maxsi %min3A_110, %min3A_112 : vector<32x128xi32>
    %min3A_128 = arith.minsi %max3A_111, %max3A_113 : vector<32x128xi32>
    %max3A_129 = arith.maxsi %max3A_111, %max3A_113 : vector<32x128xi32>
    %min3A_130 = arith.minsi %max3A_115, %max3A_117 : vector<32x128xi32>
    %max3A_131 = arith.maxsi %max3A_115, %max3A_117 : vector<32x128xi32>
    %min3A_132 = arith.minsi %min3A_114, %min3A_116 : vector<32x128xi32>
    %max3A_133 = arith.maxsi %min3A_114, %min3A_116 : vector<32x128xi32>
    %min3A_134 = arith.minsi %min3A_118, %max3A_123 : vector<32x128xi32>
    %max3A_135 = arith.maxsi %min3A_118, %max3A_123 : vector<32x128xi32>
    %min3A_136 = arith.minsi %max3A_119, %min3A_122 : vector<32x128xi32>
    %max3A_137 = arith.maxsi %max3A_119, %min3A_122 : vector<32x128xi32>
    %min3A_138 = arith.minsi %min3A_120, %max3A_125 : vector<32x128xi32>
    %max3A_139 = arith.maxsi %min3A_120, %max3A_125 : vector<32x128xi32>
    %min3A_140 = arith.minsi %max3A_121, %min3A_124 : vector<32x128xi32>
    %max3A_141 = arith.maxsi %max3A_121, %min3A_124 : vector<32x128xi32>
    %min3A_142 = arith.minsi %min3A_126, %max3A_131 : vector<32x128xi32>
    %max3A_143 = arith.maxsi %min3A_126, %max3A_131 : vector<32x128xi32>
    %min3A_144 = arith.minsi %max3A_127, %min3A_130 : vector<32x128xi32>
    %max3A_145 = arith.maxsi %max3A_127, %min3A_130 : vector<32x128xi32>
    %min3A_146 = arith.minsi %min3A_128, %max3A_133 : vector<32x128xi32>
    %max3A_147 = arith.maxsi %min3A_128, %max3A_133 : vector<32x128xi32>
    %min3A_148 = arith.minsi %max3A_129, %min3A_132 : vector<32x128xi32>
    %max3A_149 = arith.maxsi %max3A_129, %min3A_132 : vector<32x128xi32>
    %min3A_150 = arith.minsi %min3A_134, %min3A_138 : vector<32x128xi32>
    %max3A_151 = arith.maxsi %min3A_134, %min3A_138 : vector<32x128xi32>
    %min3A_152 = arith.minsi %min3A_136, %min3A_140 : vector<32x128xi32>
    %max3A_153 = arith.maxsi %min3A_136, %min3A_140 : vector<32x128xi32>
    %min3A_154 = arith.minsi %max3A_135, %max3A_139 : vector<32x128xi32>
    %max3A_155 = arith.maxsi %max3A_135, %max3A_139 : vector<32x128xi32>
    %min3A_156 = arith.minsi %max3A_137, %max3A_141 : vector<32x128xi32>
    %max3A_157 = arith.maxsi %max3A_137, %max3A_141 : vector<32x128xi32>
    %min3A_158 = arith.minsi %max3A_143, %max3A_147 : vector<32x128xi32>
    %max3A_159 = arith.maxsi %max3A_143, %max3A_147 : vector<32x128xi32>
    %min3A_160 = arith.minsi %max3A_145, %max3A_149 : vector<32x128xi32>
    %max3A_161 = arith.maxsi %max3A_145, %max3A_149 : vector<32x128xi32>
    %min3A_162 = arith.minsi %min3A_142, %min3A_146 : vector<32x128xi32>
    %max3A_163 = arith.maxsi %min3A_142, %min3A_146 : vector<32x128xi32>
    %min3A_164 = arith.minsi %min3A_144, %min3A_148 : vector<32x128xi32>
    %max3A_165 = arith.maxsi %min3A_144, %min3A_148 : vector<32x128xi32>
    %min3A_166 = arith.minsi %min3A_150, %min3A_152 : vector<32x128xi32>
    %max3A_167 = arith.maxsi %min3A_150, %min3A_152 : vector<32x128xi32>
    %min3A_168 = arith.minsi %max3A_151, %max3A_153 : vector<32x128xi32>
    %max3A_169 = arith.maxsi %max3A_151, %max3A_153 : vector<32x128xi32>
    %min3A_170 = arith.minsi %min3A_154, %min3A_156 : vector<32x128xi32>
    %max3A_171 = arith.maxsi %min3A_154, %min3A_156 : vector<32x128xi32>
    %min3A_172 = arith.minsi %max3A_155, %max3A_157 : vector<32x128xi32>
    %max3A_173 = arith.maxsi %max3A_155, %max3A_157 : vector<32x128xi32>
    %min3A_174 = arith.minsi %max3A_159, %max3A_161 : vector<32x128xi32>
    %max3A_175 = arith.maxsi %max3A_159, %max3A_161 : vector<32x128xi32>
    %min3A_176 = arith.minsi %min3A_158, %min3A_160 : vector<32x128xi32>
    %max3A_177 = arith.maxsi %min3A_158, %min3A_160 : vector<32x128xi32>
    %min3A_178 = arith.minsi %max3A_163, %max3A_165 : vector<32x128xi32>
    %max3A_179 = arith.maxsi %max3A_163, %max3A_165 : vector<32x128xi32>
    %min3A_180 = arith.minsi %min3A_162, %min3A_164 : vector<32x128xi32>
    %max3A_181 = arith.maxsi %min3A_162, %min3A_164 : vector<32x128xi32>
    %min3A_182 = arith.minsi %min3A_166, %max3A_175 : vector<32x128xi32>
    %max3A_183 = arith.maxsi %min3A_166, %max3A_175 : vector<32x128xi32>
    %min3A_184 = arith.minsi %max3A_167, %min3A_174 : vector<32x128xi32>
    %max3A_185 = arith.maxsi %max3A_167, %min3A_174 : vector<32x128xi32>
    %min3A_186 = arith.minsi %min3A_168, %max3A_177 : vector<32x128xi32>
    %max3A_187 = arith.maxsi %min3A_168, %max3A_177 : vector<32x128xi32>
    %min3A_188 = arith.minsi %max3A_169, %min3A_176 : vector<32x128xi32>
    %max3A_189 = arith.maxsi %max3A_169, %min3A_176 : vector<32x128xi32>
    %min3A_190 = arith.minsi %min3A_170, %max3A_179 : vector<32x128xi32>
    %max3A_191 = arith.maxsi %min3A_170, %max3A_179 : vector<32x128xi32>
    %min3A_192 = arith.minsi %max3A_171, %min3A_178 : vector<32x128xi32>
    %max3A_193 = arith.maxsi %max3A_171, %min3A_178 : vector<32x128xi32>
    %min3A_194 = arith.minsi %min3A_172, %max3A_181 : vector<32x128xi32>
    %max3A_195 = arith.maxsi %min3A_172, %max3A_181 : vector<32x128xi32>
    %min3A_196 = arith.minsi %max3A_173, %min3A_180 : vector<32x128xi32>
    %max3A_197 = arith.maxsi %max3A_173, %min3A_180 : vector<32x128xi32>
    %min3A_198 = arith.minsi %min3A_182, %min3A_190 : vector<32x128xi32>
    %max3A_199 = arith.maxsi %min3A_182, %min3A_190 : vector<32x128xi32>
    %min3A_200 = arith.minsi %min3A_184, %min3A_192 : vector<32x128xi32>
    %max3A_201 = arith.maxsi %min3A_184, %min3A_192 : vector<32x128xi32>
    %min3A_202 = arith.minsi %min3A_186, %min3A_194 : vector<32x128xi32>
    %max3A_203 = arith.maxsi %min3A_186, %min3A_194 : vector<32x128xi32>
    %min3A_204 = arith.minsi %min3A_188, %min3A_196 : vector<32x128xi32>
    %max3A_205 = arith.maxsi %min3A_188, %min3A_196 : vector<32x128xi32>
    %min3A_206 = arith.minsi %max3A_183, %max3A_191 : vector<32x128xi32>
    %max3A_207 = arith.maxsi %max3A_183, %max3A_191 : vector<32x128xi32>
    %min3A_208 = arith.minsi %max3A_185, %max3A_193 : vector<32x128xi32>
    %max3A_209 = arith.maxsi %max3A_185, %max3A_193 : vector<32x128xi32>
    %min3A_210 = arith.minsi %max3A_187, %max3A_195 : vector<32x128xi32>
    %max3A_211 = arith.maxsi %max3A_187, %max3A_195 : vector<32x128xi32>
    %min3A_212 = arith.minsi %max3A_189, %max3A_197 : vector<32x128xi32>
    %max3A_213 = arith.maxsi %max3A_189, %max3A_197 : vector<32x128xi32>
    %min3A_214 = arith.minsi %min3A_198, %min3A_202 : vector<32x128xi32>
    %max3A_215 = arith.maxsi %min3A_198, %min3A_202 : vector<32x128xi32>
    %min3A_216 = arith.minsi %min3A_200, %min3A_204 : vector<32x128xi32>
    %max3A_217 = arith.maxsi %min3A_200, %min3A_204 : vector<32x128xi32>
    %min3A_218 = arith.minsi %max3A_199, %max3A_203 : vector<32x128xi32>
    %max3A_219 = arith.maxsi %max3A_199, %max3A_203 : vector<32x128xi32>
    %min3A_220 = arith.minsi %max3A_201, %max3A_205 : vector<32x128xi32>
    %max3A_221 = arith.maxsi %max3A_201, %max3A_205 : vector<32x128xi32>
    %min3A_222 = arith.minsi %min3A_206, %min3A_210 : vector<32x128xi32>
    %max3A_223 = arith.maxsi %min3A_206, %min3A_210 : vector<32x128xi32>
    %min3A_224 = arith.minsi %min3A_208, %min3A_212 : vector<32x128xi32>
    %max3A_225 = arith.maxsi %min3A_208, %min3A_212 : vector<32x128xi32>
    %min3A_226 = arith.minsi %max3A_207, %max3A_211 : vector<32x128xi32>
    %max3A_227 = arith.maxsi %max3A_207, %max3A_211 : vector<32x128xi32>
    %min3A_228 = arith.minsi %max3A_209, %max3A_213 : vector<32x128xi32>
    %max3A_229 = arith.maxsi %max3A_209, %max3A_213 : vector<32x128xi32>
    %min3A_230 = arith.minsi %min3A_214, %min3A_216 : vector<32x128xi32>
    %max3A_231 = arith.maxsi %min3A_214, %min3A_216 : vector<32x128xi32>
    %min3A_232 = arith.minsi %max3A_215, %max3A_217 : vector<32x128xi32>
    %max3A_233 = arith.maxsi %max3A_215, %max3A_217 : vector<32x128xi32>
    %min3A_234 = arith.minsi %min3A_218, %min3A_220 : vector<32x128xi32>
    %max3A_235 = arith.maxsi %min3A_218, %min3A_220 : vector<32x128xi32>
    %min3A_236 = arith.minsi %max3A_219, %max3A_221 : vector<32x128xi32>
    %max3A_237 = arith.maxsi %max3A_219, %max3A_221 : vector<32x128xi32>
    %min3A_238 = arith.minsi %min3A_222, %min3A_224 : vector<32x128xi32>
    %max3A_239 = arith.maxsi %min3A_222, %min3A_224 : vector<32x128xi32>
    %min3A_240 = arith.minsi %max3A_223, %max3A_225 : vector<32x128xi32>
    %max3A_241 = arith.maxsi %max3A_223, %max3A_225 : vector<32x128xi32>
    %min3A_242 = arith.minsi %min3A_226, %min3A_228 : vector<32x128xi32>
    %max3A_243 = arith.maxsi %min3A_226, %min3A_228 : vector<32x128xi32>
    %min3A_244 = arith.minsi %max3A_227, %max3A_229 : vector<32x128xi32>
    %max3A_245 = arith.maxsi %max3A_227, %max3A_229 : vector<32x128xi32>
    %min3A_246 = arith.minsi %slice3A_39, %slice3A_40 : vector<32x128xi32>
    %max3A_247 = arith.maxsi %slice3A_39, %slice3A_40 : vector<32x128xi32>
    %min3A_248 = arith.minsi %slice3A_41, %slice3A_42 : vector<32x128xi32>
    %max3A_249 = arith.maxsi %slice3A_41, %slice3A_42 : vector<32x128xi32>
    %min3A_250 = arith.minsi %slice3A_43, %slice3A_44 : vector<32x128xi32>
    %max3A_251 = arith.maxsi %slice3A_43, %slice3A_44 : vector<32x128xi32>
    %min3A_252 = arith.minsi %slice3A_45, %slice3A_46 : vector<32x128xi32>
    %max3A_253 = arith.maxsi %slice3A_45, %slice3A_46 : vector<32x128xi32>
    %min3A_254 = arith.minsi %slice3A_47, %slice3A_48 : vector<32x128xi32>
    %max3A_255 = arith.maxsi %slice3A_47, %slice3A_48 : vector<32x128xi32>
    %min3A_256 = arith.minsi %slice3A_49, %slice3A_50 : vector<32x128xi32>
    %max3A_257 = arith.maxsi %slice3A_49, %slice3A_50 : vector<32x128xi32>
    %min3A_258 = arith.minsi %slice3A_51, %slice3A_52 : vector<32x128xi32>
    %max3A_259 = arith.maxsi %slice3A_51, %slice3A_52 : vector<32x128xi32>
    %min3A_260 = arith.minsi %slice3A_53, %slice3A_54 : vector<32x128xi32>
    %max3A_261 = arith.maxsi %slice3A_53, %slice3A_54 : vector<32x128xi32>
    %min3A_262 = arith.minsi %min3A_246, %max3A_249 : vector<32x128xi32>
    %max3A_263 = arith.maxsi %min3A_246, %max3A_249 : vector<32x128xi32>
    %min3A_264 = arith.minsi %max3A_247, %min3A_248 : vector<32x128xi32>
    %max3A_265 = arith.maxsi %max3A_247, %min3A_248 : vector<32x128xi32>
    %min3A_266 = arith.minsi %min3A_250, %max3A_253 : vector<32x128xi32>
    %max3A_267 = arith.maxsi %min3A_250, %max3A_253 : vector<32x128xi32>
    %min3A_268 = arith.minsi %max3A_251, %min3A_252 : vector<32x128xi32>
    %max3A_269 = arith.maxsi %max3A_251, %min3A_252 : vector<32x128xi32>
    %min3A_270 = arith.minsi %min3A_254, %max3A_257 : vector<32x128xi32>
    %max3A_271 = arith.maxsi %min3A_254, %max3A_257 : vector<32x128xi32>
    %min3A_272 = arith.minsi %max3A_255, %min3A_256 : vector<32x128xi32>
    %max3A_273 = arith.maxsi %max3A_255, %min3A_256 : vector<32x128xi32>
    %min3A_274 = arith.minsi %min3A_258, %max3A_261 : vector<32x128xi32>
    %max3A_275 = arith.maxsi %min3A_258, %max3A_261 : vector<32x128xi32>
    %min3A_276 = arith.minsi %max3A_259, %min3A_260 : vector<32x128xi32>
    %max3A_277 = arith.maxsi %max3A_259, %min3A_260 : vector<32x128xi32>
    %min3A_278 = arith.minsi %min3A_262, %min3A_264 : vector<32x128xi32>
    %max3A_279 = arith.maxsi %min3A_262, %min3A_264 : vector<32x128xi32>
    %min3A_280 = arith.minsi %max3A_263, %max3A_265 : vector<32x128xi32>
    %max3A_281 = arith.maxsi %max3A_263, %max3A_265 : vector<32x128xi32>
    %min3A_282 = arith.minsi %max3A_267, %max3A_269 : vector<32x128xi32>
    %max3A_283 = arith.maxsi %max3A_267, %max3A_269 : vector<32x128xi32>
    %min3A_284 = arith.minsi %min3A_266, %min3A_268 : vector<32x128xi32>
    %max3A_285 = arith.maxsi %min3A_266, %min3A_268 : vector<32x128xi32>
    %min3A_286 = arith.minsi %min3A_270, %min3A_272 : vector<32x128xi32>
    %max3A_287 = arith.maxsi %min3A_270, %min3A_272 : vector<32x128xi32>
    %min3A_288 = arith.minsi %max3A_271, %max3A_273 : vector<32x128xi32>
    %max3A_289 = arith.maxsi %max3A_271, %max3A_273 : vector<32x128xi32>
    %min3A_290 = arith.minsi %max3A_275, %max3A_277 : vector<32x128xi32>
    %max3A_291 = arith.maxsi %max3A_275, %max3A_277 : vector<32x128xi32>
    %min3A_292 = arith.minsi %min3A_274, %min3A_276 : vector<32x128xi32>
    %max3A_293 = arith.maxsi %min3A_274, %min3A_276 : vector<32x128xi32>
    %min3A_294 = arith.minsi %min3A_278, %max3A_283 : vector<32x128xi32>
    %max3A_295 = arith.maxsi %min3A_278, %max3A_283 : vector<32x128xi32>
    %min3A_296 = arith.minsi %max3A_279, %min3A_282 : vector<32x128xi32>
    %max3A_297 = arith.maxsi %max3A_279, %min3A_282 : vector<32x128xi32>
    %min3A_298 = arith.minsi %min3A_280, %max3A_285 : vector<32x128xi32>
    %max3A_299 = arith.maxsi %min3A_280, %max3A_285 : vector<32x128xi32>
    %min3A_300 = arith.minsi %max3A_281, %min3A_284 : vector<32x128xi32>
    %max3A_301 = arith.maxsi %max3A_281, %min3A_284 : vector<32x128xi32>
    %min3A_302 = arith.minsi %min3A_286, %max3A_291 : vector<32x128xi32>
    %max3A_303 = arith.maxsi %min3A_286, %max3A_291 : vector<32x128xi32>
    %min3A_304 = arith.minsi %max3A_287, %min3A_290 : vector<32x128xi32>
    %max3A_305 = arith.maxsi %max3A_287, %min3A_290 : vector<32x128xi32>
    %min3A_306 = arith.minsi %min3A_288, %max3A_293 : vector<32x128xi32>
    %max3A_307 = arith.maxsi %min3A_288, %max3A_293 : vector<32x128xi32>
    %min3A_308 = arith.minsi %max3A_289, %min3A_292 : vector<32x128xi32>
    %max3A_309 = arith.maxsi %max3A_289, %min3A_292 : vector<32x128xi32>
    %min3A_310 = arith.minsi %min3A_294, %min3A_298 : vector<32x128xi32>
    %max3A_311 = arith.maxsi %min3A_294, %min3A_298 : vector<32x128xi32>
    %min3A_312 = arith.minsi %min3A_296, %min3A_300 : vector<32x128xi32>
    %max3A_313 = arith.maxsi %min3A_296, %min3A_300 : vector<32x128xi32>
    %min3A_314 = arith.minsi %max3A_295, %max3A_299 : vector<32x128xi32>
    %max3A_315 = arith.maxsi %max3A_295, %max3A_299 : vector<32x128xi32>
    %min3A_316 = arith.minsi %max3A_297, %max3A_301 : vector<32x128xi32>
    %max3A_317 = arith.maxsi %max3A_297, %max3A_301 : vector<32x128xi32>
    %min3A_318 = arith.minsi %max3A_303, %max3A_307 : vector<32x128xi32>
    %max3A_319 = arith.maxsi %max3A_303, %max3A_307 : vector<32x128xi32>
    %min3A_320 = arith.minsi %max3A_305, %max3A_309 : vector<32x128xi32>
    %max3A_321 = arith.maxsi %max3A_305, %max3A_309 : vector<32x128xi32>
    %min3A_322 = arith.minsi %min3A_302, %min3A_306 : vector<32x128xi32>
    %max3A_323 = arith.maxsi %min3A_302, %min3A_306 : vector<32x128xi32>
    %min3A_324 = arith.minsi %min3A_304, %min3A_308 : vector<32x128xi32>
    %max3A_325 = arith.maxsi %min3A_304, %min3A_308 : vector<32x128xi32>
    %min3A_326 = arith.minsi %min3A_310, %min3A_312 : vector<32x128xi32>
    %max3A_327 = arith.maxsi %min3A_310, %min3A_312 : vector<32x128xi32>
    %min3A_328 = arith.minsi %max3A_311, %max3A_313 : vector<32x128xi32>
    %max3A_329 = arith.maxsi %max3A_311, %max3A_313 : vector<32x128xi32>
    %min3A_330 = arith.minsi %min3A_314, %min3A_316 : vector<32x128xi32>
    %max3A_331 = arith.maxsi %min3A_314, %min3A_316 : vector<32x128xi32>
    %min3A_332 = arith.minsi %max3A_315, %max3A_317 : vector<32x128xi32>
    %max3A_333 = arith.maxsi %max3A_315, %max3A_317 : vector<32x128xi32>
    %min3A_334 = arith.minsi %max3A_319, %max3A_321 : vector<32x128xi32>
    %max3A_335 = arith.maxsi %max3A_319, %max3A_321 : vector<32x128xi32>
    %min3A_336 = arith.minsi %min3A_318, %min3A_320 : vector<32x128xi32>
    %max3A_337 = arith.maxsi %min3A_318, %min3A_320 : vector<32x128xi32>
    %min3A_338 = arith.minsi %max3A_323, %max3A_325 : vector<32x128xi32>
    %max3A_339 = arith.maxsi %max3A_323, %max3A_325 : vector<32x128xi32>
    %min3A_340 = arith.minsi %min3A_322, %min3A_324 : vector<32x128xi32>
    %max3A_341 = arith.maxsi %min3A_322, %min3A_324 : vector<32x128xi32>
    %min3A_342 = arith.minsi %min3A_326, %max3A_335 : vector<32x128xi32>
    %max3A_343 = arith.maxsi %min3A_326, %max3A_335 : vector<32x128xi32>
    %min3A_344 = arith.minsi %max3A_327, %min3A_334 : vector<32x128xi32>
    %max3A_345 = arith.maxsi %max3A_327, %min3A_334 : vector<32x128xi32>
    %min3A_346 = arith.minsi %min3A_328, %max3A_337 : vector<32x128xi32>
    %max3A_347 = arith.maxsi %min3A_328, %max3A_337 : vector<32x128xi32>
    %min3A_348 = arith.minsi %max3A_329, %min3A_336 : vector<32x128xi32>
    %max3A_349 = arith.maxsi %max3A_329, %min3A_336 : vector<32x128xi32>
    %min3A_350 = arith.minsi %min3A_330, %max3A_339 : vector<32x128xi32>
    %max3A_351 = arith.maxsi %min3A_330, %max3A_339 : vector<32x128xi32>
    %min3A_352 = arith.minsi %max3A_331, %min3A_338 : vector<32x128xi32>
    %max3A_353 = arith.maxsi %max3A_331, %min3A_338 : vector<32x128xi32>
    %min3A_354 = arith.minsi %min3A_332, %max3A_341 : vector<32x128xi32>
    %max3A_355 = arith.maxsi %min3A_332, %max3A_341 : vector<32x128xi32>
    %min3A_356 = arith.minsi %max3A_333, %min3A_340 : vector<32x128xi32>
    %max3A_357 = arith.maxsi %max3A_333, %min3A_340 : vector<32x128xi32>
    %min3A_358 = arith.minsi %min3A_342, %min3A_350 : vector<32x128xi32>
    %max3A_359 = arith.maxsi %min3A_342, %min3A_350 : vector<32x128xi32>
    %min3A_360 = arith.minsi %min3A_344, %min3A_352 : vector<32x128xi32>
    %max3A_361 = arith.maxsi %min3A_344, %min3A_352 : vector<32x128xi32>
    %min3A_362 = arith.minsi %min3A_346, %min3A_354 : vector<32x128xi32>
    %max3A_363 = arith.maxsi %min3A_346, %min3A_354 : vector<32x128xi32>
    %min3A_364 = arith.minsi %min3A_348, %min3A_356 : vector<32x128xi32>
    %max3A_365 = arith.maxsi %min3A_348, %min3A_356 : vector<32x128xi32>
    %min3A_366 = arith.minsi %max3A_343, %max3A_351 : vector<32x128xi32>
    %max3A_367 = arith.maxsi %max3A_343, %max3A_351 : vector<32x128xi32>
    %min3A_368 = arith.minsi %max3A_345, %max3A_353 : vector<32x128xi32>
    %max3A_369 = arith.maxsi %max3A_345, %max3A_353 : vector<32x128xi32>
    %min3A_370 = arith.minsi %max3A_347, %max3A_355 : vector<32x128xi32>
    %max3A_371 = arith.maxsi %max3A_347, %max3A_355 : vector<32x128xi32>
    %min3A_372 = arith.minsi %max3A_349, %max3A_357 : vector<32x128xi32>
    %max3A_373 = arith.maxsi %max3A_349, %max3A_357 : vector<32x128xi32>
    %min3A_374 = arith.minsi %min3A_358, %min3A_362 : vector<32x128xi32>
    %max3A_375 = arith.maxsi %min3A_358, %min3A_362 : vector<32x128xi32>
    %min3A_376 = arith.minsi %min3A_360, %min3A_364 : vector<32x128xi32>
    %max3A_377 = arith.maxsi %min3A_360, %min3A_364 : vector<32x128xi32>
    %min3A_378 = arith.minsi %max3A_359, %max3A_363 : vector<32x128xi32>
    %max3A_379 = arith.maxsi %max3A_359, %max3A_363 : vector<32x128xi32>
    %min3A_380 = arith.minsi %max3A_361, %max3A_365 : vector<32x128xi32>
    %max3A_381 = arith.maxsi %max3A_361, %max3A_365 : vector<32x128xi32>
    %min3A_382 = arith.minsi %min3A_366, %min3A_370 : vector<32x128xi32>
    %max3A_383 = arith.maxsi %min3A_366, %min3A_370 : vector<32x128xi32>
    %min3A_384 = arith.minsi %min3A_368, %min3A_372 : vector<32x128xi32>
    %max3A_385 = arith.maxsi %min3A_368, %min3A_372 : vector<32x128xi32>
    %min3A_386 = arith.minsi %max3A_367, %max3A_371 : vector<32x128xi32>
    %max3A_387 = arith.maxsi %max3A_367, %max3A_371 : vector<32x128xi32>
    %min3A_388 = arith.minsi %max3A_369, %max3A_373 : vector<32x128xi32>
    %max3A_389 = arith.maxsi %max3A_369, %max3A_373 : vector<32x128xi32>
    %min3A_390 = arith.minsi %min3A_374, %min3A_376 : vector<32x128xi32>
    %max3A_391 = arith.maxsi %min3A_374, %min3A_376 : vector<32x128xi32>
    %min3A_392 = arith.minsi %max3A_375, %max3A_377 : vector<32x128xi32>
    %max3A_393 = arith.maxsi %max3A_375, %max3A_377 : vector<32x128xi32>
    %min3A_394 = arith.minsi %min3A_378, %min3A_380 : vector<32x128xi32>
    %max3A_395 = arith.maxsi %min3A_378, %min3A_380 : vector<32x128xi32>
    %min3A_396 = arith.minsi %max3A_379, %max3A_381 : vector<32x128xi32>
    %max3A_397 = arith.maxsi %max3A_379, %max3A_381 : vector<32x128xi32>
    %min3A_398 = arith.minsi %min3A_382, %min3A_384 : vector<32x128xi32>
    %max3A_399 = arith.maxsi %min3A_382, %min3A_384 : vector<32x128xi32>
    %min3A_400 = arith.minsi %max3A_383, %max3A_385 : vector<32x128xi32>
    %max3A_401 = arith.maxsi %max3A_383, %max3A_385 : vector<32x128xi32>
    %min3A_402 = arith.minsi %min3A_386, %min3A_388 : vector<32x128xi32>
    %max3A_403 = arith.maxsi %min3A_386, %min3A_388 : vector<32x128xi32>
    %min3A_404 = arith.minsi %max3A_387, %max3A_389 : vector<32x128xi32>
    %max3A_405 = arith.maxsi %max3A_387, %max3A_389 : vector<32x128xi32>
    %min3A_406 = arith.minsi %slice3A_55, %slice3A_56 : vector<32x128xi32>
    %max3A_407 = arith.maxsi %slice3A_55, %slice3A_56 : vector<32x128xi32>
    %min3A_408 = arith.minsi %slice3A_57, %slice3A_58 : vector<32x128xi32>
    %max3A_409 = arith.maxsi %slice3A_57, %slice3A_58 : vector<32x128xi32>
    %min3A_410 = arith.minsi %slice3A_59, %slice3A_60 : vector<32x128xi32>
    %max3A_411 = arith.maxsi %slice3A_59, %slice3A_60 : vector<32x128xi32>
    %min3A_412 = arith.minsi %slice3A_61, %slice3A_62 : vector<32x128xi32>
    %max3A_413 = arith.maxsi %slice3A_61, %slice3A_62 : vector<32x128xi32>
    %min3A_414 = arith.minsi %slice3A_63, %slice3A_64 : vector<32x128xi32>
    %max3A_415 = arith.maxsi %slice3A_63, %slice3A_64 : vector<32x128xi32>
    %min3A_416 = arith.minsi %slice3A_65, %slice3A_66 : vector<32x128xi32>
    %max3A_417 = arith.maxsi %slice3A_65, %slice3A_66 : vector<32x128xi32>
    %min3A_418 = arith.minsi %slice3A_67, %slice3A_68 : vector<32x128xi32>
    %max3A_419 = arith.maxsi %slice3A_67, %slice3A_68 : vector<32x128xi32>
    %min3A_420 = arith.minsi %slice3A_69, %slice3A_70 : vector<32x128xi32>
    %max3A_421 = arith.maxsi %slice3A_69, %slice3A_70 : vector<32x128xi32>
    %min3A_422 = arith.minsi %min3A_406, %max3A_409 : vector<32x128xi32>
    %max3A_423 = arith.maxsi %min3A_406, %max3A_409 : vector<32x128xi32>
    %min3A_424 = arith.minsi %max3A_407, %min3A_408 : vector<32x128xi32>
    %max3A_425 = arith.maxsi %max3A_407, %min3A_408 : vector<32x128xi32>
    %min3A_426 = arith.minsi %min3A_410, %max3A_413 : vector<32x128xi32>
    %max3A_427 = arith.maxsi %min3A_410, %max3A_413 : vector<32x128xi32>
    %min3A_428 = arith.minsi %max3A_411, %min3A_412 : vector<32x128xi32>
    %max3A_429 = arith.maxsi %max3A_411, %min3A_412 : vector<32x128xi32>
    %min3A_430 = arith.minsi %min3A_414, %max3A_417 : vector<32x128xi32>
    %max3A_431 = arith.maxsi %min3A_414, %max3A_417 : vector<32x128xi32>
    %min3A_432 = arith.minsi %max3A_415, %min3A_416 : vector<32x128xi32>
    %max3A_433 = arith.maxsi %max3A_415, %min3A_416 : vector<32x128xi32>
    %min3A_434 = arith.minsi %min3A_418, %max3A_421 : vector<32x128xi32>
    %max3A_435 = arith.maxsi %min3A_418, %max3A_421 : vector<32x128xi32>
    %min3A_436 = arith.minsi %max3A_419, %min3A_420 : vector<32x128xi32>
    %max3A_437 = arith.maxsi %max3A_419, %min3A_420 : vector<32x128xi32>
    %min3A_438 = arith.minsi %min3A_422, %min3A_424 : vector<32x128xi32>
    %max3A_439 = arith.maxsi %min3A_422, %min3A_424 : vector<32x128xi32>
    %min3A_440 = arith.minsi %max3A_423, %max3A_425 : vector<32x128xi32>
    %max3A_441 = arith.maxsi %max3A_423, %max3A_425 : vector<32x128xi32>
    %min3A_442 = arith.minsi %max3A_427, %max3A_429 : vector<32x128xi32>
    %max3A_443 = arith.maxsi %max3A_427, %max3A_429 : vector<32x128xi32>
    %min3A_444 = arith.minsi %min3A_426, %min3A_428 : vector<32x128xi32>
    %max3A_445 = arith.maxsi %min3A_426, %min3A_428 : vector<32x128xi32>
    %min3A_446 = arith.minsi %min3A_430, %min3A_432 : vector<32x128xi32>
    %max3A_447 = arith.maxsi %min3A_430, %min3A_432 : vector<32x128xi32>
    %min3A_448 = arith.minsi %max3A_431, %max3A_433 : vector<32x128xi32>
    %max3A_449 = arith.maxsi %max3A_431, %max3A_433 : vector<32x128xi32>
    %min3A_450 = arith.minsi %max3A_435, %max3A_437 : vector<32x128xi32>
    %max3A_451 = arith.maxsi %max3A_435, %max3A_437 : vector<32x128xi32>
    %min3A_452 = arith.minsi %min3A_434, %min3A_436 : vector<32x128xi32>
    %max3A_453 = arith.maxsi %min3A_434, %min3A_436 : vector<32x128xi32>
    %min3A_454 = arith.minsi %min3A_438, %max3A_443 : vector<32x128xi32>
    %max3A_455 = arith.maxsi %min3A_438, %max3A_443 : vector<32x128xi32>
    %min3A_456 = arith.minsi %max3A_439, %min3A_442 : vector<32x128xi32>
    %max3A_457 = arith.maxsi %max3A_439, %min3A_442 : vector<32x128xi32>
    %min3A_458 = arith.minsi %min3A_440, %max3A_445 : vector<32x128xi32>
    %max3A_459 = arith.maxsi %min3A_440, %max3A_445 : vector<32x128xi32>
    %min3A_460 = arith.minsi %max3A_441, %min3A_444 : vector<32x128xi32>
    %max3A_461 = arith.maxsi %max3A_441, %min3A_444 : vector<32x128xi32>
    %min3A_462 = arith.minsi %min3A_446, %max3A_451 : vector<32x128xi32>
    %max3A_463 = arith.maxsi %min3A_446, %max3A_451 : vector<32x128xi32>
    %min3A_464 = arith.minsi %max3A_447, %min3A_450 : vector<32x128xi32>
    %max3A_465 = arith.maxsi %max3A_447, %min3A_450 : vector<32x128xi32>
    %min3A_466 = arith.minsi %min3A_448, %max3A_453 : vector<32x128xi32>
    %max3A_467 = arith.maxsi %min3A_448, %max3A_453 : vector<32x128xi32>
    %min3A_468 = arith.minsi %max3A_449, %min3A_452 : vector<32x128xi32>
    %max3A_469 = arith.maxsi %max3A_449, %min3A_452 : vector<32x128xi32>
    %min3A_470 = arith.minsi %min3A_454, %min3A_458 : vector<32x128xi32>
    %max3A_471 = arith.maxsi %min3A_454, %min3A_458 : vector<32x128xi32>
    %min3A_472 = arith.minsi %min3A_456, %min3A_460 : vector<32x128xi32>
    %max3A_473 = arith.maxsi %min3A_456, %min3A_460 : vector<32x128xi32>
    %min3A_474 = arith.minsi %max3A_455, %max3A_459 : vector<32x128xi32>
    %max3A_475 = arith.maxsi %max3A_455, %max3A_459 : vector<32x128xi32>
    %min3A_476 = arith.minsi %max3A_457, %max3A_461 : vector<32x128xi32>
    %max3A_477 = arith.maxsi %max3A_457, %max3A_461 : vector<32x128xi32>
    %min3A_478 = arith.minsi %max3A_463, %max3A_467 : vector<32x128xi32>
    %max3A_479 = arith.maxsi %max3A_463, %max3A_467 : vector<32x128xi32>
    %min3A_480 = arith.minsi %max3A_465, %max3A_469 : vector<32x128xi32>
    %max3A_481 = arith.maxsi %max3A_465, %max3A_469 : vector<32x128xi32>
    %min3A_482 = arith.minsi %min3A_462, %min3A_466 : vector<32x128xi32>
    %max3A_483 = arith.maxsi %min3A_462, %min3A_466 : vector<32x128xi32>
    %min3A_484 = arith.minsi %min3A_464, %min3A_468 : vector<32x128xi32>
    %max3A_485 = arith.maxsi %min3A_464, %min3A_468 : vector<32x128xi32>
    %min3A_486 = arith.minsi %min3A_470, %min3A_472 : vector<32x128xi32>
    %max3A_487 = arith.maxsi %min3A_470, %min3A_472 : vector<32x128xi32>
    %min3A_488 = arith.minsi %max3A_471, %max3A_473 : vector<32x128xi32>
    %max3A_489 = arith.maxsi %max3A_471, %max3A_473 : vector<32x128xi32>
    %min3A_490 = arith.minsi %min3A_474, %min3A_476 : vector<32x128xi32>
    %max3A_491 = arith.maxsi %min3A_474, %min3A_476 : vector<32x128xi32>
    %min3A_492 = arith.minsi %max3A_475, %max3A_477 : vector<32x128xi32>
    %max3A_493 = arith.maxsi %max3A_475, %max3A_477 : vector<32x128xi32>
    %min3A_494 = arith.minsi %max3A_479, %max3A_481 : vector<32x128xi32>
    %max3A_495 = arith.maxsi %max3A_479, %max3A_481 : vector<32x128xi32>
    %min3A_496 = arith.minsi %min3A_478, %min3A_480 : vector<32x128xi32>
    %max3A_497 = arith.maxsi %min3A_478, %min3A_480 : vector<32x128xi32>
    %min3A_498 = arith.minsi %max3A_483, %max3A_485 : vector<32x128xi32>
    %max3A_499 = arith.maxsi %max3A_483, %max3A_485 : vector<32x128xi32>
    %min3A_500 = arith.minsi %min3A_482, %min3A_484 : vector<32x128xi32>
    %max3A_501 = arith.maxsi %min3A_482, %min3A_484 : vector<32x128xi32>
    %min3A_502 = arith.minsi %min3A_486, %max3A_495 : vector<32x128xi32>
    %max3A_503 = arith.maxsi %min3A_486, %max3A_495 : vector<32x128xi32>
    %min3A_504 = arith.minsi %max3A_487, %min3A_494 : vector<32x128xi32>
    %max3A_505 = arith.maxsi %max3A_487, %min3A_494 : vector<32x128xi32>
    %min3A_506 = arith.minsi %min3A_488, %max3A_497 : vector<32x128xi32>
    %max3A_507 = arith.maxsi %min3A_488, %max3A_497 : vector<32x128xi32>
    %min3A_508 = arith.minsi %max3A_489, %min3A_496 : vector<32x128xi32>
    %max3A_509 = arith.maxsi %max3A_489, %min3A_496 : vector<32x128xi32>
    %min3A_510 = arith.minsi %min3A_490, %max3A_499 : vector<32x128xi32>
    %max3A_511 = arith.maxsi %min3A_490, %max3A_499 : vector<32x128xi32>
    %min3A_512 = arith.minsi %max3A_491, %min3A_498 : vector<32x128xi32>
    %max3A_513 = arith.maxsi %max3A_491, %min3A_498 : vector<32x128xi32>
    %min3A_514 = arith.minsi %min3A_492, %max3A_501 : vector<32x128xi32>
    %max3A_515 = arith.maxsi %min3A_492, %max3A_501 : vector<32x128xi32>
    %min3A_516 = arith.minsi %max3A_493, %min3A_500 : vector<32x128xi32>
    %max3A_517 = arith.maxsi %max3A_493, %min3A_500 : vector<32x128xi32>
    %min3A_518 = arith.minsi %min3A_502, %min3A_510 : vector<32x128xi32>
    %max3A_519 = arith.maxsi %min3A_502, %min3A_510 : vector<32x128xi32>
    %min3A_520 = arith.minsi %min3A_504, %min3A_512 : vector<32x128xi32>
    %max3A_521 = arith.maxsi %min3A_504, %min3A_512 : vector<32x128xi32>
    %min3A_522 = arith.minsi %min3A_506, %min3A_514 : vector<32x128xi32>
    %max3A_523 = arith.maxsi %min3A_506, %min3A_514 : vector<32x128xi32>
    %min3A_524 = arith.minsi %min3A_508, %min3A_516 : vector<32x128xi32>
    %max3A_525 = arith.maxsi %min3A_508, %min3A_516 : vector<32x128xi32>
    %min3A_526 = arith.minsi %max3A_503, %max3A_511 : vector<32x128xi32>
    %max3A_527 = arith.maxsi %max3A_503, %max3A_511 : vector<32x128xi32>
    %min3A_528 = arith.minsi %max3A_505, %max3A_513 : vector<32x128xi32>
    %max3A_529 = arith.maxsi %max3A_505, %max3A_513 : vector<32x128xi32>
    %min3A_530 = arith.minsi %max3A_507, %max3A_515 : vector<32x128xi32>
    %max3A_531 = arith.maxsi %max3A_507, %max3A_515 : vector<32x128xi32>
    %min3A_532 = arith.minsi %max3A_509, %max3A_517 : vector<32x128xi32>
    %max3A_533 = arith.maxsi %max3A_509, %max3A_517 : vector<32x128xi32>
    %min3A_534 = arith.minsi %min3A_518, %min3A_522 : vector<32x128xi32>
    %max3A_535 = arith.maxsi %min3A_518, %min3A_522 : vector<32x128xi32>
    %min3A_536 = arith.minsi %min3A_520, %min3A_524 : vector<32x128xi32>
    %max3A_537 = arith.maxsi %min3A_520, %min3A_524 : vector<32x128xi32>
    %min3A_538 = arith.minsi %max3A_519, %max3A_523 : vector<32x128xi32>
    %max3A_539 = arith.maxsi %max3A_519, %max3A_523 : vector<32x128xi32>
    %min3A_540 = arith.minsi %max3A_521, %max3A_525 : vector<32x128xi32>
    %max3A_541 = arith.maxsi %max3A_521, %max3A_525 : vector<32x128xi32>
    %min3A_542 = arith.minsi %min3A_526, %min3A_530 : vector<32x128xi32>
    %max3A_543 = arith.maxsi %min3A_526, %min3A_530 : vector<32x128xi32>
    %min3A_544 = arith.minsi %min3A_528, %min3A_532 : vector<32x128xi32>
    %max3A_545 = arith.maxsi %min3A_528, %min3A_532 : vector<32x128xi32>
    %min3A_546 = arith.minsi %max3A_527, %max3A_531 : vector<32x128xi32>
    %max3A_547 = arith.maxsi %max3A_527, %max3A_531 : vector<32x128xi32>
    %min3A_548 = arith.minsi %max3A_529, %max3A_533 : vector<32x128xi32>
    %max3A_549 = arith.maxsi %max3A_529, %max3A_533 : vector<32x128xi32>
    %min3A_550 = arith.minsi %min3A_534, %min3A_536 : vector<32x128xi32>
    %max3A_551 = arith.maxsi %min3A_534, %min3A_536 : vector<32x128xi32>
    %min3A_552 = arith.minsi %max3A_535, %max3A_537 : vector<32x128xi32>
    %max3A_553 = arith.maxsi %max3A_535, %max3A_537 : vector<32x128xi32>
    %min3A_554 = arith.minsi %min3A_538, %min3A_540 : vector<32x128xi32>
    %max3A_555 = arith.maxsi %min3A_538, %min3A_540 : vector<32x128xi32>
    %min3A_556 = arith.minsi %max3A_539, %max3A_541 : vector<32x128xi32>
    %max3A_557 = arith.maxsi %max3A_539, %max3A_541 : vector<32x128xi32>
    %min3A_558 = arith.minsi %min3A_542, %min3A_544 : vector<32x128xi32>
    %max3A_559 = arith.maxsi %min3A_542, %min3A_544 : vector<32x128xi32>
    %min3A_560 = arith.minsi %max3A_543, %max3A_545 : vector<32x128xi32>
    %max3A_561 = arith.maxsi %max3A_543, %max3A_545 : vector<32x128xi32>
    %min3A_562 = arith.minsi %min3A_546, %min3A_548 : vector<32x128xi32>
    %max3A_563 = arith.maxsi %min3A_546, %min3A_548 : vector<32x128xi32>
    %min3A_564 = arith.minsi %max3A_547, %max3A_549 : vector<32x128xi32>
    %max3A_565 = arith.maxsi %max3A_547, %max3A_549 : vector<32x128xi32>
    %min3A_566 = arith.minsi %slice3A_71, %slice3A_72 : vector<32x128xi32>
    %max3A_567 = arith.maxsi %slice3A_71, %slice3A_72 : vector<32x128xi32>
    %min3A_568 = arith.minsi %slice3A_73, %slice3A_74 : vector<32x128xi32>
    %max3A_569 = arith.maxsi %slice3A_73, %slice3A_74 : vector<32x128xi32>
    %min3A_570 = arith.minsi %slice3A_75, %slice3A_76 : vector<32x128xi32>
    %max3A_571 = arith.maxsi %slice3A_75, %slice3A_76 : vector<32x128xi32>
    %min3A_572 = arith.minsi %slice3A_77, %slice3A_78 : vector<32x128xi32>
    %max3A_573 = arith.maxsi %slice3A_77, %slice3A_78 : vector<32x128xi32>
    %min3A_574 = arith.minsi %slice3A_79, %slice3A_80 : vector<32x128xi32>
    %max3A_575 = arith.maxsi %slice3A_79, %slice3A_80 : vector<32x128xi32>
    %min3A_576 = arith.minsi %slice3A_81, %slice3A_82 : vector<32x128xi32>
    %max3A_577 = arith.maxsi %slice3A_81, %slice3A_82 : vector<32x128xi32>
    %min3A_578 = arith.minsi %slice3A_83, %slice3A_84 : vector<32x128xi32>
    %max3A_579 = arith.maxsi %slice3A_83, %slice3A_84 : vector<32x128xi32>
    %min3A_580 = arith.minsi %slice3A_85, %slice3A_86 : vector<32x128xi32>
    %max3A_581 = arith.maxsi %slice3A_85, %slice3A_86 : vector<32x128xi32>
    %min3A_582 = arith.minsi %min3A_566, %max3A_569 : vector<32x128xi32>
    %max3A_583 = arith.maxsi %min3A_566, %max3A_569 : vector<32x128xi32>
    %min3A_584 = arith.minsi %max3A_567, %min3A_568 : vector<32x128xi32>
    %max3A_585 = arith.maxsi %max3A_567, %min3A_568 : vector<32x128xi32>
    %min3A_586 = arith.minsi %min3A_570, %max3A_573 : vector<32x128xi32>
    %max3A_587 = arith.maxsi %min3A_570, %max3A_573 : vector<32x128xi32>
    %min3A_588 = arith.minsi %max3A_571, %min3A_572 : vector<32x128xi32>
    %max3A_589 = arith.maxsi %max3A_571, %min3A_572 : vector<32x128xi32>
    %min3A_590 = arith.minsi %min3A_574, %max3A_577 : vector<32x128xi32>
    %max3A_591 = arith.maxsi %min3A_574, %max3A_577 : vector<32x128xi32>
    %min3A_592 = arith.minsi %max3A_575, %min3A_576 : vector<32x128xi32>
    %max3A_593 = arith.maxsi %max3A_575, %min3A_576 : vector<32x128xi32>
    %min3A_594 = arith.minsi %min3A_578, %max3A_581 : vector<32x128xi32>
    %max3A_595 = arith.maxsi %min3A_578, %max3A_581 : vector<32x128xi32>
    %min3A_596 = arith.minsi %max3A_579, %min3A_580 : vector<32x128xi32>
    %max3A_597 = arith.maxsi %max3A_579, %min3A_580 : vector<32x128xi32>
    %min3A_598 = arith.minsi %min3A_582, %min3A_584 : vector<32x128xi32>
    %max3A_599 = arith.maxsi %min3A_582, %min3A_584 : vector<32x128xi32>
    %min3A_600 = arith.minsi %max3A_583, %max3A_585 : vector<32x128xi32>
    %max3A_601 = arith.maxsi %max3A_583, %max3A_585 : vector<32x128xi32>
    %min3A_602 = arith.minsi %max3A_587, %max3A_589 : vector<32x128xi32>
    %max3A_603 = arith.maxsi %max3A_587, %max3A_589 : vector<32x128xi32>
    %min3A_604 = arith.minsi %min3A_586, %min3A_588 : vector<32x128xi32>
    %max3A_605 = arith.maxsi %min3A_586, %min3A_588 : vector<32x128xi32>
    %min3A_606 = arith.minsi %min3A_590, %min3A_592 : vector<32x128xi32>
    %max3A_607 = arith.maxsi %min3A_590, %min3A_592 : vector<32x128xi32>
    %min3A_608 = arith.minsi %max3A_591, %max3A_593 : vector<32x128xi32>
    %max3A_609 = arith.maxsi %max3A_591, %max3A_593 : vector<32x128xi32>
    %min3A_610 = arith.minsi %max3A_595, %max3A_597 : vector<32x128xi32>
    %max3A_611 = arith.maxsi %max3A_595, %max3A_597 : vector<32x128xi32>
    %min3A_612 = arith.minsi %min3A_594, %min3A_596 : vector<32x128xi32>
    %max3A_613 = arith.maxsi %min3A_594, %min3A_596 : vector<32x128xi32>
    %min3A_614 = arith.minsi %min3A_598, %max3A_603 : vector<32x128xi32>
    %max3A_615 = arith.maxsi %min3A_598, %max3A_603 : vector<32x128xi32>
    %min3A_616 = arith.minsi %max3A_599, %min3A_602 : vector<32x128xi32>
    %max3A_617 = arith.maxsi %max3A_599, %min3A_602 : vector<32x128xi32>
    %min3A_618 = arith.minsi %min3A_600, %max3A_605 : vector<32x128xi32>
    %max3A_619 = arith.maxsi %min3A_600, %max3A_605 : vector<32x128xi32>
    %min3A_620 = arith.minsi %max3A_601, %min3A_604 : vector<32x128xi32>
    %max3A_621 = arith.maxsi %max3A_601, %min3A_604 : vector<32x128xi32>
    %min3A_622 = arith.minsi %min3A_606, %max3A_611 : vector<32x128xi32>
    %max3A_623 = arith.maxsi %min3A_606, %max3A_611 : vector<32x128xi32>
    %min3A_624 = arith.minsi %max3A_607, %min3A_610 : vector<32x128xi32>
    %max3A_625 = arith.maxsi %max3A_607, %min3A_610 : vector<32x128xi32>
    %min3A_626 = arith.minsi %min3A_608, %max3A_613 : vector<32x128xi32>
    %max3A_627 = arith.maxsi %min3A_608, %max3A_613 : vector<32x128xi32>
    %min3A_628 = arith.minsi %max3A_609, %min3A_612 : vector<32x128xi32>
    %max3A_629 = arith.maxsi %max3A_609, %min3A_612 : vector<32x128xi32>
    %min3A_630 = arith.minsi %min3A_614, %min3A_618 : vector<32x128xi32>
    %max3A_631 = arith.maxsi %min3A_614, %min3A_618 : vector<32x128xi32>
    %min3A_632 = arith.minsi %min3A_616, %min3A_620 : vector<32x128xi32>
    %max3A_633 = arith.maxsi %min3A_616, %min3A_620 : vector<32x128xi32>
    %min3A_634 = arith.minsi %max3A_615, %max3A_619 : vector<32x128xi32>
    %max3A_635 = arith.maxsi %max3A_615, %max3A_619 : vector<32x128xi32>
    %min3A_636 = arith.minsi %max3A_617, %max3A_621 : vector<32x128xi32>
    %max3A_637 = arith.maxsi %max3A_617, %max3A_621 : vector<32x128xi32>
    %min3A_638 = arith.minsi %max3A_623, %max3A_627 : vector<32x128xi32>
    %max3A_639 = arith.maxsi %max3A_623, %max3A_627 : vector<32x128xi32>
    %min3A_640 = arith.minsi %max3A_625, %max3A_629 : vector<32x128xi32>
    %max3A_641 = arith.maxsi %max3A_625, %max3A_629 : vector<32x128xi32>
    %min3A_642 = arith.minsi %min3A_622, %min3A_626 : vector<32x128xi32>
    %max3A_643 = arith.maxsi %min3A_622, %min3A_626 : vector<32x128xi32>
    %min3A_644 = arith.minsi %min3A_624, %min3A_628 : vector<32x128xi32>
    %max3A_645 = arith.maxsi %min3A_624, %min3A_628 : vector<32x128xi32>
    %min3A_646 = arith.minsi %min3A_630, %min3A_632 : vector<32x128xi32>
    %max3A_647 = arith.maxsi %min3A_630, %min3A_632 : vector<32x128xi32>
    %min3A_648 = arith.minsi %max3A_631, %max3A_633 : vector<32x128xi32>
    %max3A_649 = arith.maxsi %max3A_631, %max3A_633 : vector<32x128xi32>
    %min3A_650 = arith.minsi %min3A_634, %min3A_636 : vector<32x128xi32>
    %max3A_651 = arith.maxsi %min3A_634, %min3A_636 : vector<32x128xi32>
    %min3A_652 = arith.minsi %max3A_635, %max3A_637 : vector<32x128xi32>
    %max3A_653 = arith.maxsi %max3A_635, %max3A_637 : vector<32x128xi32>
    %min3A_654 = arith.minsi %max3A_639, %max3A_641 : vector<32x128xi32>
    %max3A_655 = arith.maxsi %max3A_639, %max3A_641 : vector<32x128xi32>
    %min3A_656 = arith.minsi %min3A_638, %min3A_640 : vector<32x128xi32>
    %max3A_657 = arith.maxsi %min3A_638, %min3A_640 : vector<32x128xi32>
    %min3A_658 = arith.minsi %max3A_643, %max3A_645 : vector<32x128xi32>
    %max3A_659 = arith.maxsi %max3A_643, %max3A_645 : vector<32x128xi32>
    %min3A_660 = arith.minsi %min3A_642, %min3A_644 : vector<32x128xi32>
    %max3A_661 = arith.maxsi %min3A_642, %min3A_644 : vector<32x128xi32>
    %min3A_662 = arith.minsi %min3A_646, %max3A_655 : vector<32x128xi32>
    %max3A_663 = arith.maxsi %min3A_646, %max3A_655 : vector<32x128xi32>
    %min3A_664 = arith.minsi %max3A_647, %min3A_654 : vector<32x128xi32>
    %max3A_665 = arith.maxsi %max3A_647, %min3A_654 : vector<32x128xi32>
    %min3A_666 = arith.minsi %min3A_648, %max3A_657 : vector<32x128xi32>
    %max3A_667 = arith.maxsi %min3A_648, %max3A_657 : vector<32x128xi32>
    %min3A_668 = arith.minsi %max3A_649, %min3A_656 : vector<32x128xi32>
    %max3A_669 = arith.maxsi %max3A_649, %min3A_656 : vector<32x128xi32>
    %min3A_670 = arith.minsi %min3A_650, %max3A_659 : vector<32x128xi32>
    %max3A_671 = arith.maxsi %min3A_650, %max3A_659 : vector<32x128xi32>
    %min3A_672 = arith.minsi %max3A_651, %min3A_658 : vector<32x128xi32>
    %max3A_673 = arith.maxsi %max3A_651, %min3A_658 : vector<32x128xi32>
    %min3A_674 = arith.minsi %min3A_652, %max3A_661 : vector<32x128xi32>
    %max3A_675 = arith.maxsi %min3A_652, %max3A_661 : vector<32x128xi32>
    %min3A_676 = arith.minsi %max3A_653, %min3A_660 : vector<32x128xi32>
    %max3A_677 = arith.maxsi %max3A_653, %min3A_660 : vector<32x128xi32>
    %min3A_678 = arith.minsi %min3A_662, %min3A_670 : vector<32x128xi32>
    %max3A_679 = arith.maxsi %min3A_662, %min3A_670 : vector<32x128xi32>
    %min3A_680 = arith.minsi %min3A_664, %min3A_672 : vector<32x128xi32>
    %max3A_681 = arith.maxsi %min3A_664, %min3A_672 : vector<32x128xi32>
    %min3A_682 = arith.minsi %min3A_666, %min3A_674 : vector<32x128xi32>
    %max3A_683 = arith.maxsi %min3A_666, %min3A_674 : vector<32x128xi32>
    %min3A_684 = arith.minsi %min3A_668, %min3A_676 : vector<32x128xi32>
    %max3A_685 = arith.maxsi %min3A_668, %min3A_676 : vector<32x128xi32>
    %min3A_686 = arith.minsi %max3A_663, %max3A_671 : vector<32x128xi32>
    %max3A_687 = arith.maxsi %max3A_663, %max3A_671 : vector<32x128xi32>
    %min3A_688 = arith.minsi %max3A_665, %max3A_673 : vector<32x128xi32>
    %max3A_689 = arith.maxsi %max3A_665, %max3A_673 : vector<32x128xi32>
    %min3A_690 = arith.minsi %max3A_667, %max3A_675 : vector<32x128xi32>
    %max3A_691 = arith.maxsi %max3A_667, %max3A_675 : vector<32x128xi32>
    %min3A_692 = arith.minsi %max3A_669, %max3A_677 : vector<32x128xi32>
    %max3A_693 = arith.maxsi %max3A_669, %max3A_677 : vector<32x128xi32>
    %min3A_694 = arith.minsi %min3A_678, %min3A_682 : vector<32x128xi32>
    %max3A_695 = arith.maxsi %min3A_678, %min3A_682 : vector<32x128xi32>
    %min3A_696 = arith.minsi %min3A_680, %min3A_684 : vector<32x128xi32>
    %max3A_697 = arith.maxsi %min3A_680, %min3A_684 : vector<32x128xi32>
    %min3A_698 = arith.minsi %max3A_679, %max3A_683 : vector<32x128xi32>
    %max3A_699 = arith.maxsi %max3A_679, %max3A_683 : vector<32x128xi32>
    %min3A_700 = arith.minsi %max3A_681, %max3A_685 : vector<32x128xi32>
    %max3A_701 = arith.maxsi %max3A_681, %max3A_685 : vector<32x128xi32>
    %min3A_702 = arith.minsi %min3A_686, %min3A_690 : vector<32x128xi32>
    %max3A_703 = arith.maxsi %min3A_686, %min3A_690 : vector<32x128xi32>
    %min3A_704 = arith.minsi %min3A_688, %min3A_692 : vector<32x128xi32>
    %max3A_705 = arith.maxsi %min3A_688, %min3A_692 : vector<32x128xi32>
    %min3A_706 = arith.minsi %max3A_687, %max3A_691 : vector<32x128xi32>
    %max3A_707 = arith.maxsi %max3A_687, %max3A_691 : vector<32x128xi32>
    %min3A_708 = arith.minsi %max3A_689, %max3A_693 : vector<32x128xi32>
    %max3A_709 = arith.maxsi %max3A_689, %max3A_693 : vector<32x128xi32>
    %min3A_710 = arith.minsi %min3A_694, %min3A_696 : vector<32x128xi32>
    %max3A_711 = arith.maxsi %min3A_694, %min3A_696 : vector<32x128xi32>
    %min3A_712 = arith.minsi %max3A_695, %max3A_697 : vector<32x128xi32>
    %max3A_713 = arith.maxsi %max3A_695, %max3A_697 : vector<32x128xi32>
    %min3A_714 = arith.minsi %min3A_698, %min3A_700 : vector<32x128xi32>
    %max3A_715 = arith.maxsi %min3A_698, %min3A_700 : vector<32x128xi32>
    %min3A_716 = arith.minsi %max3A_699, %max3A_701 : vector<32x128xi32>
    %max3A_717 = arith.maxsi %max3A_699, %max3A_701 : vector<32x128xi32>
    %min3A_718 = arith.minsi %min3A_702, %min3A_704 : vector<32x128xi32>
    %max3A_719 = arith.maxsi %min3A_702, %min3A_704 : vector<32x128xi32>
    %min3A_720 = arith.minsi %max3A_703, %max3A_705 : vector<32x128xi32>
    %max3A_721 = arith.maxsi %max3A_703, %max3A_705 : vector<32x128xi32>
    %min3A_722 = arith.minsi %min3A_706, %min3A_708 : vector<32x128xi32>
    %max3A_723 = arith.maxsi %min3A_706, %min3A_708 : vector<32x128xi32>
    %min3A_724 = arith.minsi %max3A_707, %max3A_709 : vector<32x128xi32>
    %max3A_725 = arith.maxsi %max3A_707, %max3A_709 : vector<32x128xi32>
    %min3A_726 = arith.minsi %min3A_230, %max3A_405 : vector<32x128xi32>
    %min3A_727 = arith.minsi %max3A_231, %min3A_404 : vector<32x128xi32>
    %min3A_728 = arith.minsi %min3A_232, %max3A_403 : vector<32x128xi32>
    %min3A_729 = arith.minsi %max3A_233, %min3A_402 : vector<32x128xi32>
    %min3A_730 = arith.minsi %min3A_234, %max3A_401 : vector<32x128xi32>
    %min3A_731 = arith.minsi %max3A_235, %min3A_400 : vector<32x128xi32>
    %min3A_732 = arith.minsi %min3A_236, %max3A_399 : vector<32x128xi32>
    %min3A_733 = arith.minsi %max3A_237, %min3A_398 : vector<32x128xi32>
    %min3A_734 = arith.minsi %min3A_238, %max3A_397 : vector<32x128xi32>
    %min3A_735 = arith.minsi %max3A_239, %min3A_396 : vector<32x128xi32>
    %min3A_736 = arith.minsi %min3A_240, %max3A_395 : vector<32x128xi32>
    %min3A_737 = arith.minsi %max3A_241, %min3A_394 : vector<32x128xi32>
    %min3A_738 = arith.minsi %min3A_242, %max3A_393 : vector<32x128xi32>
    %min3A_739 = arith.minsi %max3A_243, %min3A_392 : vector<32x128xi32>
    %min3A_740 = arith.minsi %min3A_244, %max3A_391 : vector<32x128xi32>
    %min3A_741 = arith.minsi %max3A_245, %min3A_390 : vector<32x128xi32>
    %min3A_742 = arith.minsi %min3A_726, %min3A_734 : vector<32x128xi32>
    %max3A_743 = arith.maxsi %min3A_726, %min3A_734 : vector<32x128xi32>
    %min3A_744 = arith.minsi %min3A_727, %min3A_735 : vector<32x128xi32>
    %max3A_745 = arith.maxsi %min3A_727, %min3A_735 : vector<32x128xi32>
    %min3A_746 = arith.minsi %min3A_728, %min3A_736 : vector<32x128xi32>
    %max3A_747 = arith.maxsi %min3A_728, %min3A_736 : vector<32x128xi32>
    %min3A_748 = arith.minsi %min3A_729, %min3A_737 : vector<32x128xi32>
    %max3A_749 = arith.maxsi %min3A_729, %min3A_737 : vector<32x128xi32>
    %min3A_750 = arith.minsi %min3A_730, %min3A_738 : vector<32x128xi32>
    %max3A_751 = arith.maxsi %min3A_730, %min3A_738 : vector<32x128xi32>
    %min3A_752 = arith.minsi %min3A_731, %min3A_739 : vector<32x128xi32>
    %max3A_753 = arith.maxsi %min3A_731, %min3A_739 : vector<32x128xi32>
    %min3A_754 = arith.minsi %min3A_732, %min3A_740 : vector<32x128xi32>
    %max3A_755 = arith.maxsi %min3A_732, %min3A_740 : vector<32x128xi32>
    %min3A_756 = arith.minsi %min3A_733, %min3A_741 : vector<32x128xi32>
    %max3A_757 = arith.maxsi %min3A_733, %min3A_741 : vector<32x128xi32>
    %min3A_758 = arith.minsi %min3A_742, %min3A_750 : vector<32x128xi32>
    %max3A_759 = arith.maxsi %min3A_742, %min3A_750 : vector<32x128xi32>
    %min3A_760 = arith.minsi %min3A_744, %min3A_752 : vector<32x128xi32>
    %max3A_761 = arith.maxsi %min3A_744, %min3A_752 : vector<32x128xi32>
    %min3A_762 = arith.minsi %min3A_746, %min3A_754 : vector<32x128xi32>
    %max3A_763 = arith.maxsi %min3A_746, %min3A_754 : vector<32x128xi32>
    %min3A_764 = arith.minsi %min3A_748, %min3A_756 : vector<32x128xi32>
    %max3A_765 = arith.maxsi %min3A_748, %min3A_756 : vector<32x128xi32>
    %min3A_766 = arith.minsi %max3A_743, %max3A_751 : vector<32x128xi32>
    %max3A_767 = arith.maxsi %max3A_743, %max3A_751 : vector<32x128xi32>
    %min3A_768 = arith.minsi %max3A_745, %max3A_753 : vector<32x128xi32>
    %max3A_769 = arith.maxsi %max3A_745, %max3A_753 : vector<32x128xi32>
    %min3A_770 = arith.minsi %max3A_747, %max3A_755 : vector<32x128xi32>
    %max3A_771 = arith.maxsi %max3A_747, %max3A_755 : vector<32x128xi32>
    %min3A_772 = arith.minsi %max3A_749, %max3A_757 : vector<32x128xi32>
    %max3A_773 = arith.maxsi %max3A_749, %max3A_757 : vector<32x128xi32>
    %min3A_774 = arith.minsi %min3A_758, %min3A_762 : vector<32x128xi32>
    %max3A_775 = arith.maxsi %min3A_758, %min3A_762 : vector<32x128xi32>
    %min3A_776 = arith.minsi %min3A_760, %min3A_764 : vector<32x128xi32>
    %max3A_777 = arith.maxsi %min3A_760, %min3A_764 : vector<32x128xi32>
    %min3A_778 = arith.minsi %max3A_759, %max3A_763 : vector<32x128xi32>
    %max3A_779 = arith.maxsi %max3A_759, %max3A_763 : vector<32x128xi32>
    %min3A_780 = arith.minsi %max3A_761, %max3A_765 : vector<32x128xi32>
    %max3A_781 = arith.maxsi %max3A_761, %max3A_765 : vector<32x128xi32>
    %min3A_782 = arith.minsi %min3A_766, %min3A_770 : vector<32x128xi32>
    %max3A_783 = arith.maxsi %min3A_766, %min3A_770 : vector<32x128xi32>
    %min3A_784 = arith.minsi %min3A_768, %min3A_772 : vector<32x128xi32>
    %max3A_785 = arith.maxsi %min3A_768, %min3A_772 : vector<32x128xi32>
    %min3A_786 = arith.minsi %max3A_767, %max3A_771 : vector<32x128xi32>
    %max3A_787 = arith.maxsi %max3A_767, %max3A_771 : vector<32x128xi32>
    %min3A_788 = arith.minsi %max3A_769, %max3A_773 : vector<32x128xi32>
    %max3A_789 = arith.maxsi %max3A_769, %max3A_773 : vector<32x128xi32>
    %min3A_790 = arith.minsi %min3A_774, %min3A_776 : vector<32x128xi32>
    %max3A_791 = arith.maxsi %min3A_774, %min3A_776 : vector<32x128xi32>
    %min3A_792 = arith.minsi %max3A_775, %max3A_777 : vector<32x128xi32>
    %max3A_793 = arith.maxsi %max3A_775, %max3A_777 : vector<32x128xi32>
    %min3A_794 = arith.minsi %min3A_778, %min3A_780 : vector<32x128xi32>
    %max3A_795 = arith.maxsi %min3A_778, %min3A_780 : vector<32x128xi32>
    %min3A_796 = arith.minsi %max3A_779, %max3A_781 : vector<32x128xi32>
    %max3A_797 = arith.maxsi %max3A_779, %max3A_781 : vector<32x128xi32>
    %min3A_798 = arith.minsi %min3A_782, %min3A_784 : vector<32x128xi32>
    %max3A_799 = arith.maxsi %min3A_782, %min3A_784 : vector<32x128xi32>
    %min3A_800 = arith.minsi %max3A_783, %max3A_785 : vector<32x128xi32>
    %max3A_801 = arith.maxsi %max3A_783, %max3A_785 : vector<32x128xi32>
    %min3A_802 = arith.minsi %min3A_786, %min3A_788 : vector<32x128xi32>
    %max3A_803 = arith.maxsi %min3A_786, %min3A_788 : vector<32x128xi32>
    %min3A_804 = arith.minsi %max3A_787, %max3A_789 : vector<32x128xi32>
    %max3A_805 = arith.maxsi %max3A_787, %max3A_789 : vector<32x128xi32>
    %min3A_806 = arith.minsi %min3A_550, %max3A_725 : vector<32x128xi32>
    %min3A_807 = arith.minsi %max3A_551, %min3A_724 : vector<32x128xi32>
    %min3A_808 = arith.minsi %min3A_552, %max3A_723 : vector<32x128xi32>
    %min3A_809 = arith.minsi %max3A_553, %min3A_722 : vector<32x128xi32>
    %min3A_810 = arith.minsi %min3A_554, %max3A_721 : vector<32x128xi32>
    %min3A_811 = arith.minsi %max3A_555, %min3A_720 : vector<32x128xi32>
    %min3A_812 = arith.minsi %min3A_556, %max3A_719 : vector<32x128xi32>
    %min3A_813 = arith.minsi %max3A_557, %min3A_718 : vector<32x128xi32>
    %min3A_814 = arith.minsi %min3A_558, %max3A_717 : vector<32x128xi32>
    %min3A_815 = arith.minsi %max3A_559, %min3A_716 : vector<32x128xi32>
    %min3A_816 = arith.minsi %min3A_560, %max3A_715 : vector<32x128xi32>
    %min3A_817 = arith.minsi %max3A_561, %min3A_714 : vector<32x128xi32>
    %min3A_818 = arith.minsi %min3A_562, %max3A_713 : vector<32x128xi32>
    %min3A_819 = arith.minsi %max3A_563, %min3A_712 : vector<32x128xi32>
    %min3A_820 = arith.minsi %min3A_564, %max3A_711 : vector<32x128xi32>
    %min3A_821 = arith.minsi %max3A_565, %min3A_710 : vector<32x128xi32>
    %min3A_822 = arith.minsi %min3A_806, %min3A_814 : vector<32x128xi32>
    %max3A_823 = arith.maxsi %min3A_806, %min3A_814 : vector<32x128xi32>
    %min3A_824 = arith.minsi %min3A_807, %min3A_815 : vector<32x128xi32>
    %max3A_825 = arith.maxsi %min3A_807, %min3A_815 : vector<32x128xi32>
    %min3A_826 = arith.minsi %min3A_808, %min3A_816 : vector<32x128xi32>
    %max3A_827 = arith.maxsi %min3A_808, %min3A_816 : vector<32x128xi32>
    %min3A_828 = arith.minsi %min3A_809, %min3A_817 : vector<32x128xi32>
    %max3A_829 = arith.maxsi %min3A_809, %min3A_817 : vector<32x128xi32>
    %min3A_830 = arith.minsi %min3A_810, %min3A_818 : vector<32x128xi32>
    %max3A_831 = arith.maxsi %min3A_810, %min3A_818 : vector<32x128xi32>
    %min3A_832 = arith.minsi %min3A_811, %min3A_819 : vector<32x128xi32>
    %max3A_833 = arith.maxsi %min3A_811, %min3A_819 : vector<32x128xi32>
    %min3A_834 = arith.minsi %min3A_812, %min3A_820 : vector<32x128xi32>
    %max3A_835 = arith.maxsi %min3A_812, %min3A_820 : vector<32x128xi32>
    %min3A_836 = arith.minsi %min3A_813, %min3A_821 : vector<32x128xi32>
    %max3A_837 = arith.maxsi %min3A_813, %min3A_821 : vector<32x128xi32>
    %min3A_838 = arith.minsi %min3A_822, %min3A_830 : vector<32x128xi32>
    %max3A_839 = arith.maxsi %min3A_822, %min3A_830 : vector<32x128xi32>
    %min3A_840 = arith.minsi %min3A_824, %min3A_832 : vector<32x128xi32>
    %max3A_841 = arith.maxsi %min3A_824, %min3A_832 : vector<32x128xi32>
    %min3A_842 = arith.minsi %min3A_826, %min3A_834 : vector<32x128xi32>
    %max3A_843 = arith.maxsi %min3A_826, %min3A_834 : vector<32x128xi32>
    %min3A_844 = arith.minsi %min3A_828, %min3A_836 : vector<32x128xi32>
    %max3A_845 = arith.maxsi %min3A_828, %min3A_836 : vector<32x128xi32>
    %min3A_846 = arith.minsi %max3A_823, %max3A_831 : vector<32x128xi32>
    %max3A_847 = arith.maxsi %max3A_823, %max3A_831 : vector<32x128xi32>
    %min3A_848 = arith.minsi %max3A_825, %max3A_833 : vector<32x128xi32>
    %max3A_849 = arith.maxsi %max3A_825, %max3A_833 : vector<32x128xi32>
    %min3A_850 = arith.minsi %max3A_827, %max3A_835 : vector<32x128xi32>
    %max3A_851 = arith.maxsi %max3A_827, %max3A_835 : vector<32x128xi32>
    %min3A_852 = arith.minsi %max3A_829, %max3A_837 : vector<32x128xi32>
    %max3A_853 = arith.maxsi %max3A_829, %max3A_837 : vector<32x128xi32>
    %min3A_854 = arith.minsi %min3A_838, %min3A_842 : vector<32x128xi32>
    %max3A_855 = arith.maxsi %min3A_838, %min3A_842 : vector<32x128xi32>
    %min3A_856 = arith.minsi %min3A_840, %min3A_844 : vector<32x128xi32>
    %max3A_857 = arith.maxsi %min3A_840, %min3A_844 : vector<32x128xi32>
    %min3A_858 = arith.minsi %max3A_839, %max3A_843 : vector<32x128xi32>
    %max3A_859 = arith.maxsi %max3A_839, %max3A_843 : vector<32x128xi32>
    %min3A_860 = arith.minsi %max3A_841, %max3A_845 : vector<32x128xi32>
    %max3A_861 = arith.maxsi %max3A_841, %max3A_845 : vector<32x128xi32>
    %min3A_862 = arith.minsi %min3A_846, %min3A_850 : vector<32x128xi32>
    %max3A_863 = arith.maxsi %min3A_846, %min3A_850 : vector<32x128xi32>
    %min3A_864 = arith.minsi %min3A_848, %min3A_852 : vector<32x128xi32>
    %max3A_865 = arith.maxsi %min3A_848, %min3A_852 : vector<32x128xi32>
    %min3A_866 = arith.minsi %max3A_847, %max3A_851 : vector<32x128xi32>
    %max3A_867 = arith.maxsi %max3A_847, %max3A_851 : vector<32x128xi32>
    %min3A_868 = arith.minsi %max3A_849, %max3A_853 : vector<32x128xi32>
    %max3A_869 = arith.maxsi %max3A_849, %max3A_853 : vector<32x128xi32>
    %min3A_870 = arith.minsi %min3A_854, %min3A_856 : vector<32x128xi32>
    %max3A_871 = arith.maxsi %min3A_854, %min3A_856 : vector<32x128xi32>
    %min3A_872 = arith.minsi %max3A_855, %max3A_857 : vector<32x128xi32>
    %max3A_873 = arith.maxsi %max3A_855, %max3A_857 : vector<32x128xi32>
    %min3A_874 = arith.minsi %min3A_858, %min3A_860 : vector<32x128xi32>
    %max3A_875 = arith.maxsi %min3A_858, %min3A_860 : vector<32x128xi32>
    %min3A_876 = arith.minsi %max3A_859, %max3A_861 : vector<32x128xi32>
    %max3A_877 = arith.maxsi %max3A_859, %max3A_861 : vector<32x128xi32>
    %min3A_878 = arith.minsi %min3A_862, %min3A_864 : vector<32x128xi32>
    %max3A_879 = arith.maxsi %min3A_862, %min3A_864 : vector<32x128xi32>
    %min3A_880 = arith.minsi %max3A_863, %max3A_865 : vector<32x128xi32>
    %max3A_881 = arith.maxsi %max3A_863, %max3A_865 : vector<32x128xi32>
    %min3A_882 = arith.minsi %min3A_866, %min3A_868 : vector<32x128xi32>
    %max3A_883 = arith.maxsi %min3A_866, %min3A_868 : vector<32x128xi32>
    %min3A_884 = arith.minsi %max3A_867, %max3A_869 : vector<32x128xi32>
    %max3A_885 = arith.maxsi %max3A_867, %max3A_869 : vector<32x128xi32>
    %min3A_886 = arith.minsi %min3A_790, %max3A_885 : vector<32x128xi32>
    %min3A_887 = arith.minsi %max3A_791, %min3A_884 : vector<32x128xi32>
    %min3A_888 = arith.minsi %min3A_792, %max3A_883 : vector<32x128xi32>
    %min3A_889 = arith.minsi %max3A_793, %min3A_882 : vector<32x128xi32>
    %min3A_890 = arith.minsi %min3A_794, %max3A_881 : vector<32x128xi32>
    %min3A_891 = arith.minsi %max3A_795, %min3A_880 : vector<32x128xi32>
    %min3A_892 = arith.minsi %min3A_796, %max3A_879 : vector<32x128xi32>
    %min3A_893 = arith.minsi %max3A_797, %min3A_878 : vector<32x128xi32>
    %min3A_894 = arith.minsi %min3A_798, %max3A_877 : vector<32x128xi32>
    %min3A_895 = arith.minsi %max3A_799, %min3A_876 : vector<32x128xi32>
    %min3A_896 = arith.minsi %min3A_800, %max3A_875 : vector<32x128xi32>
    %min3A_897 = arith.minsi %max3A_801, %min3A_874 : vector<32x128xi32>
    %min3A_898 = arith.minsi %min3A_802, %max3A_873 : vector<32x128xi32>
    %min3A_899 = arith.minsi %max3A_803, %min3A_872 : vector<32x128xi32>
    %min3A_900 = arith.minsi %min3A_804, %max3A_871 : vector<32x128xi32>
    %min3A_901 = arith.minsi %max3A_805, %min3A_870 : vector<32x128xi32>
    %concatenate3A = tpu.concatenate %min3A_886, %min3A_887, %min3A_888, %min3A_889, %min3A_890, %min3A_891, %min3A_892, %min3A_893, %min3A_894, %min3A_895, %min3A_896, %min3A_897, %min3A_898, %min3A_899, %min3A_900, %min3A_901 in 1 : vector<32x128xi32>, vector<32x128xi32>, vector<32x128xi32>, vector<32x128xi32>, vector<32x128xi32>, vector<32x128xi32>, vector<32x128xi32>, vector<32x128xi32>, vector<32x128xi32>, vector<32x128xi32>, vector<32x128xi32>, vector<32x128xi32>, vector<32x128xi32>, vector<32x128xi32>, vector<32x128xi32>, vector<32x128xi32> -> vector<32x2048xi32>
    %broadcast_in_dim3A = arith.constant -1 : i32
    %broadcast_in_dim3A_902 = vector.broadcast %broadcast_in_dim3A : i32 to vector<32x1xi32>
    %gt3A = vector.broadcast %broadcast_in_dim3A_902 : vector<32x1xi32> to vector<32x2048xi32>
    %gt3A_903 = arith.cmpi sgt, %concatenate3A, %gt3A : vector<32x2048xi32>
    %jit3A = arith.constant 2147483647 : i32
    %broadcast_in_dim3A_904 = vector.broadcast %jit3A : i32 to vector<32x2048xi32>
    %select_n3A = arith.select %gt3A_903, %concatenate3A, %broadcast_in_dim3A_904 : vector<32x2048xi1>, vector<32x2048xi32>
    %reduce_min3A = arith.constant dense<2147483647> : vector<32xi32>
    %reduce_min3A_905 = vector.multi_reduction <minsi>, %select_n3A, %reduce_min3A [1] : vector<32x2048xi32> to vector<32xi32>
    %broadcast_in_dim3A_906 = vector.shape_cast %reduce_min3A_905 : vector<32xi32> to vector<32x1xi32>
    %gt3A_907 = vector.broadcast %broadcast_in_dim3A_906 : vector<32x1xi32> to vector<32x2048xi32>
    %gt3A_908 = arith.cmpi sgt, %concatenate3A, %gt3A_907 : vector<32x2048xi32>
    %jit3A_909 = arith.constant 2147483647 : i32
    %broadcast_in_dim3A_910 = vector.broadcast %jit3A_909 : i32 to vector<32x2048xi32>
    %select_n3A_911 = arith.select %gt3A_908, %concatenate3A, %broadcast_in_dim3A_910 : vector<32x2048xi1>, vector<32x2048xi32>
    %reduce_min3A_912 = arith.constant dense<2147483647> : vector<32xi32>
    %reduce_min3A_913 = vector.multi_reduction <minsi>, %select_n3A_911, %reduce_min3A_912 [1] : vector<32x2048xi32> to vector<32xi32>
    %broadcast_in_dim3A_914 = vector.shape_cast %reduce_min3A_913 : vector<32xi32> to vector<32x1xi32>
    %gt3A_915 = vector.broadcast %broadcast_in_dim3A_914 : vector<32x1xi32> to vector<32x2048xi32>
    %gt3A_916 = arith.cmpi sgt, %concatenate3A, %gt3A_915 : vector<32x2048xi32>
    %jit3A_917 = arith.constant 2147483647 : i32
    %broadcast_in_dim3A_918 = vector.broadcast %jit3A_917 : i32 to vector<32x2048xi32>
    %select_n3A_919 = arith.select %gt3A_916, %concatenate3A, %broadcast_in_dim3A_918 : vector<32x2048xi1>, vector<32x2048xi32>
    %reduce_min3A_920 = arith.constant dense<2147483647> : vector<32xi32>
    %reduce_min3A_921 = vector.multi_reduction <minsi>, %select_n3A_919, %reduce_min3A_920 [1] : vector<32x2048xi32> to vector<32xi32>
    %broadcast_in_dim3A_922 = vector.shape_cast %reduce_min3A_921 : vector<32xi32> to vector<32x1xi32>
    %gt3A_923 = vector.broadcast %broadcast_in_dim3A_922 : vector<32x1xi32> to vector<32x2048xi32>
    %gt3A_924 = arith.cmpi sgt, %concatenate3A, %gt3A_923 : vector<32x2048xi32>
    %jit3A_925 = arith.constant 2147483647 : i32
    %broadcast_in_dim3A_926 = vector.broadcast %jit3A_925 : i32 to vector<32x2048xi32>
    %select_n3A_927 = arith.select %gt3A_924, %concatenate3A, %broadcast_in_dim3A_926 : vector<32x2048xi1>, vector<32x2048xi32>
    %reduce_min3A_928 = arith.constant dense<2147483647> : vector<32xi32>
    %reduce_min3A_929 = vector.multi_reduction <minsi>, %select_n3A_927, %reduce_min3A_928 [1] : vector<32x2048xi32> to vector<32xi32>
    %broadcast_in_dim3A_930 = vector.shape_cast %reduce_min3A_929 : vector<32xi32> to vector<32x1xi32>
    %gt3A_931 = vector.broadcast %broadcast_in_dim3A_930 : vector<32x1xi32> to vector<32x2048xi32>
    %gt3A_932 = arith.cmpi sgt, %concatenate3A, %gt3A_931 : vector<32x2048xi32>
    %jit3A_933 = arith.constant 2147483647 : i32
    %broadcast_in_dim3A_934 = vector.broadcast %jit3A_933 : i32 to vector<32x2048xi32>
    %select_n3A_935 = arith.select %gt3A_932, %concatenate3A, %broadcast_in_dim3A_934 : vector<32x2048xi1>, vector<32x2048xi32>
    %reduce_min3A_936 = arith.constant dense<2147483647> : vector<32xi32>
    %reduce_min3A_937 = vector.multi_reduction <minsi>, %select_n3A_935, %reduce_min3A_936 [1] : vector<32x2048xi32> to vector<32xi32>
    %broadcast_in_dim3A_938 = vector.shape_cast %reduce_min3A_937 : vector<32xi32> to vector<32x1xi32>
    %gt3A_939 = vector.broadcast %broadcast_in_dim3A_938 : vector<32x1xi32> to vector<32x2048xi32>
    %gt3A_940 = arith.cmpi sgt, %concatenate3A, %gt3A_939 : vector<32x2048xi32>
    %jit3A_941 = arith.constant 2147483647 : i32
    %broadcast_in_dim3A_942 = vector.broadcast %jit3A_941 : i32 to vector<32x2048xi32>
    %select_n3A_943 = arith.select %gt3A_940, %concatenate3A, %broadcast_in_dim3A_942 : vector<32x2048xi1>, vector<32x2048xi32>
    %reduce_min3A_944 = arith.constant dense<2147483647> : vector<32xi32>
    %reduce_min3A_945 = vector.multi_reduction <minsi>, %select_n3A_943, %reduce_min3A_944 [1] : vector<32x2048xi32> to vector<32xi32>
    %broadcast_in_dim3A_946 = vector.shape_cast %reduce_min3A_945 : vector<32xi32> to vector<32x1xi32>
    %gt3A_947 = vector.broadcast %broadcast_in_dim3A_946 : vector<32x1xi32> to vector<32x2048xi32>
    %gt3A_948 = arith.cmpi sgt, %concatenate3A, %gt3A_947 : vector<32x2048xi32>
    %jit3A_949 = arith.constant 2147483647 : i32
    %broadcast_in_dim3A_950 = vector.broadcast %jit3A_949 : i32 to vector<32x2048xi32>
    %select_n3A_951 = arith.select %gt3A_948, %concatenate3A, %broadcast_in_dim3A_950 : vector<32x2048xi1>, vector<32x2048xi32>
    %reduce_min3A_952 = arith.constant dense<2147483647> : vector<32xi32>
    %reduce_min3A_953 = vector.multi_reduction <minsi>, %select_n3A_951, %reduce_min3A_952 [1] : vector<32x2048xi32> to vector<32xi32>
    %broadcast_in_dim3A_954 = vector.shape_cast %reduce_min3A_953 : vector<32xi32> to vector<32x1xi32>
    %gt3A_955 = vector.broadcast %broadcast_in_dim3A_954 : vector<32x1xi32> to vector<32x2048xi32>
    %gt3A_956 = arith.cmpi sgt, %concatenate3A, %gt3A_955 : vector<32x2048xi32>
    %jit3A_957 = arith.constant 2147483647 : i32
    %broadcast_in_dim3A_958 = vector.broadcast %jit3A_957 : i32 to vector<32x2048xi32>
    %select_n3A_959 = arith.select %gt3A_956, %concatenate3A, %broadcast_in_dim3A_958 : vector<32x2048xi1>, vector<32x2048xi32>
    %reduce_min3A_960 = arith.constant dense<2147483647> : vector<32xi32>
    %reduce_min3A_961 = vector.multi_reduction <minsi>, %select_n3A_959, %reduce_min3A_960 [1] : vector<32x2048xi32> to vector<32xi32>
    %broadcast_in_dim3A_962 = vector.shape_cast %reduce_min3A_961 : vector<32xi32> to vector<32x1xi32>
    %gt3A_963 = vector.broadcast %broadcast_in_dim3A_962 : vector<32x1xi32> to vector<32x2048xi32>
    %gt3A_964 = arith.cmpi sgt, %concatenate3A, %gt3A_963 : vector<32x2048xi32>
    %jit3A_965 = arith.constant 2147483647 : i32
    %broadcast_in_dim3A_966 = vector.broadcast %jit3A_965 : i32 to vector<32x2048xi32>
    %select_n3A_967 = arith.select %gt3A_964, %concatenate3A, %broadcast_in_dim3A_966 : vector<32x2048xi1>, vector<32x2048xi32>
    %reduce_min3A_968 = arith.constant dense<2147483647> : vector<32xi32>
    %reduce_min3A_969 = vector.multi_reduction <minsi>, %select_n3A_967, %reduce_min3A_968 [1] : vector<32x2048xi32> to vector<32xi32>
    %broadcast_in_dim3A_970 = vector.shape_cast %reduce_min3A_969 : vector<32xi32> to vector<32x1xi32>
    %gt3A_971 = vector.broadcast %broadcast_in_dim3A_970 : vector<32x1xi32> to vector<32x2048xi32>
    %gt3A_972 = arith.cmpi sgt, %concatenate3A, %gt3A_971 : vector<32x2048xi32>
    %jit3A_973 = arith.constant 2147483647 : i32
    %broadcast_in_dim3A_974 = vector.broadcast %jit3A_973 : i32 to vector<32x2048xi32>
    %select_n3A_975 = arith.select %gt3A_972, %concatenate3A, %broadcast_in_dim3A_974 : vector<32x2048xi1>, vector<32x2048xi32>
    %reduce_min3A_976 = arith.constant dense<2147483647> : vector<32xi32>
    %reduce_min3A_977 = vector.multi_reduction <minsi>, %select_n3A_975, %reduce_min3A_976 [1] : vector<32x2048xi32> to vector<32xi32>
    %broadcast_in_dim3A_978 = vector.shape_cast %reduce_min3A_977 : vector<32xi32> to vector<32x1xi32>
    %gt3A_979 = vector.broadcast %broadcast_in_dim3A_978 : vector<32x1xi32> to vector<32x2048xi32>
    %gt3A_980 = arith.cmpi sgt, %concatenate3A, %gt3A_979 : vector<32x2048xi32>
    %jit3A_981 = arith.constant 2147483647 : i32
    %broadcast_in_dim3A_982 = vector.broadcast %jit3A_981 : i32 to vector<32x2048xi32>
    %select_n3A_983 = arith.select %gt3A_980, %concatenate3A, %broadcast_in_dim3A_982 : vector<32x2048xi1>, vector<32x2048xi32>
    %reduce_min3A_984 = arith.constant dense<2147483647> : vector<32xi32>
    %reduce_min3A_985 = vector.multi_reduction <minsi>, %select_n3A_983, %reduce_min3A_984 [1] : vector<32x2048xi32> to vector<32xi32>
    %broadcast_in_dim3A_986 = vector.shape_cast %reduce_min3A_985 : vector<32xi32> to vector<32x1xi32>
    %gt3A_987 = vector.broadcast %broadcast_in_dim3A_986 : vector<32x1xi32> to vector<32x2048xi32>
    %gt3A_988 = arith.cmpi sgt, %concatenate3A, %gt3A_987 : vector<32x2048xi32>
    %jit3A_989 = arith.constant 2147483647 : i32
    %broadcast_in_dim3A_990 = vector.broadcast %jit3A_989 : i32 to vector<32x2048xi32>
    %select_n3A_991 = arith.select %gt3A_988, %concatenate3A, %broadcast_in_dim3A_990 : vector<32x2048xi1>, vector<32x2048xi32>
    %reduce_min3A_992 = arith.constant dense<2147483647> : vector<32xi32>
    %reduce_min3A_993 = vector.multi_reduction <minsi>, %select_n3A_991, %reduce_min3A_992 [1] : vector<32x2048xi32> to vector<32xi32>
    %broadcast_in_dim3A_994 = vector.shape_cast %reduce_min3A_993 : vector<32xi32> to vector<32x1xi32>
    %gt3A_995 = vector.broadcast %broadcast_in_dim3A_994 : vector<32x1xi32> to vector<32x2048xi32>
    %gt3A_996 = arith.cmpi sgt, %concatenate3A, %gt3A_995 : vector<32x2048xi32>
    %jit3A_997 = arith.constant 2147483647 : i32
    %broadcast_in_dim3A_998 = vector.broadcast %jit3A_997 : i32 to vector<32x2048xi32>
    %select_n3A_999 = arith.select %gt3A_996, %concatenate3A, %broadcast_in_dim3A_998 : vector<32x2048xi1>, vector<32x2048xi32>
    %reduce_min3A_1000 = arith.constant dense<2147483647> : vector<32xi32>
    %reduce_min3A_1001 = vector.multi_reduction <minsi>, %select_n3A_999, %reduce_min3A_1000 [1] : vector<32x2048xi32> to vector<32xi32>
    %broadcast_in_dim3A_1002 = vector.shape_cast %reduce_min3A_1001 : vector<32xi32> to vector<32x1xi32>
    %gt3A_1003 = vector.broadcast %broadcast_in_dim3A_1002 : vector<32x1xi32> to vector<32x2048xi32>
    %gt3A_1004 = arith.cmpi sgt, %concatenate3A, %gt3A_1003 : vector<32x2048xi32>
    %jit3A_1005 = arith.constant 2147483647 : i32
    %broadcast_in_dim3A_1006 = vector.broadcast %jit3A_1005 : i32 to vector<32x2048xi32>
    %select_n3A_1007 = arith.select %gt3A_1004, %concatenate3A, %broadcast_in_dim3A_1006 : vector<32x2048xi1>, vector<32x2048xi32>
    %reduce_min3A_1008 = arith.constant dense<2147483647> : vector<32xi32>
    %reduce_min3A_1009 = vector.multi_reduction <minsi>, %select_n3A_1007, %reduce_min3A_1008 [1] : vector<32x2048xi32> to vector<32xi32>
    %broadcast_in_dim3A_1010 = vector.shape_cast %reduce_min3A_1009 : vector<32xi32> to vector<32x1xi32>
    %gt3A_1011 = vector.broadcast %broadcast_in_dim3A_1010 : vector<32x1xi32> to vector<32x2048xi32>
    %gt3A_1012 = arith.cmpi sgt, %concatenate3A, %gt3A_1011 : vector<32x2048xi32>
    %jit3A_1013 = arith.constant 2147483647 : i32
    %broadcast_in_dim3A_1014 = vector.broadcast %jit3A_1013 : i32 to vector<32x2048xi32>
    %select_n3A_1015 = arith.select %gt3A_1012, %concatenate3A, %broadcast_in_dim3A_1014 : vector<32x2048xi1>, vector<32x2048xi32>
    %reduce_min3A_1016 = arith.constant dense<2147483647> : vector<32xi32>
    %reduce_min3A_1017 = vector.multi_reduction <minsi>, %select_n3A_1015, %reduce_min3A_1016 [1] : vector<32x2048xi32> to vector<32xi32>
    %broadcast_in_dim3A_1018 = vector.shape_cast %reduce_min3A_1017 : vector<32xi32> to vector<32x1xi32>
    %gt3A_1019 = vector.broadcast %broadcast_in_dim3A_1018 : vector<32x1xi32> to vector<32x2048xi32>
    %gt3A_1020 = arith.cmpi sgt, %concatenate3A, %gt3A_1019 : vector<32x2048xi32>
    %jit3A_1021 = arith.constant 2147483647 : i32
    %broadcast_in_dim3A_1022 = vector.broadcast %jit3A_1021 : i32 to vector<32x2048xi32>
    %select_n3A_1023 = arith.select %gt3A_1020, %concatenate3A, %broadcast_in_dim3A_1022 : vector<32x2048xi1>, vector<32x2048xi32>
    %reduce_min3A_1024 = arith.constant dense<2147483647> : vector<32xi32>
    %reduce_min3A_1025 = vector.multi_reduction <minsi>, %select_n3A_1023, %reduce_min3A_1024 [1] : vector<32x2048xi32> to vector<32xi32>
    %broadcast_in_dim3A_1026 = vector.shape_cast %reduce_min3A_1025 : vector<32xi32> to vector<32x1xi32>
    %concatenate3A_1027 = tpu.concatenate %broadcast_in_dim3A_906, %broadcast_in_dim3A_914, %broadcast_in_dim3A_922, %broadcast_in_dim3A_930, %broadcast_in_dim3A_938, %broadcast_in_dim3A_946, %broadcast_in_dim3A_954, %broadcast_in_dim3A_962, %broadcast_in_dim3A_970, %broadcast_in_dim3A_978, %broadcast_in_dim3A_986, %broadcast_in_dim3A_994, %broadcast_in_dim3A_1002, %broadcast_in_dim3A_1010, %broadcast_in_dim3A_1018, %broadcast_in_dim3A_1026 in 1 : vector<32x1xi32>, vector<32x1xi32>, vector<32x1xi32>, vector<32x1xi32>, vector<32x1xi32>, vector<32x1xi32>, vector<32x1xi32>, vector<32x1xi32>, vector<32x1xi32>, vector<32x1xi32>, vector<32x1xi32>, vector<32x1xi32>, vector<32x1xi32>, vector<32x1xi32>, vector<32x1xi32>, vector<32x1xi32> -> vector<32x16xi32>
    %and3A_1028 = arith.constant 8191 : i32
    %and3A_1029 = vector.broadcast %and3A_1028 : i32 to vector<32x16xi32>
    %and3A_1030 = arith.andi %concatenate3A_1027, %and3A_1029 : vector<32x16xi32>
    %mul3A_1031 = arith.constant 8192 : i32
    %mul3A_1032 = arith.muli %arg0, %mul3A_1031 : i32
    %add3A_1033 = vector.broadcast %mul3A_1032 : i32 to vector<32x16xi32>
    %add3A_1034 = arith.addi %and3A_1030, %add3A_1033 : vector<32x16xi32>
    %swap3A = arith.constant 0 : index
    %swap3A_1035 = arith.constant 0 : index
    %swap3A_1036 = arith.constant 0 : index
    %swap3A_1037 = vector.load %arg7[%swap3A, %swap3A_1035, %swap3A_1036] : memref<1x32x16xi32, #tpu.memory_space<vmem>>, vector<1x32x16xi32>
    %swap3A_1038 = vector.shape_cast %swap3A_1037 : vector<1x32x16xi32> to vector<32x16xi32>
    %swap3A_1039 = vector.shape_cast %add3A_1034 : vector<32x16xi32> to vector<1x32x16xi32>
    tpu.vector_store %arg7[%swap3A, %swap3A_1035, %swap3A_1036], %swap3A_1039 {strides = array<i32>} : memref<1x32x16xi32, #tpu.memory_space<vmem>>, vector<1x32x16xi32>,
    %get3A_1040 = arith.constant 0 : index
    %get3A_1041 = arith.constant 0 : index
    %get3A_1042 = vector.load %arg5[%get3A_1040, %get3A_1041] : memref<3x32xf32, #tpu.memory_space<vmem>>, vector<3x32xf32>
    %dot_general3A_1043 = arith.constant dense<0.000000e+00> : vector<32x32xf32>
    %dot_general3A_1044 = tpu.matmul %get3A_3, %get3A_1042, %dot_general3A_1043 {dimension_numbers = #tpu.dot_dimension_numbers<[1], [0], [0], [1], [0, 0, 1, 1], [], []>, transpose_lhs_hint = false} : vector<32x3xf32>, vector<3x32xf32>, vector<32x32xf32> -> vector<32x32xf32>
    %get3A_1045 = arith.constant 0 : index
    %get3A_1046 = arith.constant 0 : index
    %get3A_1047 = arith.constant 0 : index
    %get3A_1048 = vector.load %arg4[%get3A_1045, %get3A_1046, %get3A_1047] : memref<1x32x3xf32, #tpu.memory_space<vmem>>, vector<1x32x3xf32>
    %get3A_1049 = vector.shape_cast %get3A_1048 : vector<1x32x3xf32> to vector<32x3xf32>
    %get3A_1050 = arith.constant 0 : index
    %get3A_1051 = arith.constant 0 : index
    %get3A_1052 = vector.load %arg6[%get3A_1050, %get3A_1051] : memref<3x32xf32, #tpu.memory_space<vmem>>, vector<3x32xf32>
    %dot_general3A_1053 = arith.constant dense<0.000000e+00> : vector<32x32xf32>
    %dot_general3A_1054 = tpu.matmul %get3A_1049, %get3A_1052, %dot_general3A_1053 {dimension_numbers = #tpu.dot_dimension_numbers<[1], [0], [0], [1], [0, 0, 1, 1], [], []>, transpose_lhs_hint = false} : vector<32x3xf32>, vector<3x32xf32>, vector<32x32xf32> -> vector<32x32xf32>
    %add3A_1055 = arith.addf %dot_general3A_1044, %dot_general3A_1054 : vector<32x32xf32>
    %swap3A_1056 = arith.constant 0 : index
    %swap3A_1057 = arith.constant 0 : index
    %swap3A_1058 = arith.constant 0 : index
    %swap3A_1059 = vector.load %arg8[%swap3A_1056, %swap3A_1057, %swap3A_1058] : memref<1x32x32xf32, #tpu.memory_space<vmem>>, vector<1x32x32xf32>
    %swap3A_1060 = vector.shape_cast %swap3A_1059 : vector<1x32x32xf32> to vector<32x32xf32>
    %swap3A_1061 = vector.shape_cast %dot_general3A_1044 : vector<32x32xf32> to vector<1x32x32xf32>
    tpu.vector_store %arg8[%swap3A_1056, %swap3A_1057, %swap3A_1058], %swap3A_1061 {strides = array<i32>} : memref<1x32x32xf32, #tpu.memory_space<vmem>>, vector<1x32x32xf32>,
    %swap3A_1062 = arith.constant 0 : index
    %swap3A_1063 = arith.constant 0 : index
    %swap3A_1064 = arith.constant 0 : index
    %swap3A_1065 = vector.load %arg9[%swap3A_1062, %swap3A_1063, %swap3A_1064] : memref<1x32x32xf32, #tpu.memory_space<vmem>>, vector<1x32x32xf32>
    %swap3A_1066 = vector.shape_cast %swap3A_1065 : vector<1x32x32xf32> to vector<32x32xf32>
    %swap3A_1067 = vector.shape_cast %add3A_1055 : vector<32x32xf32> to vector<1x32x32xf32>
    tpu.vector_store %arg9[%swap3A_1062, %swap3A_1063, %swap3A_1064], %swap3A_1067 {strides = array<i32>} : memref<1x32x32xf32, #tpu.memory_space<vmem>>, vector<1x32x32xf32>,
    return
  }
  func.func @transform_0(%arg0: i32, %arg1: i32) -> (i32, i32, i32) {
    %c0_i32 = arith.constant 0 : i32
    %c0_i32_0 = arith.constant 0 : i32
    return %arg0, %arg1, %c0_i32 : i32, i32, i32
  }
  func.func @transform_1(%arg0: i32, %arg1: i32) -> (i32, i32, i32) {
    %c0_i32 = arith.constant 0 : i32
    %c0_i32_0 = arith.constant 0 : i32
    %c0_i32_1 = arith.constant 0 : i32
    return %arg0, %c0_i32, %c0_i32_0 : i32, i32, i32
  }
  func.func @transform_2(%arg0: i32, %arg1: i32) -> (i32, i32, i32) {
    %c0_i32 = arith.constant 0 : i32
    %c0_i32_0 = arith.constant 0 : i32
    return %arg0, %arg1, %c0_i32 : i32, i32, i32
  }
  func.func @transform_3(%arg0: i32, %arg1: i32) -> (i32, i32) {
    %c0_i32 = arith.constant 0 : i32
    %c0_i32_0 = arith.constant 0 : i32
    %c0_i32_1 = arith.constant 0 : i32
    return %c0_i32, %c0_i32_0 : i32, i32
  }
  func.func @transform_4(%arg0: i32, %arg1: i32) -> (i32, i32) {
    %c0_i32 = arith.constant 0 : i32
    %c0_i32_0 = arith.constant 0 : i32
    %c0_i32_1 = arith.constant 0 : i32
    return %c0_i32, %c0_i32_0 : i32, i32
  }
  func.func @transform_5(%arg0: i32, %arg1: i32) -> (i32, i32, i32) {
    %c0_i32 = arith.constant 0 : i32
    %c0_i32_0 = arith.constant 0 : i32
    return %arg0, %arg1, %c0_i32 : i32, i32, i32
  }
  func.func @transform_6(%arg0: i32, %arg1: i32) -> (i32, i32, i32) {
    %c0_i32 = arith.constant 0 : i32
    %c0_i32_0 = arith.constant 0 : i32
    return %arg0, %arg1, %c0_i32 : i32, i32, i32
  }
  func.func @transform_7(%arg0: i32, %arg1: i32) -> (i32, i32, i32) {
    %c0_i32 = arith.constant 0 : i32
    %c0_i32_0 = arith.constant 0 : i32
    return %arg0, %arg1, %c0_i32 : i32, i32, i32
  }
}

module attributes {stable_mosaic.version = 14 : i64} {
  func.func @_mlpa_body(%arg0: i32, %arg1: i32, %arg2: memref<1x2048x32xf32, #tpu.memory_space<vmem>>, %arg3: memref<1x128x32xf32, #tpu.memory_space<vmem>>, %arg4: memref<1x2048x32xf32, #tpu.memory_space<vmem>>, %arg5: memref<1x1x32xf32, #tpu.memory_space<vmem>>, %arg6: memref<1x1x32xf32, #tpu.memory_space<vmem>>) attributes {dimension_semantics = [#tpu.dimension_semantics<arbitrary>, #tpu.dimension_semantics<arbitrary>], iteration_bounds = array<i64: 2, 64>, scalar_prefetch = 0 : i64, scratch_operands = 0 : i64, tpu.core_type = #tpu.core_type<tc>, window_params = [{transform_indices = @transform_0, window_bounds = array<i64: 1, 2048, 32>}, {transform_indices = @transform_1, window_bounds = array<i64: 1, 128, 32>}, {transform_indices = @transform_2, window_bounds = array<i64: 1, 2048, 32>}, {transform_indices = @transform_3, window_bounds = array<i64: 1, 1, 32>}, {transform_indices = @transform_4, window_bounds = array<i64: 1, 1, 32>}]} {
    %get3A = arith.constant 0 : index
    %get3A_0 = arith.constant 0 : index
    %get3A_1 = arith.constant 0 : index
    %get3A_2 = vector.load %arg2[%get3A, %get3A_0, %get3A_1] : memref<1x2048x32xf32, #tpu.memory_space<vmem>>, vector<1x2048x32xf32>
    %get3A_3 = vector.shape_cast %get3A_2 : vector<1x2048x32xf32> to vector<2048x32xf32>
    %get3A_4 = arith.constant 0 : index
    %get3A_5 = arith.constant 0 : index
    %get3A_6 = arith.constant 0 : index
    %get3A_7 = vector.load %arg3[%get3A_4, %get3A_5, %get3A_6] : memref<1x128x32xf32, #tpu.memory_space<vmem>>, vector<1x128x32xf32>
    %get3A_8 = vector.shape_cast %get3A_7 : vector<1x128x32xf32> to vector<128x32xf32>
    %reshape3A = vector.shape_cast %get3A_3 : vector<2048x32xf32> to vector<128x16x32xf32>
    %broadcast_in_dim3A = vector.shape_cast %get3A_8 : vector<128x32xf32> to vector<128x1x32xf32>
    %sub3A = vector.broadcast %broadcast_in_dim3A : vector<128x1x32xf32> to vector<128x16x32xf32>
    %sub3A_9 = arith.subf %reshape3A, %sub3A : vector<128x16x32xf32>
    %reshape3A_10 = vector.shape_cast %sub3A_9 : vector<128x16x32xf32> to vector<2048x32xf32>
    %swap3A = arith.constant 0 : index
    %swap3A_11 = arith.constant 0 : index
    %swap3A_12 = arith.constant 0 : index
    %swap3A_13 = vector.load %arg4[%swap3A, %swap3A_11, %swap3A_12] : memref<1x2048x32xf32, #tpu.memory_space<vmem>>, vector<1x2048x32xf32>
    %swap3A_14 = vector.shape_cast %swap3A_13 : vector<1x2048x32xf32> to vector<2048x32xf32>
    %swap3A_15 = vector.shape_cast %reshape3A_10 : vector<2048x32xf32> to vector<1x2048x32xf32>
    tpu.vector_store %arg4[%swap3A, %swap3A_11, %swap3A_12], %swap3A_15 {strides = array<i32>} : memref<1x2048x32xf32, #tpu.memory_space<vmem>>, vector<1x2048x32xf32>,
    %eq3A = arith.constant 0 : i32
    %eq3A_16 = arith.cmpi eq, %arg1, %eq3A : i32
    %convert_element_type3A = arith.extui %eq3A_16 : i1 to i32
    %cond3A = arith.constant 0 : i32
    %cond3A_17 = arith.cmpi ne, %convert_element_type3A, %cond3A : i32
    scf.if %cond3A_17 {
      %broadcast_in_dim3A_40 = arith.constant 0.000000e+00 : f32
      %broadcast_in_dim3A_41 = vector.broadcast %broadcast_in_dim3A_40 : f32 to vector<1x1x32xf32>
      %swap3A_42 = arith.constant 0 : index
      %swap3A_43 = arith.constant 0 : index
      %swap3A_44 = arith.constant 0 : index
      %swap3A_45 = vector.load %arg5[%swap3A_42, %swap3A_43, %swap3A_44] : memref<1x1x32xf32, #tpu.memory_space<vmem>>, vector<1x1x32xf32>
      tpu.vector_store %arg5[%swap3A_42, %swap3A_43, %swap3A_44], %broadcast_in_dim3A_41 {strides = array<i32>} : memref<1x1x32xf32, #tpu.memory_space<vmem>>, vector<1x1x32xf32>,
      %broadcast_in_dim3A_46 = arith.constant 0.000000e+00 : f32
      %broadcast_in_dim3A_47 = vector.broadcast %broadcast_in_dim3A_46 : f32 to vector<1x1x32xf32>
      %swap3A_48 = arith.constant 0 : index
      %swap3A_49 = arith.constant 0 : index
      %swap3A_50 = arith.constant 0 : index
      %swap3A_51 = vector.load %arg6[%swap3A_48, %swap3A_49, %swap3A_50] : memref<1x1x32xf32, #tpu.memory_space<vmem>>, vector<1x1x32xf32>
      tpu.vector_store %arg6[%swap3A_48, %swap3A_49, %swap3A_50], %broadcast_in_dim3A_47 {strides = array<i32>} : memref<1x1x32xf32, #tpu.memory_space<vmem>>, vector<1x1x32xf32>,
    } else {
    }
    %get3A_18 = arith.constant 0 : index
    %get3A_19 = arith.constant 0 : index
    %get3A_20 = arith.constant 0 : index
    %get3A_21 = vector.load %arg5[%get3A_18, %get3A_19, %get3A_20] : memref<1x1x32xf32, #tpu.memory_space<vmem>>, vector<1x1x32xf32>
    %reduce_sum3A = arith.constant dense<0.000000e+00> : vector<32xf32>
    %reduce_sum3A_22 = vector.multi_reduction <add>, %reshape3A_10, %reduce_sum3A [0] : vector<2048x32xf32> to vector<32xf32>
    %reshape3A_23 = vector.shape_cast %reduce_sum3A_22 : vector<32xf32> to vector<1x1x32xf32>
    %add3A = arith.addf %get3A_21, %reshape3A_23 : vector<1x1x32xf32>
    %swap3A_24 = arith.constant 0 : index
    %swap3A_25 = arith.constant 0 : index
    %swap3A_26 = arith.constant 0 : index
    %swap3A_27 = vector.load %arg5[%swap3A_24, %swap3A_25, %swap3A_26] : memref<1x1x32xf32, #tpu.memory_space<vmem>>, vector<1x1x32xf32>
    tpu.vector_store %arg5[%swap3A_24, %swap3A_25, %swap3A_26], %add3A {strides = array<i32>} : memref<1x1x32xf32, #tpu.memory_space<vmem>>, vector<1x1x32xf32>,
    %get3A_28 = arith.constant 0 : index
    %get3A_29 = arith.constant 0 : index
    %get3A_30 = arith.constant 0 : index
    %get3A_31 = vector.load %arg6[%get3A_28, %get3A_29, %get3A_30] : memref<1x1x32xf32, #tpu.memory_space<vmem>>, vector<1x1x32xf32>
    %mul3A = arith.mulf %reshape3A_10, %reshape3A_10 : vector<2048x32xf32>
    %reduce_sum3A_32 = arith.constant dense<0.000000e+00> : vector<32xf32>
    %reduce_sum3A_33 = vector.multi_reduction <add>, %mul3A, %reduce_sum3A_32 [0] : vector<2048x32xf32> to vector<32xf32>
    %reshape3A_34 = vector.shape_cast %reduce_sum3A_33 : vector<32xf32> to vector<1x1x32xf32>
    %add3A_35 = arith.addf %get3A_31, %reshape3A_34 : vector<1x1x32xf32>
    %swap3A_36 = arith.constant 0 : index
    %swap3A_37 = arith.constant 0 : index
    %swap3A_38 = arith.constant 0 : index
    %swap3A_39 = vector.load %arg6[%swap3A_36, %swap3A_37, %swap3A_38] : memref<1x1x32xf32, #tpu.memory_space<vmem>>, vector<1x1x32xf32>
    tpu.vector_store %arg6[%swap3A_36, %swap3A_37, %swap3A_38], %add3A_35 {strides = array<i32>} : memref<1x1x32xf32, #tpu.memory_space<vmem>>, vector<1x1x32xf32>,
    return
  }
  func.func @transform_0(%arg0: i32, %arg1: i32) -> (i32, i32, i32) {
    %c0_i32 = arith.constant 0 : i32
    %c0_i32_0 = arith.constant 0 : i32
    return %arg0, %arg1, %c0_i32 : i32, i32, i32
  }
  func.func @transform_1(%arg0: i32, %arg1: i32) -> (i32, i32, i32) {
    %c0_i32 = arith.constant 0 : i32
    %c0_i32_0 = arith.constant 0 : i32
    return %arg0, %arg1, %c0_i32 : i32, i32, i32
  }
  func.func @transform_2(%arg0: i32, %arg1: i32) -> (i32, i32, i32) {
    %c0_i32 = arith.constant 0 : i32
    %c0_i32_0 = arith.constant 0 : i32
    return %arg0, %arg1, %c0_i32 : i32, i32, i32
  }
  func.func @transform_3(%arg0: i32, %arg1: i32) -> (i32, i32, i32) {
    %c0_i32 = arith.constant 0 : i32
    %c0_i32_0 = arith.constant 0 : i32
    %c0_i32_1 = arith.constant 0 : i32
    return %arg0, %c0_i32, %c0_i32_0 : i32, i32, i32
  }
  func.func @transform_4(%arg0: i32, %arg1: i32) -> (i32, i32, i32) {
    %c0_i32 = arith.constant 0 : i32
    %c0_i32_0 = arith.constant 0 : i32
    %c0_i32_1 = arith.constant 0 : i32
    return %arg0, %c0_i32, %c0_i32_0 : i32, i32, i32
  }
}

module attributes {stable_mosaic.version = 14 : i64} {
  func.func @_layer_body(%arg0: i32, %arg1: i32, %arg2: memref<1x2048x32xf32, #tpu.memory_space<vmem>>, %arg3: memref<1x1x32xf32, #tpu.memory_space<vmem>>, %arg4: memref<1x1x32xf32, #tpu.memory_space<vmem>>, %arg5: memref<1x32xf32, #tpu.memory_space<vmem>>, %arg6: memref<1x32xf32, #tpu.memory_space<vmem>>, %arg7: memref<32x32xf32, #tpu.memory_space<vmem>>, %arg8: memref<1x2048x32xf32, #tpu.memory_space<vmem>>, %arg9: memref<1x1x32xf32, #tpu.memory_space<vmem>>, %arg10: memref<1x1x32xf32, #tpu.memory_space<vmem>>) attributes {dimension_semantics = [#tpu.dimension_semantics<arbitrary>, #tpu.dimension_semantics<arbitrary>], iteration_bounds = array<i64: 2, 64>, scalar_prefetch = 0 : i64, scratch_operands = 0 : i64, tpu.core_type = #tpu.core_type<tc>, window_params = [{transform_indices = @transform_0, window_bounds = array<i64: 1, 2048, 32>}, {transform_indices = @transform_1, window_bounds = array<i64: 1, 1, 32>}, {transform_indices = @transform_2, window_bounds = array<i64: 1, 1, 32>}, {pipeline_mode = #tpu.pipeline_mode<synchronous>, transform_indices = @transform_3, window_bounds = array<i64: 1, 32>}, {pipeline_mode = #tpu.pipeline_mode<synchronous>, transform_indices = @transform_4, window_bounds = array<i64: 1, 32>}, {pipeline_mode = #tpu.pipeline_mode<synchronous>, transform_indices = @transform_5, window_bounds = array<i64: 32, 32>}, {transform_indices = @transform_6, window_bounds = array<i64: 1, 2048, 32>}, {transform_indices = @transform_7, window_bounds = array<i64: 1, 1, 32>}, {transform_indices = @transform_8, window_bounds = array<i64: 1, 1, 32>}]} {
    %get3A = arith.constant 0 : index
    %get3A_0 = arith.constant 0 : index
    %get3A_1 = arith.constant 0 : index
    %get3A_2 = vector.load %arg3[%get3A, %get3A_0, %get3A_1] : memref<1x1x32xf32, #tpu.memory_space<vmem>>, vector<1x1x32xf32>
    %get3A_3 = vector.shape_cast %get3A_2 : vector<1x1x32xf32> to vector<1x32xf32>
    %div3A = arith.constant 1.310720e+05 : f32
    %div3A_4 = vector.broadcast %div3A : f32 to vector<1x32xf32>
    %div3A_5 = arith.divf %get3A_3, %div3A_4 : vector<1x32xf32>
    %get3A_6 = arith.constant 0 : index
    %get3A_7 = arith.constant 0 : index
    %get3A_8 = arith.constant 0 : index
    %get3A_9 = vector.load %arg4[%get3A_6, %get3A_7, %get3A_8] : memref<1x1x32xf32, #tpu.memory_space<vmem>>, vector<1x1x32xf32>
    %get3A_10 = vector.shape_cast %get3A_9 : vector<1x1x32xf32> to vector<1x32xf32>
    %div3A_11 = arith.constant 1.310720e+05 : f32
    %div3A_12 = vector.broadcast %div3A_11 : f32 to vector<1x32xf32>
    %div3A_13 = arith.divf %get3A_10, %div3A_12 : vector<1x32xf32>
    %mul3A = arith.mulf %div3A_5, %div3A_5 : vector<1x32xf32>
    %sub3A = arith.subf %div3A_13, %mul3A : vector<1x32xf32>
    %get3A_14 = arith.constant 0 : index
    %get3A_15 = arith.constant 0 : index
    %get3A_16 = vector.load %arg5[%get3A_14, %get3A_15] : memref<1x32xf32, #tpu.memory_space<vmem>>, vector<1x32xf32>
    %add3A = arith.constant 9.99999974E-6 : f32
    %add3A_17 = vector.broadcast %add3A : f32 to vector<1x32xf32>
    %add3A_18 = arith.addf %sub3A, %add3A_17 : vector<1x32xf32>
    %rsqrt3A = math.rsqrt %add3A_18 : vector<1x32xf32>
    %mul3A_19 = arith.mulf %get3A_16, %rsqrt3A : vector<1x32xf32>
    %get3A_20 = arith.constant 0 : index
    %get3A_21 = arith.constant 0 : index
    %get3A_22 = vector.load %arg6[%get3A_20, %get3A_21] : memref<1x32xf32, #tpu.memory_space<vmem>>, vector<1x32xf32>
    %mul3A_23 = arith.mulf %div3A_5, %mul3A_19 : vector<1x32xf32>
    %sub3A_24 = arith.subf %get3A_22, %mul3A_23 : vector<1x32xf32>
    %get3A_25 = arith.constant 0 : index
    %get3A_26 = arith.constant 0 : index
    %get3A_27 = arith.constant 0 : index
    %get3A_28 = vector.load %arg2[%get3A_25, %get3A_26, %get3A_27] : memref<1x2048x32xf32, #tpu.memory_space<vmem>>, vector<1x2048x32xf32>
    %get3A_29 = vector.shape_cast %get3A_28 : vector<1x2048x32xf32> to vector<2048x32xf32>
    %mul3A_30 = vector.broadcast %mul3A_19 : vector<1x32xf32> to vector<2048x32xf32>
    %mul3A_31 = arith.mulf %get3A_29, %mul3A_30 : vector<2048x32xf32>
    %add3A_32 = vector.broadcast %sub3A_24 : vector<1x32xf32> to vector<2048x32xf32>
    %add3A_33 = arith.addf %mul3A_31, %add3A_32 : vector<2048x32xf32>
    %max3A = arith.constant 0.000000e+00 : f32
    %max3A_34 = vector.broadcast %max3A : f32 to vector<2048x32xf32>
    %max3A_35 = arith.maximumf %add3A_33, %max3A_34 : vector<2048x32xf32>
    %get3A_36 = arith.constant 0 : index
    %get3A_37 = arith.constant 0 : index
    %get3A_38 = vector.load %arg7[%get3A_36, %get3A_37] : memref<32x32xf32, #tpu.memory_space<vmem>>, vector<32x32xf32>
    %dot_general3A = arith.constant dense<0.000000e+00> : vector<2048x32xf32>
    %dot_general3A_39 = tpu.matmul %max3A_35, %get3A_38, %dot_general3A {dimension_numbers = #tpu.dot_dimension_numbers<[1], [1], [0], [0], [0, 0, 1, 0], [], []>, transpose_lhs_hint = false} : vector<2048x32xf32>, vector<32x32xf32>, vector<2048x32xf32> -> vector<2048x32xf32>
    %swap3A = arith.constant 0 : index
    %swap3A_40 = arith.constant 0 : index
    %swap3A_41 = arith.constant 0 : index
    %swap3A_42 = vector.load %arg8[%swap3A, %swap3A_40, %swap3A_41] : memref<1x2048x32xf32, #tpu.memory_space<vmem>>, vector<1x2048x32xf32>
    %swap3A_43 = vector.shape_cast %swap3A_42 : vector<1x2048x32xf32> to vector<2048x32xf32>
    %swap3A_44 = vector.shape_cast %dot_general3A_39 : vector<2048x32xf32> to vector<1x2048x32xf32>
    tpu.vector_store %arg8[%swap3A, %swap3A_40, %swap3A_41], %swap3A_44 {strides = array<i32>} : memref<1x2048x32xf32, #tpu.memory_space<vmem>>, vector<1x2048x32xf32>,
    %eq3A = arith.constant 0 : i32
    %eq3A_45 = arith.cmpi eq, %arg1, %eq3A : i32
    %convert_element_type3A = arith.extui %eq3A_45 : i1 to i32
    %cond3A = arith.constant 0 : i32
    %cond3A_46 = arith.cmpi ne, %convert_element_type3A, %cond3A : i32
    scf.if %cond3A_46 {
      %broadcast_in_dim3A = arith.constant 0.000000e+00 : f32
      %broadcast_in_dim3A_70 = vector.broadcast %broadcast_in_dim3A : f32 to vector<1x1x32xf32>
      %swap3A_71 = arith.constant 0 : index
      %swap3A_72 = arith.constant 0 : index
      %swap3A_73 = arith.constant 0 : index
      %swap3A_74 = vector.load %arg9[%swap3A_71, %swap3A_72, %swap3A_73] : memref<1x1x32xf32, #tpu.memory_space<vmem>>, vector<1x1x32xf32>
      tpu.vector_store %arg9[%swap3A_71, %swap3A_72, %swap3A_73], %broadcast_in_dim3A_70 {strides = array<i32>} : memref<1x1x32xf32, #tpu.memory_space<vmem>>, vector<1x1x32xf32>,
      %broadcast_in_dim3A_75 = arith.constant 0.000000e+00 : f32
      %broadcast_in_dim3A_76 = vector.broadcast %broadcast_in_dim3A_75 : f32 to vector<1x1x32xf32>
      %swap3A_77 = arith.constant 0 : index
      %swap3A_78 = arith.constant 0 : index
      %swap3A_79 = arith.constant 0 : index
      %swap3A_80 = vector.load %arg10[%swap3A_77, %swap3A_78, %swap3A_79] : memref<1x1x32xf32, #tpu.memory_space<vmem>>, vector<1x1x32xf32>
      tpu.vector_store %arg10[%swap3A_77, %swap3A_78, %swap3A_79], %broadcast_in_dim3A_76 {strides = array<i32>} : memref<1x1x32xf32, #tpu.memory_space<vmem>>, vector<1x1x32xf32>,
    } else {
    }
    %get3A_47 = arith.constant 0 : index
    %get3A_48 = arith.constant 0 : index
    %get3A_49 = arith.constant 0 : index
    %get3A_50 = vector.load %arg9[%get3A_47, %get3A_48, %get3A_49] : memref<1x1x32xf32, #tpu.memory_space<vmem>>, vector<1x1x32xf32>
    %reduce_sum3A = arith.constant dense<0.000000e+00> : vector<32xf32>
    %reduce_sum3A_51 = vector.multi_reduction <add>, %dot_general3A_39, %reduce_sum3A [0] : vector<2048x32xf32> to vector<32xf32>
    %reshape3A = vector.shape_cast %reduce_sum3A_51 : vector<32xf32> to vector<1x1x32xf32>
    %add3A_52 = arith.addf %get3A_50, %reshape3A : vector<1x1x32xf32>
    %swap3A_53 = arith.constant 0 : index
    %swap3A_54 = arith.constant 0 : index
    %swap3A_55 = arith.constant 0 : index
    %swap3A_56 = vector.load %arg9[%swap3A_53, %swap3A_54, %swap3A_55] : memref<1x1x32xf32, #tpu.memory_space<vmem>>, vector<1x1x32xf32>
    tpu.vector_store %arg9[%swap3A_53, %swap3A_54, %swap3A_55], %add3A_52 {strides = array<i32>} : memref<1x1x32xf32, #tpu.memory_space<vmem>>, vector<1x1x32xf32>,
    %get3A_57 = arith.constant 0 : index
    %get3A_58 = arith.constant 0 : index
    %get3A_59 = arith.constant 0 : index
    %get3A_60 = vector.load %arg10[%get3A_57, %get3A_58, %get3A_59] : memref<1x1x32xf32, #tpu.memory_space<vmem>>, vector<1x1x32xf32>
    %mul3A_61 = arith.mulf %dot_general3A_39, %dot_general3A_39 : vector<2048x32xf32>
    %reduce_sum3A_62 = arith.constant dense<0.000000e+00> : vector<32xf32>
    %reduce_sum3A_63 = vector.multi_reduction <add>, %mul3A_61, %reduce_sum3A_62 [0] : vector<2048x32xf32> to vector<32xf32>
    %reshape3A_64 = vector.shape_cast %reduce_sum3A_63 : vector<32xf32> to vector<1x1x32xf32>
    %add3A_65 = arith.addf %get3A_60, %reshape3A_64 : vector<1x1x32xf32>
    %swap3A_66 = arith.constant 0 : index
    %swap3A_67 = arith.constant 0 : index
    %swap3A_68 = arith.constant 0 : index
    %swap3A_69 = vector.load %arg10[%swap3A_66, %swap3A_67, %swap3A_68] : memref<1x1x32xf32, #tpu.memory_space<vmem>>, vector<1x1x32xf32>
    tpu.vector_store %arg10[%swap3A_66, %swap3A_67, %swap3A_68], %add3A_65 {strides = array<i32>} : memref<1x1x32xf32, #tpu.memory_space<vmem>>, vector<1x1x32xf32>,
    return
  }
  func.func @transform_0(%arg0: i32, %arg1: i32) -> (i32, i32, i32) {
    %c0_i32 = arith.constant 0 : i32
    %c0_i32_0 = arith.constant 0 : i32
    return %arg0, %arg1, %c0_i32 : i32, i32, i32
  }
  func.func @transform_1(%arg0: i32, %arg1: i32) -> (i32, i32, i32) {
    %c0_i32 = arith.constant 0 : i32
    %c0_i32_0 = arith.constant 0 : i32
    %c0_i32_1 = arith.constant 0 : i32
    return %arg0, %c0_i32, %c0_i32_0 : i32, i32, i32
  }
  func.func @transform_2(%arg0: i32, %arg1: i32) -> (i32, i32, i32) {
    %c0_i32 = arith.constant 0 : i32
    %c0_i32_0 = arith.constant 0 : i32
    %c0_i32_1 = arith.constant 0 : i32
    return %arg0, %c0_i32, %c0_i32_0 : i32, i32, i32
  }
  func.func @transform_3(%arg0: i32, %arg1: i32) -> (i32, i32) {
    %c0_i32 = arith.constant 0 : i32
    %c0_i32_0 = arith.constant 0 : i32
    %c0_i32_1 = arith.constant 0 : i32
    return %c0_i32, %c0_i32_0 : i32, i32
  }
  func.func @transform_4(%arg0: i32, %arg1: i32) -> (i32, i32) {
    %c0_i32 = arith.constant 0 : i32
    %c0_i32_0 = arith.constant 0 : i32
    %c0_i32_1 = arith.constant 0 : i32
    return %c0_i32, %c0_i32_0 : i32, i32
  }
  func.func @transform_5(%arg0: i32, %arg1: i32) -> (i32, i32) {
    %c0_i32 = arith.constant 0 : i32
    %c0_i32_0 = arith.constant 0 : i32
    %c0_i32_1 = arith.constant 0 : i32
    return %c0_i32, %c0_i32_0 : i32, i32
  }
  func.func @transform_6(%arg0: i32, %arg1: i32) -> (i32, i32, i32) {
    %c0_i32 = arith.constant 0 : i32
    %c0_i32_0 = arith.constant 0 : i32
    return %arg0, %arg1, %c0_i32 : i32, i32, i32
  }
  func.func @transform_7(%arg0: i32, %arg1: i32) -> (i32, i32, i32) {
    %c0_i32 = arith.constant 0 : i32
    %c0_i32_0 = arith.constant 0 : i32
    %c0_i32_1 = arith.constant 0 : i32
    return %arg0, %c0_i32, %c0_i32_0 : i32, i32, i32
  }
  func.func @transform_8(%arg0: i32, %arg1: i32) -> (i32, i32, i32) {
    %c0_i32 = arith.constant 0 : i32
    %c0_i32_0 = arith.constant 0 : i32
    %c0_i32_1 = arith.constant 0 : i32
    return %arg0, %c0_i32, %c0_i32_0 : i32, i32, i32
  }
}

module attributes {stable_mosaic.version = 14 : i64} {
  func.func @_layer_body(%arg0: i32, %arg1: i32, %arg2: memref<1x2048x32xf32, #tpu.memory_space<vmem>>, %arg3: memref<1x1x32xf32, #tpu.memory_space<vmem>>, %arg4: memref<1x1x32xf32, #tpu.memory_space<vmem>>, %arg5: memref<1x32xf32, #tpu.memory_space<vmem>>, %arg6: memref<1x32xf32, #tpu.memory_space<vmem>>, %arg7: memref<64x32xf32, #tpu.memory_space<vmem>>, %arg8: memref<1x2048x64xf32, #tpu.memory_space<vmem>>, %arg9: memref<1x1x64xf32, #tpu.memory_space<vmem>>, %arg10: memref<1x1x64xf32, #tpu.memory_space<vmem>>) attributes {dimension_semantics = [#tpu.dimension_semantics<arbitrary>, #tpu.dimension_semantics<arbitrary>], iteration_bounds = array<i64: 2, 64>, scalar_prefetch = 0 : i64, scratch_operands = 0 : i64, tpu.core_type = #tpu.core_type<tc>, window_params = [{transform_indices = @transform_0, window_bounds = array<i64: 1, 2048, 32>}, {transform_indices = @transform_1, window_bounds = array<i64: 1, 1, 32>}, {transform_indices = @transform_2, window_bounds = array<i64: 1, 1, 32>}, {pipeline_mode = #tpu.pipeline_mode<synchronous>, transform_indices = @transform_3, window_bounds = array<i64: 1, 32>}, {pipeline_mode = #tpu.pipeline_mode<synchronous>, transform_indices = @transform_4, window_bounds = array<i64: 1, 32>}, {pipeline_mode = #tpu.pipeline_mode<synchronous>, transform_indices = @transform_5, window_bounds = array<i64: 64, 32>}, {transform_indices = @transform_6, window_bounds = array<i64: 1, 2048, 64>}, {transform_indices = @transform_7, window_bounds = array<i64: 1, 1, 64>}, {transform_indices = @transform_8, window_bounds = array<i64: 1, 1, 64>}]} {
    %get3A = arith.constant 0 : index
    %get3A_0 = arith.constant 0 : index
    %get3A_1 = arith.constant 0 : index
    %get3A_2 = vector.load %arg3[%get3A, %get3A_0, %get3A_1] : memref<1x1x32xf32, #tpu.memory_space<vmem>>, vector<1x1x32xf32>
    %get3A_3 = vector.shape_cast %get3A_2 : vector<1x1x32xf32> to vector<1x32xf32>
    %div3A = arith.constant 1.310720e+05 : f32
    %div3A_4 = vector.broadcast %div3A : f32 to vector<1x32xf32>
    %div3A_5 = arith.divf %get3A_3, %div3A_4 : vector<1x32xf32>
    %get3A_6 = arith.constant 0 : index
    %get3A_7 = arith.constant 0 : index
    %get3A_8 = arith.constant 0 : index
    %get3A_9 = vector.load %arg4[%get3A_6, %get3A_7, %get3A_8] : memref<1x1x32xf32, #tpu.memory_space<vmem>>, vector<1x1x32xf32>
    %get3A_10 = vector.shape_cast %get3A_9 : vector<1x1x32xf32> to vector<1x32xf32>
    %div3A_11 = arith.constant 1.310720e+05 : f32
    %div3A_12 = vector.broadcast %div3A_11 : f32 to vector<1x32xf32>
    %div3A_13 = arith.divf %get3A_10, %div3A_12 : vector<1x32xf32>
    %mul3A = arith.mulf %div3A_5, %div3A_5 : vector<1x32xf32>
    %sub3A = arith.subf %div3A_13, %mul3A : vector<1x32xf32>
    %get3A_14 = arith.constant 0 : index
    %get3A_15 = arith.constant 0 : index
    %get3A_16 = vector.load %arg5[%get3A_14, %get3A_15] : memref<1x32xf32, #tpu.memory_space<vmem>>, vector<1x32xf32>
    %add3A = arith.constant 9.99999974E-6 : f32
    %add3A_17 = vector.broadcast %add3A : f32 to vector<1x32xf32>
    %add3A_18 = arith.addf %sub3A, %add3A_17 : vector<1x32xf32>
    %rsqrt3A = math.rsqrt %add3A_18 : vector<1x32xf32>
    %mul3A_19 = arith.mulf %get3A_16, %rsqrt3A : vector<1x32xf32>
    %get3A_20 = arith.constant 0 : index
    %get3A_21 = arith.constant 0 : index
    %get3A_22 = vector.load %arg6[%get3A_20, %get3A_21] : memref<1x32xf32, #tpu.memory_space<vmem>>, vector<1x32xf32>
    %mul3A_23 = arith.mulf %div3A_5, %mul3A_19 : vector<1x32xf32>
    %sub3A_24 = arith.subf %get3A_22, %mul3A_23 : vector<1x32xf32>
    %get3A_25 = arith.constant 0 : index
    %get3A_26 = arith.constant 0 : index
    %get3A_27 = arith.constant 0 : index
    %get3A_28 = vector.load %arg2[%get3A_25, %get3A_26, %get3A_27] : memref<1x2048x32xf32, #tpu.memory_space<vmem>>, vector<1x2048x32xf32>
    %get3A_29 = vector.shape_cast %get3A_28 : vector<1x2048x32xf32> to vector<2048x32xf32>
    %mul3A_30 = vector.broadcast %mul3A_19 : vector<1x32xf32> to vector<2048x32xf32>
    %mul3A_31 = arith.mulf %get3A_29, %mul3A_30 : vector<2048x32xf32>
    %add3A_32 = vector.broadcast %sub3A_24 : vector<1x32xf32> to vector<2048x32xf32>
    %add3A_33 = arith.addf %mul3A_31, %add3A_32 : vector<2048x32xf32>
    %max3A = arith.constant 0.000000e+00 : f32
    %max3A_34 = vector.broadcast %max3A : f32 to vector<2048x32xf32>
    %max3A_35 = arith.maximumf %add3A_33, %max3A_34 : vector<2048x32xf32>
    %get3A_36 = arith.constant 0 : index
    %get3A_37 = arith.constant 0 : index
    %get3A_38 = vector.load %arg7[%get3A_36, %get3A_37] : memref<64x32xf32, #tpu.memory_space<vmem>>, vector<64x32xf32>
    %dot_general3A = arith.constant dense<0.000000e+00> : vector<2048x64xf32>
    %dot_general3A_39 = tpu.matmul %max3A_35, %get3A_38, %dot_general3A {dimension_numbers = #tpu.dot_dimension_numbers<[1], [1], [0], [0], [0, 0, 1, 0], [], []>, transpose_lhs_hint = false} : vector<2048x32xf32>, vector<64x32xf32>, vector<2048x64xf32> -> vector<2048x64xf32>
    %swap3A = arith.constant 0 : index
    %swap3A_40 = arith.constant 0 : index
    %swap3A_41 = arith.constant 0 : index
    %swap3A_42 = vector.load %arg8[%swap3A, %swap3A_40, %swap3A_41] : memref<1x2048x64xf32, #tpu.memory_space<vmem>>, vector<1x2048x64xf32>
    %swap3A_43 = vector.shape_cast %swap3A_42 : vector<1x2048x64xf32> to vector<2048x64xf32>
    %swap3A_44 = vector.shape_cast %dot_general3A_39 : vector<2048x64xf32> to vector<1x2048x64xf32>
    tpu.vector_store %arg8[%swap3A, %swap3A_40, %swap3A_41], %swap3A_44 {strides = array<i32>} : memref<1x2048x64xf32, #tpu.memory_space<vmem>>, vector<1x2048x64xf32>,
    %eq3A = arith.constant 0 : i32
    %eq3A_45 = arith.cmpi eq, %arg1, %eq3A : i32
    %convert_element_type3A = arith.extui %eq3A_45 : i1 to i32
    %cond3A = arith.constant 0 : i32
    %cond3A_46 = arith.cmpi ne, %convert_element_type3A, %cond3A : i32
    scf.if %cond3A_46 {
      %broadcast_in_dim3A = arith.constant 0.000000e+00 : f32
      %broadcast_in_dim3A_70 = vector.broadcast %broadcast_in_dim3A : f32 to vector<1x1x64xf32>
      %swap3A_71 = arith.constant 0 : index
      %swap3A_72 = arith.constant 0 : index
      %swap3A_73 = arith.constant 0 : index
      %swap3A_74 = vector.load %arg9[%swap3A_71, %swap3A_72, %swap3A_73] : memref<1x1x64xf32, #tpu.memory_space<vmem>>, vector<1x1x64xf32>
      tpu.vector_store %arg9[%swap3A_71, %swap3A_72, %swap3A_73], %broadcast_in_dim3A_70 {strides = array<i32>} : memref<1x1x64xf32, #tpu.memory_space<vmem>>, vector<1x1x64xf32>,
      %broadcast_in_dim3A_75 = arith.constant 0.000000e+00 : f32
      %broadcast_in_dim3A_76 = vector.broadcast %broadcast_in_dim3A_75 : f32 to vector<1x1x64xf32>
      %swap3A_77 = arith.constant 0 : index
      %swap3A_78 = arith.constant 0 : index
      %swap3A_79 = arith.constant 0 : index
      %swap3A_80 = vector.load %arg10[%swap3A_77, %swap3A_78, %swap3A_79] : memref<1x1x64xf32, #tpu.memory_space<vmem>>, vector<1x1x64xf32>
      tpu.vector_store %arg10[%swap3A_77, %swap3A_78, %swap3A_79], %broadcast_in_dim3A_76 {strides = array<i32>} : memref<1x1x64xf32, #tpu.memory_space<vmem>>, vector<1x1x64xf32>,
    } else {
    }
    %get3A_47 = arith.constant 0 : index
    %get3A_48 = arith.constant 0 : index
    %get3A_49 = arith.constant 0 : index
    %get3A_50 = vector.load %arg9[%get3A_47, %get3A_48, %get3A_49] : memref<1x1x64xf32, #tpu.memory_space<vmem>>, vector<1x1x64xf32>
    %reduce_sum3A = arith.constant dense<0.000000e+00> : vector<64xf32>
    %reduce_sum3A_51 = vector.multi_reduction <add>, %dot_general3A_39, %reduce_sum3A [0] : vector<2048x64xf32> to vector<64xf32>
    %reshape3A = vector.shape_cast %reduce_sum3A_51 : vector<64xf32> to vector<1x1x64xf32>
    %add3A_52 = arith.addf %get3A_50, %reshape3A : vector<1x1x64xf32>
    %swap3A_53 = arith.constant 0 : index
    %swap3A_54 = arith.constant 0 : index
    %swap3A_55 = arith.constant 0 : index
    %swap3A_56 = vector.load %arg9[%swap3A_53, %swap3A_54, %swap3A_55] : memref<1x1x64xf32, #tpu.memory_space<vmem>>, vector<1x1x64xf32>
    tpu.vector_store %arg9[%swap3A_53, %swap3A_54, %swap3A_55], %add3A_52 {strides = array<i32>} : memref<1x1x64xf32, #tpu.memory_space<vmem>>, vector<1x1x64xf32>,
    %get3A_57 = arith.constant 0 : index
    %get3A_58 = arith.constant 0 : index
    %get3A_59 = arith.constant 0 : index
    %get3A_60 = vector.load %arg10[%get3A_57, %get3A_58, %get3A_59] : memref<1x1x64xf32, #tpu.memory_space<vmem>>, vector<1x1x64xf32>
    %mul3A_61 = arith.mulf %dot_general3A_39, %dot_general3A_39 : vector<2048x64xf32>
    %reduce_sum3A_62 = arith.constant dense<0.000000e+00> : vector<64xf32>
    %reduce_sum3A_63 = vector.multi_reduction <add>, %mul3A_61, %reduce_sum3A_62 [0] : vector<2048x64xf32> to vector<64xf32>
    %reshape3A_64 = vector.shape_cast %reduce_sum3A_63 : vector<64xf32> to vector<1x1x64xf32>
    %add3A_65 = arith.addf %get3A_60, %reshape3A_64 : vector<1x1x64xf32>
    %swap3A_66 = arith.constant 0 : index
    %swap3A_67 = arith.constant 0 : index
    %swap3A_68 = arith.constant 0 : index
    %swap3A_69 = vector.load %arg10[%swap3A_66, %swap3A_67, %swap3A_68] : memref<1x1x64xf32, #tpu.memory_space<vmem>>, vector<1x1x64xf32>
    tpu.vector_store %arg10[%swap3A_66, %swap3A_67, %swap3A_68], %add3A_65 {strides = array<i32>} : memref<1x1x64xf32, #tpu.memory_space<vmem>>, vector<1x1x64xf32>,
    return
  }
  func.func @transform_0(%arg0: i32, %arg1: i32) -> (i32, i32, i32) {
    %c0_i32 = arith.constant 0 : i32
    %c0_i32_0 = arith.constant 0 : i32
    return %arg0, %arg1, %c0_i32 : i32, i32, i32
  }
  func.func @transform_1(%arg0: i32, %arg1: i32) -> (i32, i32, i32) {
    %c0_i32 = arith.constant 0 : i32
    %c0_i32_0 = arith.constant 0 : i32
    %c0_i32_1 = arith.constant 0 : i32
    return %arg0, %c0_i32, %c0_i32_0 : i32, i32, i32
  }
  func.func @transform_2(%arg0: i32, %arg1: i32) -> (i32, i32, i32) {
    %c0_i32 = arith.constant 0 : i32
    %c0_i32_0 = arith.constant 0 : i32
    %c0_i32_1 = arith.constant 0 : i32
    return %arg0, %c0_i32, %c0_i32_0 : i32, i32, i32
  }
  func.func @transform_3(%arg0: i32, %arg1: i32) -> (i32, i32) {
    %c0_i32 = arith.constant 0 : i32
    %c0_i32_0 = arith.constant 0 : i32
    %c0_i32_1 = arith.constant 0 : i32
    return %c0_i32, %c0_i32_0 : i32, i32
  }
  func.func @transform_4(%arg0: i32, %arg1: i32) -> (i32, i32) {
    %c0_i32 = arith.constant 0 : i32
    %c0_i32_0 = arith.constant 0 : i32
    %c0_i32_1 = arith.constant 0 : i32
    return %c0_i32, %c0_i32_0 : i32, i32
  }
  func.func @transform_5(%arg0: i32, %arg1: i32) -> (i32, i32) {
    %c0_i32 = arith.constant 0 : i32
    %c0_i32_0 = arith.constant 0 : i32
    %c0_i32_1 = arith.constant 0 : i32
    return %c0_i32, %c0_i32_0 : i32, i32
  }
  func.func @transform_6(%arg0: i32, %arg1: i32) -> (i32, i32, i32) {
    %c0_i32 = arith.constant 0 : i32
    %c0_i32_0 = arith.constant 0 : i32
    return %arg0, %arg1, %c0_i32 : i32, i32, i32
  }
  func.func @transform_7(%arg0: i32, %arg1: i32) -> (i32, i32, i32) {
    %c0_i32 = arith.constant 0 : i32
    %c0_i32_0 = arith.constant 0 : i32
    %c0_i32_1 = arith.constant 0 : i32
    return %arg0, %c0_i32, %c0_i32_0 : i32, i32, i32
  }
  func.func @transform_8(%arg0: i32, %arg1: i32) -> (i32, i32, i32) {
    %c0_i32 = arith.constant 0 : i32
    %c0_i32_0 = arith.constant 0 : i32
    %c0_i32_1 = arith.constant 0 : i32
    return %arg0, %c0_i32, %c0_i32_0 : i32, i32, i32
  }
}

module attributes {stable_mosaic.version = 14 : i64} {
  func.func @_pool1_body(%arg0: i32, %arg1: i32, %arg2: memref<1x2048x64xf32, #tpu.memory_space<vmem>>, %arg3: memref<1x1x64xf32, #tpu.memory_space<vmem>>, %arg4: memref<1x1x64xf32, #tpu.memory_space<vmem>>, %arg5: memref<1x64xf32, #tpu.memory_space<vmem>>, %arg6: memref<1x64xf32, #tpu.memory_space<vmem>>, %arg7: memref<1x128x3xf32, #tpu.memory_space<vmem>>, %arg8: memref<3x64xf32, #tpu.memory_space<vmem>>, %arg9: memref<64x64xf32, #tpu.memory_space<vmem>>, %arg10: memref<1x128x64xf32, #tpu.memory_space<vmem>>, %arg11: memref<1x128x64xf32, #tpu.memory_space<vmem>>) attributes {dimension_semantics = [#tpu.dimension_semantics<arbitrary>, #tpu.dimension_semantics<arbitrary>], iteration_bounds = array<i64: 2, 64>, scalar_prefetch = 0 : i64, scratch_operands = 0 : i64, tpu.core_type = #tpu.core_type<tc>, window_params = [{transform_indices = @transform_0, window_bounds = array<i64: 1, 2048, 64>}, {transform_indices = @transform_1, window_bounds = array<i64: 1, 1, 64>}, {transform_indices = @transform_2, window_bounds = array<i64: 1, 1, 64>}, {pipeline_mode = #tpu.pipeline_mode<synchronous>, transform_indices = @transform_3, window_bounds = array<i64: 1, 64>}, {pipeline_mode = #tpu.pipeline_mode<synchronous>, transform_indices = @transform_4, window_bounds = array<i64: 1, 64>}, {transform_indices = @transform_5, window_bounds = array<i64: 1, 128, 3>}, {pipeline_mode = #tpu.pipeline_mode<synchronous>, transform_indices = @transform_6, window_bounds = array<i64: 3, 64>}, {pipeline_mode = #tpu.pipeline_mode<synchronous>, transform_indices = @transform_7, window_bounds = array<i64: 64, 64>}, {transform_indices = @transform_8, window_bounds = array<i64: 1, 128, 64>}, {transform_indices = @transform_9, window_bounds = array<i64: 1, 128, 64>}]} {
    %get3A = arith.constant 0 : index
    %get3A_0 = arith.constant 0 : index
    %get3A_1 = arith.constant 0 : index
    %get3A_2 = vector.load %arg3[%get3A, %get3A_0, %get3A_1] : memref<1x1x64xf32, #tpu.memory_space<vmem>>, vector<1x1x64xf32>
    %get3A_3 = vector.shape_cast %get3A_2 : vector<1x1x64xf32> to vector<1x64xf32>
    %div3A = arith.constant 1.310720e+05 : f32
    %div3A_4 = vector.broadcast %div3A : f32 to vector<1x64xf32>
    %div3A_5 = arith.divf %get3A_3, %div3A_4 : vector<1x64xf32>
    %get3A_6 = arith.constant 0 : index
    %get3A_7 = arith.constant 0 : index
    %get3A_8 = arith.constant 0 : index
    %get3A_9 = vector.load %arg4[%get3A_6, %get3A_7, %get3A_8] : memref<1x1x64xf32, #tpu.memory_space<vmem>>, vector<1x1x64xf32>
    %get3A_10 = vector.shape_cast %get3A_9 : vector<1x1x64xf32> to vector<1x64xf32>
    %div3A_11 = arith.constant 1.310720e+05 : f32
    %div3A_12 = vector.broadcast %div3A_11 : f32 to vector<1x64xf32>
    %div3A_13 = arith.divf %get3A_10, %div3A_12 : vector<1x64xf32>
    %mul3A = arith.mulf %div3A_5, %div3A_5 : vector<1x64xf32>
    %sub3A = arith.subf %div3A_13, %mul3A : vector<1x64xf32>
    %get3A_14 = arith.constant 0 : index
    %get3A_15 = arith.constant 0 : index
    %get3A_16 = vector.load %arg5[%get3A_14, %get3A_15] : memref<1x64xf32, #tpu.memory_space<vmem>>, vector<1x64xf32>
    %add3A = arith.constant 9.99999974E-6 : f32
    %add3A_17 = vector.broadcast %add3A : f32 to vector<1x64xf32>
    %add3A_18 = arith.addf %sub3A, %add3A_17 : vector<1x64xf32>
    %rsqrt3A = math.rsqrt %add3A_18 : vector<1x64xf32>
    %mul3A_19 = arith.mulf %get3A_16, %rsqrt3A : vector<1x64xf32>
    %get3A_20 = arith.constant 0 : index
    %get3A_21 = arith.constant 0 : index
    %get3A_22 = vector.load %arg6[%get3A_20, %get3A_21] : memref<1x64xf32, #tpu.memory_space<vmem>>, vector<1x64xf32>
    %mul3A_23 = arith.mulf %div3A_5, %mul3A_19 : vector<1x64xf32>
    %sub3A_24 = arith.subf %get3A_22, %mul3A_23 : vector<1x64xf32>
    %get3A_25 = arith.constant 0 : index
    %get3A_26 = arith.constant 0 : index
    %get3A_27 = arith.constant 0 : index
    %get3A_28 = vector.load %arg2[%get3A_25, %get3A_26, %get3A_27] : memref<1x2048x64xf32, #tpu.memory_space<vmem>>, vector<1x2048x64xf32>
    %get3A_29 = vector.shape_cast %get3A_28 : vector<1x2048x64xf32> to vector<2048x64xf32>
    %mul3A_30 = vector.broadcast %mul3A_19 : vector<1x64xf32> to vector<2048x64xf32>
    %mul3A_31 = arith.mulf %get3A_29, %mul3A_30 : vector<2048x64xf32>
    %add3A_32 = vector.broadcast %sub3A_24 : vector<1x64xf32> to vector<2048x64xf32>
    %add3A_33 = arith.addf %mul3A_31, %add3A_32 : vector<2048x64xf32>
    %max3A = arith.constant 0.000000e+00 : f32
    %max3A_34 = vector.broadcast %max3A : f32 to vector<2048x64xf32>
    %max3A_35 = arith.maximumf %add3A_33, %max3A_34 : vector<2048x64xf32>
    %reshape3A = vector.shape_cast %max3A_35 : vector<2048x64xf32> to vector<128x16x64xf32>
    %reduce_max3A = arith.constant dense<0xFF800000> : vector<128x64xf32>
    %reduce_max3A_36 = vector.multi_reduction <maximumf>, %reshape3A, %reduce_max3A [1] : vector<128x16x64xf32> to vector<128x64xf32>
    %get3A_37 = arith.constant 0 : index
    %get3A_38 = arith.constant 0 : index
    %get3A_39 = arith.constant 0 : index
    %get3A_40 = vector.load %arg7[%get3A_37, %get3A_38, %get3A_39] : memref<1x128x3xf32, #tpu.memory_space<vmem>>, vector<1x128x3xf32>
    %get3A_41 = vector.shape_cast %get3A_40 : vector<1x128x3xf32> to vector<128x3xf32>
    %get3A_42 = arith.constant 0 : index
    %get3A_43 = arith.constant 0 : index
    %get3A_44 = vector.load %arg8[%get3A_42, %get3A_43] : memref<3x64xf32, #tpu.memory_space<vmem>>, vector<3x64xf32>
    %dot_general3A = arith.constant dense<0.000000e+00> : vector<128x64xf32>
    %dot_general3A_45 = tpu.matmul %get3A_41, %get3A_44, %dot_general3A {dimension_numbers = #tpu.dot_dimension_numbers<[1], [0], [0], [1], [0, 0, 1, 1], [], []>, transpose_lhs_hint = false} : vector<128x3xf32>, vector<3x64xf32>, vector<128x64xf32> -> vector<128x64xf32>
    %get3A_46 = arith.constant 0 : index
    %get3A_47 = arith.constant 0 : index
    %get3A_48 = vector.load %arg9[%get3A_46, %get3A_47] : memref<64x64xf32, #tpu.memory_space<vmem>>, vector<64x64xf32>
    %dot_general3A_49 = arith.constant dense<0.000000e+00> : vector<128x64xf32>
    %dot_general3A_50 = tpu.matmul %reduce_max3A_36, %get3A_48, %dot_general3A_49 {dimension_numbers = #tpu.dot_dimension_numbers<[1], [1], [0], [0], [0, 0, 1, 0], [], []>, transpose_lhs_hint = false} : vector<128x64xf32>, vector<64x64xf32>, vector<128x64xf32> -> vector<128x64xf32>
    %add3A_51 = arith.addf %dot_general3A_45, %dot_general3A_50 : vector<128x64xf32>
    %swap3A = arith.constant 0 : index
    %swap3A_52 = arith.constant 0 : index
    %swap3A_53 = arith.constant 0 : index
    %swap3A_54 = vector.load %arg10[%swap3A, %swap3A_52, %swap3A_53] : memref<1x128x64xf32, #tpu.memory_space<vmem>>, vector<1x128x64xf32>
    %swap3A_55 = vector.shape_cast %swap3A_54 : vector<1x128x64xf32> to vector<128x64xf32>
    %swap3A_56 = vector.shape_cast %dot_general3A_45 : vector<128x64xf32> to vector<1x128x64xf32>
    tpu.vector_store %arg10[%swap3A, %swap3A_52, %swap3A_53], %swap3A_56 {strides = array<i32>} : memref<1x128x64xf32, #tpu.memory_space<vmem>>, vector<1x128x64xf32>,
    %swap3A_57 = arith.constant 0 : index
    %swap3A_58 = arith.constant 0 : index
    %swap3A_59 = arith.constant 0 : index
    %swap3A_60 = vector.load %arg11[%swap3A_57, %swap3A_58, %swap3A_59] : memref<1x128x64xf32, #tpu.memory_space<vmem>>, vector<1x128x64xf32>
    %swap3A_61 = vector.shape_cast %swap3A_60 : vector<1x128x64xf32> to vector<128x64xf32>
    %swap3A_62 = vector.shape_cast %add3A_51 : vector<128x64xf32> to vector<1x128x64xf32>
    tpu.vector_store %arg11[%swap3A_57, %swap3A_58, %swap3A_59], %swap3A_62 {strides = array<i32>} : memref<1x128x64xf32, #tpu.memory_space<vmem>>, vector<1x128x64xf32>,
    return
  }
  func.func @transform_0(%arg0: i32, %arg1: i32) -> (i32, i32, i32) {
    %c0_i32 = arith.constant 0 : i32
    %c0_i32_0 = arith.constant 0 : i32
    return %arg0, %arg1, %c0_i32 : i32, i32, i32
  }
  func.func @transform_1(%arg0: i32, %arg1: i32) -> (i32, i32, i32) {
    %c0_i32 = arith.constant 0 : i32
    %c0_i32_0 = arith.constant 0 : i32
    %c0_i32_1 = arith.constant 0 : i32
    return %arg0, %c0_i32, %c0_i32_0 : i32, i32, i32
  }
  func.func @transform_2(%arg0: i32, %arg1: i32) -> (i32, i32, i32) {
    %c0_i32 = arith.constant 0 : i32
    %c0_i32_0 = arith.constant 0 : i32
    %c0_i32_1 = arith.constant 0 : i32
    return %arg0, %c0_i32, %c0_i32_0 : i32, i32, i32
  }
  func.func @transform_3(%arg0: i32, %arg1: i32) -> (i32, i32) {
    %c0_i32 = arith.constant 0 : i32
    %c0_i32_0 = arith.constant 0 : i32
    %c0_i32_1 = arith.constant 0 : i32
    return %c0_i32, %c0_i32_0 : i32, i32
  }
  func.func @transform_4(%arg0: i32, %arg1: i32) -> (i32, i32) {
    %c0_i32 = arith.constant 0 : i32
    %c0_i32_0 = arith.constant 0 : i32
    %c0_i32_1 = arith.constant 0 : i32
    return %c0_i32, %c0_i32_0 : i32, i32
  }
  func.func @transform_5(%arg0: i32, %arg1: i32) -> (i32, i32, i32) {
    %c0_i32 = arith.constant 0 : i32
    %c0_i32_0 = arith.constant 0 : i32
    return %arg0, %arg1, %c0_i32 : i32, i32, i32
  }
  func.func @transform_6(%arg0: i32, %arg1: i32) -> (i32, i32) {
    %c0_i32 = arith.constant 0 : i32
    %c0_i32_0 = arith.constant 0 : i32
    %c0_i32_1 = arith.constant 0 : i32
    return %c0_i32, %c0_i32_0 : i32, i32
  }
  func.func @transform_7(%arg0: i32, %arg1: i32) -> (i32, i32) {
    %c0_i32 = arith.constant 0 : i32
    %c0_i32_0 = arith.constant 0 : i32
    %c0_i32_1 = arith.constant 0 : i32
    return %c0_i32, %c0_i32_0 : i32, i32
  }
  func.func @transform_8(%arg0: i32, %arg1: i32) -> (i32, i32, i32) {
    %c0_i32 = arith.constant 0 : i32
    %c0_i32_0 = arith.constant 0 : i32
    return %arg0, %arg1, %c0_i32 : i32, i32, i32
  }
  func.func @transform_9(%arg0: i32, %arg1: i32) -> (i32, i32, i32) {
    %c0_i32 = arith.constant 0 : i32
    %c0_i32_0 = arith.constant 0 : i32
    return %arg0, %arg1, %c0_i32 : i32, i32, i32
  }
}

module attributes {stable_mosaic.version = 14 : i64} {
  func.func @_mlpa_body(%arg0: i32, %arg1: i32, %arg2: memref<1x2048x64xf32, #tpu.memory_space<vmem>>, %arg3: memref<1x128x64xf32, #tpu.memory_space<vmem>>, %arg4: memref<1x2048x64xf32, #tpu.memory_space<vmem>>, %arg5: memref<1x1x64xf32, #tpu.memory_space<vmem>>, %arg6: memref<1x1x64xf32, #tpu.memory_space<vmem>>) attributes {dimension_semantics = [#tpu.dimension_semantics<arbitrary>, #tpu.dimension_semantics<arbitrary>], iteration_bounds = array<i64: 2, 64>, scalar_prefetch = 0 : i64, scratch_operands = 0 : i64, tpu.core_type = #tpu.core_type<tc>, window_params = [{transform_indices = @transform_0, window_bounds = array<i64: 1, 2048, 64>}, {transform_indices = @transform_1, window_bounds = array<i64: 1, 128, 64>}, {transform_indices = @transform_2, window_bounds = array<i64: 1, 2048, 64>}, {transform_indices = @transform_3, window_bounds = array<i64: 1, 1, 64>}, {transform_indices = @transform_4, window_bounds = array<i64: 1, 1, 64>}]} {
    %get3A = arith.constant 0 : index
    %get3A_0 = arith.constant 0 : index
    %get3A_1 = arith.constant 0 : index
    %get3A_2 = vector.load %arg2[%get3A, %get3A_0, %get3A_1] : memref<1x2048x64xf32, #tpu.memory_space<vmem>>, vector<1x2048x64xf32>
    %get3A_3 = vector.shape_cast %get3A_2 : vector<1x2048x64xf32> to vector<2048x64xf32>
    %get3A_4 = arith.constant 0 : index
    %get3A_5 = arith.constant 0 : index
    %get3A_6 = arith.constant 0 : index
    %get3A_7 = vector.load %arg3[%get3A_4, %get3A_5, %get3A_6] : memref<1x128x64xf32, #tpu.memory_space<vmem>>, vector<1x128x64xf32>
    %get3A_8 = vector.shape_cast %get3A_7 : vector<1x128x64xf32> to vector<128x64xf32>
    %reshape3A = vector.shape_cast %get3A_3 : vector<2048x64xf32> to vector<128x16x64xf32>
    %broadcast_in_dim3A = vector.shape_cast %get3A_8 : vector<128x64xf32> to vector<128x1x64xf32>
    %sub3A = vector.broadcast %broadcast_in_dim3A : vector<128x1x64xf32> to vector<128x16x64xf32>
    %sub3A_9 = arith.subf %reshape3A, %sub3A : vector<128x16x64xf32>
    %reshape3A_10 = vector.shape_cast %sub3A_9 : vector<128x16x64xf32> to vector<2048x64xf32>
    %swap3A = arith.constant 0 : index
    %swap3A_11 = arith.constant 0 : index
    %swap3A_12 = arith.constant 0 : index
    %swap3A_13 = vector.load %arg4[%swap3A, %swap3A_11, %swap3A_12] : memref<1x2048x64xf32, #tpu.memory_space<vmem>>, vector<1x2048x64xf32>
    %swap3A_14 = vector.shape_cast %swap3A_13 : vector<1x2048x64xf32> to vector<2048x64xf32>
    %swap3A_15 = vector.shape_cast %reshape3A_10 : vector<2048x64xf32> to vector<1x2048x64xf32>
    tpu.vector_store %arg4[%swap3A, %swap3A_11, %swap3A_12], %swap3A_15 {strides = array<i32>} : memref<1x2048x64xf32, #tpu.memory_space<vmem>>, vector<1x2048x64xf32>,
    %eq3A = arith.constant 0 : i32
    %eq3A_16 = arith.cmpi eq, %arg1, %eq3A : i32
    %convert_element_type3A = arith.extui %eq3A_16 : i1 to i32
    %cond3A = arith.constant 0 : i32
    %cond3A_17 = arith.cmpi ne, %convert_element_type3A, %cond3A : i32
    scf.if %cond3A_17 {
      %broadcast_in_dim3A_40 = arith.constant 0.000000e+00 : f32
      %broadcast_in_dim3A_41 = vector.broadcast %broadcast_in_dim3A_40 : f32 to vector<1x1x64xf32>
      %swap3A_42 = arith.constant 0 : index
      %swap3A_43 = arith.constant 0 : index
      %swap3A_44 = arith.constant 0 : index
      %swap3A_45 = vector.load %arg5[%swap3A_42, %swap3A_43, %swap3A_44] : memref<1x1x64xf32, #tpu.memory_space<vmem>>, vector<1x1x64xf32>
      tpu.vector_store %arg5[%swap3A_42, %swap3A_43, %swap3A_44], %broadcast_in_dim3A_41 {strides = array<i32>} : memref<1x1x64xf32, #tpu.memory_space<vmem>>, vector<1x1x64xf32>,
      %broadcast_in_dim3A_46 = arith.constant 0.000000e+00 : f32
      %broadcast_in_dim3A_47 = vector.broadcast %broadcast_in_dim3A_46 : f32 to vector<1x1x64xf32>
      %swap3A_48 = arith.constant 0 : index
      %swap3A_49 = arith.constant 0 : index
      %swap3A_50 = arith.constant 0 : index
      %swap3A_51 = vector.load %arg6[%swap3A_48, %swap3A_49, %swap3A_50] : memref<1x1x64xf32, #tpu.memory_space<vmem>>, vector<1x1x64xf32>
      tpu.vector_store %arg6[%swap3A_48, %swap3A_49, %swap3A_50], %broadcast_in_dim3A_47 {strides = array<i32>} : memref<1x1x64xf32, #tpu.memory_space<vmem>>, vector<1x1x64xf32>,
    } else {
    }
    %get3A_18 = arith.constant 0 : index
    %get3A_19 = arith.constant 0 : index
    %get3A_20 = arith.constant 0 : index
    %get3A_21 = vector.load %arg5[%get3A_18, %get3A_19, %get3A_20] : memref<1x1x64xf32, #tpu.memory_space<vmem>>, vector<1x1x64xf32>
    %reduce_sum3A = arith.constant dense<0.000000e+00> : vector<64xf32>
    %reduce_sum3A_22 = vector.multi_reduction <add>, %reshape3A_10, %reduce_sum3A [0] : vector<2048x64xf32> to vector<64xf32>
    %reshape3A_23 = vector.shape_cast %reduce_sum3A_22 : vector<64xf32> to vector<1x1x64xf32>
    %add3A = arith.addf %get3A_21, %reshape3A_23 : vector<1x1x64xf32>
    %swap3A_24 = arith.constant 0 : index
    %swap3A_25 = arith.constant 0 : index
    %swap3A_26 = arith.constant 0 : index
    %swap3A_27 = vector.load %arg5[%swap3A_24, %swap3A_25, %swap3A_26] : memref<1x1x64xf32, #tpu.memory_space<vmem>>, vector<1x1x64xf32>
    tpu.vector_store %arg5[%swap3A_24, %swap3A_25, %swap3A_26], %add3A {strides = array<i32>} : memref<1x1x64xf32, #tpu.memory_space<vmem>>, vector<1x1x64xf32>,
    %get3A_28 = arith.constant 0 : index
    %get3A_29 = arith.constant 0 : index
    %get3A_30 = arith.constant 0 : index
    %get3A_31 = vector.load %arg6[%get3A_28, %get3A_29, %get3A_30] : memref<1x1x64xf32, #tpu.memory_space<vmem>>, vector<1x1x64xf32>
    %mul3A = arith.mulf %reshape3A_10, %reshape3A_10 : vector<2048x64xf32>
    %reduce_sum3A_32 = arith.constant dense<0.000000e+00> : vector<64xf32>
    %reduce_sum3A_33 = vector.multi_reduction <add>, %mul3A, %reduce_sum3A_32 [0] : vector<2048x64xf32> to vector<64xf32>
    %reshape3A_34 = vector.shape_cast %reduce_sum3A_33 : vector<64xf32> to vector<1x1x64xf32>
    %add3A_35 = arith.addf %get3A_31, %reshape3A_34 : vector<1x1x64xf32>
    %swap3A_36 = arith.constant 0 : index
    %swap3A_37 = arith.constant 0 : index
    %swap3A_38 = arith.constant 0 : index
    %swap3A_39 = vector.load %arg6[%swap3A_36, %swap3A_37, %swap3A_38] : memref<1x1x64xf32, #tpu.memory_space<vmem>>, vector<1x1x64xf32>
    tpu.vector_store %arg6[%swap3A_36, %swap3A_37, %swap3A_38], %add3A_35 {strides = array<i32>} : memref<1x1x64xf32, #tpu.memory_space<vmem>>, vector<1x1x64xf32>,
    return
  }
  func.func @transform_0(%arg0: i32, %arg1: i32) -> (i32, i32, i32) {
    %c0_i32 = arith.constant 0 : i32
    %c0_i32_0 = arith.constant 0 : i32
    return %arg0, %arg1, %c0_i32 : i32, i32, i32
  }
  func.func @transform_1(%arg0: i32, %arg1: i32) -> (i32, i32, i32) {
    %c0_i32 = arith.constant 0 : i32
    %c0_i32_0 = arith.constant 0 : i32
    return %arg0, %arg1, %c0_i32 : i32, i32, i32
  }
  func.func @transform_2(%arg0: i32, %arg1: i32) -> (i32, i32, i32) {
    %c0_i32 = arith.constant 0 : i32
    %c0_i32_0 = arith.constant 0 : i32
    return %arg0, %arg1, %c0_i32 : i32, i32, i32
  }
  func.func @transform_3(%arg0: i32, %arg1: i32) -> (i32, i32, i32) {
    %c0_i32 = arith.constant 0 : i32
    %c0_i32_0 = arith.constant 0 : i32
    %c0_i32_1 = arith.constant 0 : i32
    return %arg0, %c0_i32, %c0_i32_0 : i32, i32, i32
  }
  func.func @transform_4(%arg0: i32, %arg1: i32) -> (i32, i32, i32) {
    %c0_i32 = arith.constant 0 : i32
    %c0_i32_0 = arith.constant 0 : i32
    %c0_i32_1 = arith.constant 0 : i32
    return %arg0, %c0_i32, %c0_i32_0 : i32, i32, i32
  }
}

module attributes {stable_mosaic.version = 14 : i64} {
  func.func @_layer_body(%arg0: i32, %arg1: i32, %arg2: memref<1x2048x64xf32, #tpu.memory_space<vmem>>, %arg3: memref<1x1x64xf32, #tpu.memory_space<vmem>>, %arg4: memref<1x1x64xf32, #tpu.memory_space<vmem>>, %arg5: memref<1x64xf32, #tpu.memory_space<vmem>>, %arg6: memref<1x64xf32, #tpu.memory_space<vmem>>, %arg7: memref<64x64xf32, #tpu.memory_space<vmem>>, %arg8: memref<1x2048x64xf32, #tpu.memory_space<vmem>>, %arg9: memref<1x1x64xf32, #tpu.memory_space<vmem>>, %arg10: memref<1x1x64xf32, #tpu.memory_space<vmem>>) attributes {dimension_semantics = [#tpu.dimension_semantics<arbitrary>, #tpu.dimension_semantics<arbitrary>], iteration_bounds = array<i64: 2, 64>, scalar_prefetch = 0 : i64, scratch_operands = 0 : i64, tpu.core_type = #tpu.core_type<tc>, window_params = [{transform_indices = @transform_0, window_bounds = array<i64: 1, 2048, 64>}, {transform_indices = @transform_1, window_bounds = array<i64: 1, 1, 64>}, {transform_indices = @transform_2, window_bounds = array<i64: 1, 1, 64>}, {pipeline_mode = #tpu.pipeline_mode<synchronous>, transform_indices = @transform_3, window_bounds = array<i64: 1, 64>}, {pipeline_mode = #tpu.pipeline_mode<synchronous>, transform_indices = @transform_4, window_bounds = array<i64: 1, 64>}, {pipeline_mode = #tpu.pipeline_mode<synchronous>, transform_indices = @transform_5, window_bounds = array<i64: 64, 64>}, {transform_indices = @transform_6, window_bounds = array<i64: 1, 2048, 64>}, {transform_indices = @transform_7, window_bounds = array<i64: 1, 1, 64>}, {transform_indices = @transform_8, window_bounds = array<i64: 1, 1, 64>}]} {
    %get3A = arith.constant 0 : index
    %get3A_0 = arith.constant 0 : index
    %get3A_1 = arith.constant 0 : index
    %get3A_2 = vector.load %arg3[%get3A, %get3A_0, %get3A_1] : memref<1x1x64xf32, #tpu.memory_space<vmem>>, vector<1x1x64xf32>
    %get3A_3 = vector.shape_cast %get3A_2 : vector<1x1x64xf32> to vector<1x64xf32>
    %div3A = arith.constant 1.310720e+05 : f32
    %div3A_4 = vector.broadcast %div3A : f32 to vector<1x64xf32>
    %div3A_5 = arith.divf %get3A_3, %div3A_4 : vector<1x64xf32>
    %get3A_6 = arith.constant 0 : index
    %get3A_7 = arith.constant 0 : index
    %get3A_8 = arith.constant 0 : index
    %get3A_9 = vector.load %arg4[%get3A_6, %get3A_7, %get3A_8] : memref<1x1x64xf32, #tpu.memory_space<vmem>>, vector<1x1x64xf32>
    %get3A_10 = vector.shape_cast %get3A_9 : vector<1x1x64xf32> to vector<1x64xf32>
    %div3A_11 = arith.constant 1.310720e+05 : f32
    %div3A_12 = vector.broadcast %div3A_11 : f32 to vector<1x64xf32>
    %div3A_13 = arith.divf %get3A_10, %div3A_12 : vector<1x64xf32>
    %mul3A = arith.mulf %div3A_5, %div3A_5 : vector<1x64xf32>
    %sub3A = arith.subf %div3A_13, %mul3A : vector<1x64xf32>
    %get3A_14 = arith.constant 0 : index
    %get3A_15 = arith.constant 0 : index
    %get3A_16 = vector.load %arg5[%get3A_14, %get3A_15] : memref<1x64xf32, #tpu.memory_space<vmem>>, vector<1x64xf32>
    %add3A = arith.constant 9.99999974E-6 : f32
    %add3A_17 = vector.broadcast %add3A : f32 to vector<1x64xf32>
    %add3A_18 = arith.addf %sub3A, %add3A_17 : vector<1x64xf32>
    %rsqrt3A = math.rsqrt %add3A_18 : vector<1x64xf32>
    %mul3A_19 = arith.mulf %get3A_16, %rsqrt3A : vector<1x64xf32>
    %get3A_20 = arith.constant 0 : index
    %get3A_21 = arith.constant 0 : index
    %get3A_22 = vector.load %arg6[%get3A_20, %get3A_21] : memref<1x64xf32, #tpu.memory_space<vmem>>, vector<1x64xf32>
    %mul3A_23 = arith.mulf %div3A_5, %mul3A_19 : vector<1x64xf32>
    %sub3A_24 = arith.subf %get3A_22, %mul3A_23 : vector<1x64xf32>
    %get3A_25 = arith.constant 0 : index
    %get3A_26 = arith.constant 0 : index
    %get3A_27 = arith.constant 0 : index
    %get3A_28 = vector.load %arg2[%get3A_25, %get3A_26, %get3A_27] : memref<1x2048x64xf32, #tpu.memory_space<vmem>>, vector<1x2048x64xf32>
    %get3A_29 = vector.shape_cast %get3A_28 : vector<1x2048x64xf32> to vector<2048x64xf32>
    %mul3A_30 = vector.broadcast %mul3A_19 : vector<1x64xf32> to vector<2048x64xf32>
    %mul3A_31 = arith.mulf %get3A_29, %mul3A_30 : vector<2048x64xf32>
    %add3A_32 = vector.broadcast %sub3A_24 : vector<1x64xf32> to vector<2048x64xf32>
    %add3A_33 = arith.addf %mul3A_31, %add3A_32 : vector<2048x64xf32>
    %max3A = arith.constant 0.000000e+00 : f32
    %max3A_34 = vector.broadcast %max3A : f32 to vector<2048x64xf32>
    %max3A_35 = arith.maximumf %add3A_33, %max3A_34 : vector<2048x64xf32>
    %get3A_36 = arith.constant 0 : index
    %get3A_37 = arith.constant 0 : index
    %get3A_38 = vector.load %arg7[%get3A_36, %get3A_37] : memref<64x64xf32, #tpu.memory_space<vmem>>, vector<64x64xf32>
    %dot_general3A = arith.constant dense<0.000000e+00> : vector<2048x64xf32>
    %dot_general3A_39 = tpu.matmul %max3A_35, %get3A_38, %dot_general3A {dimension_numbers = #tpu.dot_dimension_numbers<[1], [1], [0], [0], [0, 0, 1, 0], [], []>, transpose_lhs_hint = false} : vector<2048x64xf32>, vector<64x64xf32>, vector<2048x64xf32> -> vector<2048x64xf32>
    %swap3A = arith.constant 0 : index
    %swap3A_40 = arith.constant 0 : index
    %swap3A_41 = arith.constant 0 : index
    %swap3A_42 = vector.load %arg8[%swap3A, %swap3A_40, %swap3A_41] : memref<1x2048x64xf32, #tpu.memory_space<vmem>>, vector<1x2048x64xf32>
    %swap3A_43 = vector.shape_cast %swap3A_42 : vector<1x2048x64xf32> to vector<2048x64xf32>
    %swap3A_44 = vector.shape_cast %dot_general3A_39 : vector<2048x64xf32> to vector<1x2048x64xf32>
    tpu.vector_store %arg8[%swap3A, %swap3A_40, %swap3A_41], %swap3A_44 {strides = array<i32>} : memref<1x2048x64xf32, #tpu.memory_space<vmem>>, vector<1x2048x64xf32>,
    %eq3A = arith.constant 0 : i32
    %eq3A_45 = arith.cmpi eq, %arg1, %eq3A : i32
    %convert_element_type3A = arith.extui %eq3A_45 : i1 to i32
    %cond3A = arith.constant 0 : i32
    %cond3A_46 = arith.cmpi ne, %convert_element_type3A, %cond3A : i32
    scf.if %cond3A_46 {
      %broadcast_in_dim3A = arith.constant 0.000000e+00 : f32
      %broadcast_in_dim3A_70 = vector.broadcast %broadcast_in_dim3A : f32 to vector<1x1x64xf32>
      %swap3A_71 = arith.constant 0 : index
      %swap3A_72 = arith.constant 0 : index
      %swap3A_73 = arith.constant 0 : index
      %swap3A_74 = vector.load %arg9[%swap3A_71, %swap3A_72, %swap3A_73] : memref<1x1x64xf32, #tpu.memory_space<vmem>>, vector<1x1x64xf32>
      tpu.vector_store %arg9[%swap3A_71, %swap3A_72, %swap3A_73], %broadcast_in_dim3A_70 {strides = array<i32>} : memref<1x1x64xf32, #tpu.memory_space<vmem>>, vector<1x1x64xf32>,
      %broadcast_in_dim3A_75 = arith.constant 0.000000e+00 : f32
      %broadcast_in_dim3A_76 = vector.broadcast %broadcast_in_dim3A_75 : f32 to vector<1x1x64xf32>
      %swap3A_77 = arith.constant 0 : index
      %swap3A_78 = arith.constant 0 : index
      %swap3A_79 = arith.constant 0 : index
      %swap3A_80 = vector.load %arg10[%swap3A_77, %swap3A_78, %swap3A_79] : memref<1x1x64xf32, #tpu.memory_space<vmem>>, vector<1x1x64xf32>
      tpu.vector_store %arg10[%swap3A_77, %swap3A_78, %swap3A_79], %broadcast_in_dim3A_76 {strides = array<i32>} : memref<1x1x64xf32, #tpu.memory_space<vmem>>, vector<1x1x64xf32>,
    } else {
    }
    %get3A_47 = arith.constant 0 : index
    %get3A_48 = arith.constant 0 : index
    %get3A_49 = arith.constant 0 : index
    %get3A_50 = vector.load %arg9[%get3A_47, %get3A_48, %get3A_49] : memref<1x1x64xf32, #tpu.memory_space<vmem>>, vector<1x1x64xf32>
    %reduce_sum3A = arith.constant dense<0.000000e+00> : vector<64xf32>
    %reduce_sum3A_51 = vector.multi_reduction <add>, %dot_general3A_39, %reduce_sum3A [0] : vector<2048x64xf32> to vector<64xf32>
    %reshape3A = vector.shape_cast %reduce_sum3A_51 : vector<64xf32> to vector<1x1x64xf32>
    %add3A_52 = arith.addf %get3A_50, %reshape3A : vector<1x1x64xf32>
    %swap3A_53 = arith.constant 0 : index
    %swap3A_54 = arith.constant 0 : index
    %swap3A_55 = arith.constant 0 : index
    %swap3A_56 = vector.load %arg9[%swap3A_53, %swap3A_54, %swap3A_55] : memref<1x1x64xf32, #tpu.memory_space<vmem>>, vector<1x1x64xf32>
    tpu.vector_store %arg9[%swap3A_53, %swap3A_54, %swap3A_55], %add3A_52 {strides = array<i32>} : memref<1x1x64xf32, #tpu.memory_space<vmem>>, vector<1x1x64xf32>,
    %get3A_57 = arith.constant 0 : index
    %get3A_58 = arith.constant 0 : index
    %get3A_59 = arith.constant 0 : index
    %get3A_60 = vector.load %arg10[%get3A_57, %get3A_58, %get3A_59] : memref<1x1x64xf32, #tpu.memory_space<vmem>>, vector<1x1x64xf32>
    %mul3A_61 = arith.mulf %dot_general3A_39, %dot_general3A_39 : vector<2048x64xf32>
    %reduce_sum3A_62 = arith.constant dense<0.000000e+00> : vector<64xf32>
    %reduce_sum3A_63 = vector.multi_reduction <add>, %mul3A_61, %reduce_sum3A_62 [0] : vector<2048x64xf32> to vector<64xf32>
    %reshape3A_64 = vector.shape_cast %reduce_sum3A_63 : vector<64xf32> to vector<1x1x64xf32>
    %add3A_65 = arith.addf %get3A_60, %reshape3A_64 : vector<1x1x64xf32>
    %swap3A_66 = arith.constant 0 : index
    %swap3A_67 = arith.constant 0 : index
    %swap3A_68 = arith.constant 0 : index
    %swap3A_69 = vector.load %arg10[%swap3A_66, %swap3A_67, %swap3A_68] : memref<1x1x64xf32, #tpu.memory_space<vmem>>, vector<1x1x64xf32>
    tpu.vector_store %arg10[%swap3A_66, %swap3A_67, %swap3A_68], %add3A_65 {strides = array<i32>} : memref<1x1x64xf32, #tpu.memory_space<vmem>>, vector<1x1x64xf32>,
    return
  }
  func.func @transform_0(%arg0: i32, %arg1: i32) -> (i32, i32, i32) {
    %c0_i32 = arith.constant 0 : i32
    %c0_i32_0 = arith.constant 0 : i32
    return %arg0, %arg1, %c0_i32 : i32, i32, i32
  }
  func.func @transform_1(%arg0: i32, %arg1: i32) -> (i32, i32, i32) {
    %c0_i32 = arith.constant 0 : i32
    %c0_i32_0 = arith.constant 0 : i32
    %c0_i32_1 = arith.constant 0 : i32
    return %arg0, %c0_i32, %c0_i32_0 : i32, i32, i32
  }
  func.func @transform_2(%arg0: i32, %arg1: i32) -> (i32, i32, i32) {
    %c0_i32 = arith.constant 0 : i32
    %c0_i32_0 = arith.constant 0 : i32
    %c0_i32_1 = arith.constant 0 : i32
    return %arg0, %c0_i32, %c0_i32_0 : i32, i32, i32
  }
  func.func @transform_3(%arg0: i32, %arg1: i32) -> (i32, i32) {
    %c0_i32 = arith.constant 0 : i32
    %c0_i32_0 = arith.constant 0 : i32
    %c0_i32_1 = arith.constant 0 : i32
    return %c0_i32, %c0_i32_0 : i32, i32
  }
  func.func @transform_4(%arg0: i32, %arg1: i32) -> (i32, i32) {
    %c0_i32 = arith.constant 0 : i32
    %c0_i32_0 = arith.constant 0 : i32
    %c0_i32_1 = arith.constant 0 : i32
    return %c0_i32, %c0_i32_0 : i32, i32
  }
  func.func @transform_5(%arg0: i32, %arg1: i32) -> (i32, i32) {
    %c0_i32 = arith.constant 0 : i32
    %c0_i32_0 = arith.constant 0 : i32
    %c0_i32_1 = arith.constant 0 : i32
    return %c0_i32, %c0_i32_0 : i32, i32
  }
  func.func @transform_6(%arg0: i32, %arg1: i32) -> (i32, i32, i32) {
    %c0_i32 = arith.constant 0 : i32
    %c0_i32_0 = arith.constant 0 : i32
    return %arg0, %arg1, %c0_i32 : i32, i32, i32
  }
  func.func @transform_7(%arg0: i32, %arg1: i32) -> (i32, i32, i32) {
    %c0_i32 = arith.constant 0 : i32
    %c0_i32_0 = arith.constant 0 : i32
    %c0_i32_1 = arith.constant 0 : i32
    return %arg0, %c0_i32, %c0_i32_0 : i32, i32, i32
  }
  func.func @transform_8(%arg0: i32, %arg1: i32) -> (i32, i32, i32) {
    %c0_i32 = arith.constant 0 : i32
    %c0_i32_0 = arith.constant 0 : i32
    %c0_i32_1 = arith.constant 0 : i32
    return %arg0, %c0_i32, %c0_i32_0 : i32, i32, i32
  }
}

module attributes {stable_mosaic.version = 14 : i64} {
  func.func @_layer_body(%arg0: i32, %arg1: i32, %arg2: memref<1x2048x64xf32, #tpu.memory_space<vmem>>, %arg3: memref<1x1x64xf32, #tpu.memory_space<vmem>>, %arg4: memref<1x1x64xf32, #tpu.memory_space<vmem>>, %arg5: memref<1x64xf32, #tpu.memory_space<vmem>>, %arg6: memref<1x64xf32, #tpu.memory_space<vmem>>, %arg7: memref<128x64xf32, #tpu.memory_space<vmem>>, %arg8: memref<1x2048x128xf32, #tpu.memory_space<vmem>>, %arg9: memref<1x1x128xf32, #tpu.memory_space<vmem>>, %arg10: memref<1x1x128xf32, #tpu.memory_space<vmem>>) attributes {dimension_semantics = [#tpu.dimension_semantics<arbitrary>, #tpu.dimension_semantics<arbitrary>], iteration_bounds = array<i64: 2, 64>, scalar_prefetch = 0 : i64, scratch_operands = 0 : i64, tpu.core_type = #tpu.core_type<tc>, window_params = [{transform_indices = @transform_0, window_bounds = array<i64: 1, 2048, 64>}, {transform_indices = @transform_1, window_bounds = array<i64: 1, 1, 64>}, {transform_indices = @transform_2, window_bounds = array<i64: 1, 1, 64>}, {pipeline_mode = #tpu.pipeline_mode<synchronous>, transform_indices = @transform_3, window_bounds = array<i64: 1, 64>}, {pipeline_mode = #tpu.pipeline_mode<synchronous>, transform_indices = @transform_4, window_bounds = array<i64: 1, 64>}, {pipeline_mode = #tpu.pipeline_mode<synchronous>, transform_indices = @transform_5, window_bounds = array<i64: 128, 64>}, {transform_indices = @transform_6, window_bounds = array<i64: 1, 2048, 128>}, {transform_indices = @transform_7, window_bounds = array<i64: 1, 1, 128>}, {transform_indices = @transform_8, window_bounds = array<i64: 1, 1, 128>}]} {
    %get3A = arith.constant 0 : index
    %get3A_0 = arith.constant 0 : index
    %get3A_1 = arith.constant 0 : index
    %get3A_2 = vector.load %arg3[%get3A, %get3A_0, %get3A_1] : memref<1x1x64xf32, #tpu.memory_space<vmem>>, vector<1x1x64xf32>
    %get3A_3 = vector.shape_cast %get3A_2 : vector<1x1x64xf32> to vector<1x64xf32>
    %div3A = arith.constant 1.310720e+05 : f32
    %div3A_4 = vector.broadcast %div3A : f32 to vector<1x64xf32>
    %div3A_5 = arith.divf %get3A_3, %div3A_4 : vector<1x64xf32>
    %get3A_6 = arith.constant 0 : index
    %get3A_7 = arith.constant 0 : index
    %get3A_8 = arith.constant 0 : index
    %get3A_9 = vector.load %arg4[%get3A_6, %get3A_7, %get3A_8] : memref<1x1x64xf32, #tpu.memory_space<vmem>>, vector<1x1x64xf32>
    %get3A_10 = vector.shape_cast %get3A_9 : vector<1x1x64xf32> to vector<1x64xf32>
    %div3A_11 = arith.constant 1.310720e+05 : f32
    %div3A_12 = vector.broadcast %div3A_11 : f32 to vector<1x64xf32>
    %div3A_13 = arith.divf %get3A_10, %div3A_12 : vector<1x64xf32>
    %mul3A = arith.mulf %div3A_5, %div3A_5 : vector<1x64xf32>
    %sub3A = arith.subf %div3A_13, %mul3A : vector<1x64xf32>
    %get3A_14 = arith.constant 0 : index
    %get3A_15 = arith.constant 0 : index
    %get3A_16 = vector.load %arg5[%get3A_14, %get3A_15] : memref<1x64xf32, #tpu.memory_space<vmem>>, vector<1x64xf32>
    %add3A = arith.constant 9.99999974E-6 : f32
    %add3A_17 = vector.broadcast %add3A : f32 to vector<1x64xf32>
    %add3A_18 = arith.addf %sub3A, %add3A_17 : vector<1x64xf32>
    %rsqrt3A = math.rsqrt %add3A_18 : vector<1x64xf32>
    %mul3A_19 = arith.mulf %get3A_16, %rsqrt3A : vector<1x64xf32>
    %get3A_20 = arith.constant 0 : index
    %get3A_21 = arith.constant 0 : index
    %get3A_22 = vector.load %arg6[%get3A_20, %get3A_21] : memref<1x64xf32, #tpu.memory_space<vmem>>, vector<1x64xf32>
    %mul3A_23 = arith.mulf %div3A_5, %mul3A_19 : vector<1x64xf32>
    %sub3A_24 = arith.subf %get3A_22, %mul3A_23 : vector<1x64xf32>
    %get3A_25 = arith.constant 0 : index
    %get3A_26 = arith.constant 0 : index
    %get3A_27 = arith.constant 0 : index
    %get3A_28 = vector.load %arg2[%get3A_25, %get3A_26, %get3A_27] : memref<1x2048x64xf32, #tpu.memory_space<vmem>>, vector<1x2048x64xf32>
    %get3A_29 = vector.shape_cast %get3A_28 : vector<1x2048x64xf32> to vector<2048x64xf32>
    %mul3A_30 = vector.broadcast %mul3A_19 : vector<1x64xf32> to vector<2048x64xf32>
    %mul3A_31 = arith.mulf %get3A_29, %mul3A_30 : vector<2048x64xf32>
    %add3A_32 = vector.broadcast %sub3A_24 : vector<1x64xf32> to vector<2048x64xf32>
    %add3A_33 = arith.addf %mul3A_31, %add3A_32 : vector<2048x64xf32>
    %max3A = arith.constant 0.000000e+00 : f32
    %max3A_34 = vector.broadcast %max3A : f32 to vector<2048x64xf32>
    %max3A_35 = arith.maximumf %add3A_33, %max3A_34 : vector<2048x64xf32>
    %get3A_36 = arith.constant 0 : index
    %get3A_37 = arith.constant 0 : index
    %get3A_38 = vector.load %arg7[%get3A_36, %get3A_37] : memref<128x64xf32, #tpu.memory_space<vmem>>, vector<128x64xf32>
    %dot_general3A = arith.constant dense<0.000000e+00> : vector<2048x128xf32>
    %dot_general3A_39 = tpu.matmul %max3A_35, %get3A_38, %dot_general3A {dimension_numbers = #tpu.dot_dimension_numbers<[1], [1], [0], [0], [0, 0, 1, 0], [], []>, transpose_lhs_hint = false} : vector<2048x64xf32>, vector<128x64xf32>, vector<2048x128xf32> -> vector<2048x128xf32>
    %swap3A = arith.constant 0 : index
    %swap3A_40 = arith.constant 0 : index
    %swap3A_41 = arith.constant 0 : index
    %swap3A_42 = vector.load %arg8[%swap3A, %swap3A_40, %swap3A_41] : memref<1x2048x128xf32, #tpu.memory_space<vmem>>, vector<1x2048x128xf32>
    %swap3A_43 = vector.shape_cast %swap3A_42 : vector<1x2048x128xf32> to vector<2048x128xf32>
    %swap3A_44 = vector.shape_cast %dot_general3A_39 : vector<2048x128xf32> to vector<1x2048x128xf32>
    tpu.vector_store %arg8[%swap3A, %swap3A_40, %swap3A_41], %swap3A_44 {strides = array<i32>} : memref<1x2048x128xf32, #tpu.memory_space<vmem>>, vector<1x2048x128xf32>,
    %eq3A = arith.constant 0 : i32
    %eq3A_45 = arith.cmpi eq, %arg1, %eq3A : i32
    %convert_element_type3A = arith.extui %eq3A_45 : i1 to i32
    %cond3A = arith.constant 0 : i32
    %cond3A_46 = arith.cmpi ne, %convert_element_type3A, %cond3A : i32
    scf.if %cond3A_46 {
      %broadcast_in_dim3A = arith.constant 0.000000e+00 : f32
      %broadcast_in_dim3A_70 = vector.broadcast %broadcast_in_dim3A : f32 to vector<1x1x128xf32>
      %swap3A_71 = arith.constant 0 : index
      %swap3A_72 = arith.constant 0 : index
      %swap3A_73 = arith.constant 0 : index
      %swap3A_74 = vector.load %arg9[%swap3A_71, %swap3A_72, %swap3A_73] : memref<1x1x128xf32, #tpu.memory_space<vmem>>, vector<1x1x128xf32>
      tpu.vector_store %arg9[%swap3A_71, %swap3A_72, %swap3A_73], %broadcast_in_dim3A_70 {strides = array<i32>} : memref<1x1x128xf32, #tpu.memory_space<vmem>>, vector<1x1x128xf32>,
      %broadcast_in_dim3A_75 = arith.constant 0.000000e+00 : f32
      %broadcast_in_dim3A_76 = vector.broadcast %broadcast_in_dim3A_75 : f32 to vector<1x1x128xf32>
      %swap3A_77 = arith.constant 0 : index
      %swap3A_78 = arith.constant 0 : index
      %swap3A_79 = arith.constant 0 : index
      %swap3A_80 = vector.load %arg10[%swap3A_77, %swap3A_78, %swap3A_79] : memref<1x1x128xf32, #tpu.memory_space<vmem>>, vector<1x1x128xf32>
      tpu.vector_store %arg10[%swap3A_77, %swap3A_78, %swap3A_79], %broadcast_in_dim3A_76 {strides = array<i32>} : memref<1x1x128xf32, #tpu.memory_space<vmem>>, vector<1x1x128xf32>,
    } else {
    }
    %get3A_47 = arith.constant 0 : index
    %get3A_48 = arith.constant 0 : index
    %get3A_49 = arith.constant 0 : index
    %get3A_50 = vector.load %arg9[%get3A_47, %get3A_48, %get3A_49] : memref<1x1x128xf32, #tpu.memory_space<vmem>>, vector<1x1x128xf32>
    %reduce_sum3A = arith.constant dense<0.000000e+00> : vector<128xf32>
    %reduce_sum3A_51 = vector.multi_reduction <add>, %dot_general3A_39, %reduce_sum3A [0] : vector<2048x128xf32> to vector<128xf32>
    %reshape3A = vector.shape_cast %reduce_sum3A_51 : vector<128xf32> to vector<1x1x128xf32>
    %add3A_52 = arith.addf %get3A_50, %reshape3A : vector<1x1x128xf32>
    %swap3A_53 = arith.constant 0 : index
    %swap3A_54 = arith.constant 0 : index
    %swap3A_55 = arith.constant 0 : index
    %swap3A_56 = vector.load %arg9[%swap3A_53, %swap3A_54, %swap3A_55] : memref<1x1x128xf32, #tpu.memory_space<vmem>>, vector<1x1x128xf32>
    tpu.vector_store %arg9[%swap3A_53, %swap3A_54, %swap3A_55], %add3A_52 {strides = array<i32>} : memref<1x1x128xf32, #tpu.memory_space<vmem>>, vector<1x1x128xf32>,
    %get3A_57 = arith.constant 0 : index
    %get3A_58 = arith.constant 0 : index
    %get3A_59 = arith.constant 0 : index
    %get3A_60 = vector.load %arg10[%get3A_57, %get3A_58, %get3A_59] : memref<1x1x128xf32, #tpu.memory_space<vmem>>, vector<1x1x128xf32>
    %mul3A_61 = arith.mulf %dot_general3A_39, %dot_general3A_39 : vector<2048x128xf32>
    %reduce_sum3A_62 = arith.constant dense<0.000000e+00> : vector<128xf32>
    %reduce_sum3A_63 = vector.multi_reduction <add>, %mul3A_61, %reduce_sum3A_62 [0] : vector<2048x128xf32> to vector<128xf32>
    %reshape3A_64 = vector.shape_cast %reduce_sum3A_63 : vector<128xf32> to vector<1x1x128xf32>
    %add3A_65 = arith.addf %get3A_60, %reshape3A_64 : vector<1x1x128xf32>
    %swap3A_66 = arith.constant 0 : index
    %swap3A_67 = arith.constant 0 : index
    %swap3A_68 = arith.constant 0 : index
    %swap3A_69 = vector.load %arg10[%swap3A_66, %swap3A_67, %swap3A_68] : memref<1x1x128xf32, #tpu.memory_space<vmem>>, vector<1x1x128xf32>
    tpu.vector_store %arg10[%swap3A_66, %swap3A_67, %swap3A_68], %add3A_65 {strides = array<i32>} : memref<1x1x128xf32, #tpu.memory_space<vmem>>, vector<1x1x128xf32>,
    return
  }
  func.func @transform_0(%arg0: i32, %arg1: i32) -> (i32, i32, i32) {
    %c0_i32 = arith.constant 0 : i32
    %c0_i32_0 = arith.constant 0 : i32
    return %arg0, %arg1, %c0_i32 : i32, i32, i32
  }
  func.func @transform_1(%arg0: i32, %arg1: i32) -> (i32, i32, i32) {
    %c0_i32 = arith.constant 0 : i32
    %c0_i32_0 = arith.constant 0 : i32
    %c0_i32_1 = arith.constant 0 : i32
    return %arg0, %c0_i32, %c0_i32_0 : i32, i32, i32
  }
  func.func @transform_2(%arg0: i32, %arg1: i32) -> (i32, i32, i32) {
    %c0_i32 = arith.constant 0 : i32
    %c0_i32_0 = arith.constant 0 : i32
    %c0_i32_1 = arith.constant 0 : i32
    return %arg0, %c0_i32, %c0_i32_0 : i32, i32, i32
  }
  func.func @transform_3(%arg0: i32, %arg1: i32) -> (i32, i32) {
    %c0_i32 = arith.constant 0 : i32
    %c0_i32_0 = arith.constant 0 : i32
    %c0_i32_1 = arith.constant 0 : i32
    return %c0_i32, %c0_i32_0 : i32, i32
  }
  func.func @transform_4(%arg0: i32, %arg1: i32) -> (i32, i32) {
    %c0_i32 = arith.constant 0 : i32
    %c0_i32_0 = arith.constant 0 : i32
    %c0_i32_1 = arith.constant 0 : i32
    return %c0_i32, %c0_i32_0 : i32, i32
  }
  func.func @transform_5(%arg0: i32, %arg1: i32) -> (i32, i32) {
    %c0_i32 = arith.constant 0 : i32
    %c0_i32_0 = arith.constant 0 : i32
    %c0_i32_1 = arith.constant 0 : i32
    return %c0_i32, %c0_i32_0 : i32, i32
  }
  func.func @transform_6(%arg0: i32, %arg1: i32) -> (i32, i32, i32) {
    %c0_i32 = arith.constant 0 : i32
    %c0_i32_0 = arith.constant 0 : i32
    return %arg0, %arg1, %c0_i32 : i32, i32, i32
  }
  func.func @transform_7(%arg0: i32, %arg1: i32) -> (i32, i32, i32) {
    %c0_i32 = arith.constant 0 : i32
    %c0_i32_0 = arith.constant 0 : i32
    %c0_i32_1 = arith.constant 0 : i32
    return %arg0, %c0_i32, %c0_i32_0 : i32, i32, i32
  }
  func.func @transform_8(%arg0: i32, %arg1: i32) -> (i32, i32, i32) {
    %c0_i32 = arith.constant 0 : i32
    %c0_i32_0 = arith.constant 0 : i32
    %c0_i32_1 = arith.constant 0 : i32
    return %arg0, %c0_i32, %c0_i32_0 : i32, i32, i32
  }
}

module attributes {stable_mosaic.version = 14 : i64} {
  func.func @_pool2_body(%arg0: i32, %arg1: i32, %arg2: memref<1x2048x128xf32, #tpu.memory_space<vmem>>, %arg3: memref<1x1x128xf32, #tpu.memory_space<vmem>>, %arg4: memref<1x1x128xf32, #tpu.memory_space<vmem>>, %arg5: memref<1x128xf32, #tpu.memory_space<vmem>>, %arg6: memref<1x128xf32, #tpu.memory_space<vmem>>, %arg7: memref<256x128xf32, #tpu.memory_space<vmem>>, %arg8: memref<1x128x256xf32, #tpu.memory_space<vmem>>, %arg9: memref<1x256xf32, #tpu.memory_space<vmem>>, %arg10: memref<1x256xf32, #tpu.memory_space<vmem>>) attributes {dimension_semantics = [#tpu.dimension_semantics<arbitrary>, #tpu.dimension_semantics<arbitrary>], iteration_bounds = array<i64: 2, 64>, scalar_prefetch = 0 : i64, scratch_operands = 0 : i64, tpu.core_type = #tpu.core_type<tc>, window_params = [{transform_indices = @transform_0, window_bounds = array<i64: 1, 2048, 128>}, {transform_indices = @transform_1, window_bounds = array<i64: 1, 1, 128>}, {transform_indices = @transform_2, window_bounds = array<i64: 1, 1, 128>}, {pipeline_mode = #tpu.pipeline_mode<synchronous>, transform_indices = @transform_3, window_bounds = array<i64: 1, 128>}, {pipeline_mode = #tpu.pipeline_mode<synchronous>, transform_indices = @transform_4, window_bounds = array<i64: 1, 128>}, {pipeline_mode = #tpu.pipeline_mode<synchronous>, transform_indices = @transform_5, window_bounds = array<i64: 256, 128>}, {transform_indices = @transform_6, window_bounds = array<i64: 1, 128, 256>}, {pipeline_mode = #tpu.pipeline_mode<synchronous>, transform_indices = @transform_7, window_bounds = array<i64: 1, 256>}, {pipeline_mode = #tpu.pipeline_mode<synchronous>, transform_indices = @transform_8, window_bounds = array<i64: 1, 256>}]} {
    %get3A = arith.constant 0 : index
    %get3A_0 = arith.constant 0 : index
    %get3A_1 = arith.constant 0 : index
    %get3A_2 = vector.load %arg3[%get3A, %get3A_0, %get3A_1] : memref<1x1x128xf32, #tpu.memory_space<vmem>>, vector<1x1x128xf32>
    %get3A_3 = vector.shape_cast %get3A_2 : vector<1x1x128xf32> to vector<1x128xf32>
    %div3A = arith.constant 1.310720e+05 : f32
    %div3A_4 = vector.broadcast %div3A : f32 to vector<1x128xf32>
    %div3A_5 = arith.divf %get3A_3, %div3A_4 : vector<1x128xf32>
    %get3A_6 = arith.constant 0 : index
    %get3A_7 = arith.constant 0 : index
    %get3A_8 = arith.constant 0 : index
    %get3A_9 = vector.load %arg4[%get3A_6, %get3A_7, %get3A_8] : memref<1x1x128xf32, #tpu.memory_space<vmem>>, vector<1x1x128xf32>
    %get3A_10 = vector.shape_cast %get3A_9 : vector<1x1x128xf32> to vector<1x128xf32>
    %div3A_11 = arith.constant 1.310720e+05 : f32
    %div3A_12 = vector.broadcast %div3A_11 : f32 to vector<1x128xf32>
    %div3A_13 = arith.divf %get3A_10, %div3A_12 : vector<1x128xf32>
    %mul3A = arith.mulf %div3A_5, %div3A_5 : vector<1x128xf32>
    %sub3A = arith.subf %div3A_13, %mul3A : vector<1x128xf32>
    %get3A_14 = arith.constant 0 : index
    %get3A_15 = arith.constant 0 : index
    %get3A_16 = vector.load %arg5[%get3A_14, %get3A_15] : memref<1x128xf32, #tpu.memory_space<vmem>>, vector<1x128xf32>
    %add3A = arith.constant 9.99999974E-6 : f32
    %add3A_17 = vector.broadcast %add3A : f32 to vector<1x128xf32>
    %add3A_18 = arith.addf %sub3A, %add3A_17 : vector<1x128xf32>
    %rsqrt3A = math.rsqrt %add3A_18 : vector<1x128xf32>
    %mul3A_19 = arith.mulf %get3A_16, %rsqrt3A : vector<1x128xf32>
    %get3A_20 = arith.constant 0 : index
    %get3A_21 = arith.constant 0 : index
    %get3A_22 = vector.load %arg6[%get3A_20, %get3A_21] : memref<1x128xf32, #tpu.memory_space<vmem>>, vector<1x128xf32>
    %mul3A_23 = arith.mulf %div3A_5, %mul3A_19 : vector<1x128xf32>
    %sub3A_24 = arith.subf %get3A_22, %mul3A_23 : vector<1x128xf32>
    %get3A_25 = arith.constant 0 : index
    %get3A_26 = arith.constant 0 : index
    %get3A_27 = arith.constant 0 : index
    %get3A_28 = vector.load %arg2[%get3A_25, %get3A_26, %get3A_27] : memref<1x2048x128xf32, #tpu.memory_space<vmem>>, vector<1x2048x128xf32>
    %get3A_29 = vector.shape_cast %get3A_28 : vector<1x2048x128xf32> to vector<2048x128xf32>
    %mul3A_30 = vector.broadcast %mul3A_19 : vector<1x128xf32> to vector<2048x128xf32>
    %mul3A_31 = arith.mulf %get3A_29, %mul3A_30 : vector<2048x128xf32>
    %add3A_32 = vector.broadcast %sub3A_24 : vector<1x128xf32> to vector<2048x128xf32>
    %add3A_33 = arith.addf %mul3A_31, %add3A_32 : vector<2048x128xf32>
    %max3A = arith.constant 0.000000e+00 : f32
    %max3A_34 = vector.broadcast %max3A : f32 to vector<2048x128xf32>
    %max3A_35 = arith.maximumf %add3A_33, %max3A_34 : vector<2048x128xf32>
    %reshape3A = vector.shape_cast %max3A_35 : vector<2048x128xf32> to vector<128x16x128xf32>
    %reduce_max3A = arith.constant dense<0xFF800000> : vector<128x128xf32>
    %reduce_max3A_36 = vector.multi_reduction <maximumf>, %reshape3A, %reduce_max3A [1] : vector<128x16x128xf32> to vector<128x128xf32>
    %get3A_37 = arith.constant 0 : index
    %get3A_38 = arith.constant 0 : index
    %get3A_39 = vector.load %arg7[%get3A_37, %get3A_38] : memref<256x128xf32, #tpu.memory_space<vmem>>, vector<256x128xf32>
    %dot_general3A = arith.constant dense<0.000000e+00> : vector<128x256xf32>
    %dot_general3A_40 = tpu.matmul %reduce_max3A_36, %get3A_39, %dot_general3A {dimension_numbers = #tpu.dot_dimension_numbers<[1], [1], [0], [0], [0, 0, 1, 0], [], []>, transpose_lhs_hint = false} : vector<128x128xf32>, vector<256x128xf32>, vector<128x256xf32> -> vector<128x256xf32>
    %swap3A = arith.constant 0 : index
    %swap3A_41 = arith.constant 0 : index
    %swap3A_42 = arith.constant 0 : index
    %swap3A_43 = vector.load %arg8[%swap3A, %swap3A_41, %swap3A_42] : memref<1x128x256xf32, #tpu.memory_space<vmem>>, vector<1x128x256xf32>
    %swap3A_44 = vector.shape_cast %swap3A_43 : vector<1x128x256xf32> to vector<128x256xf32>
    %swap3A_45 = vector.shape_cast %dot_general3A_40 : vector<128x256xf32> to vector<1x128x256xf32>
    tpu.vector_store %arg8[%swap3A, %swap3A_41, %swap3A_42], %swap3A_45 {strides = array<i32>} : memref<1x128x256xf32, #tpu.memory_space<vmem>>, vector<1x128x256xf32>,
    %eq3A = arith.constant 0 : i32
    %eq3A_46 = arith.cmpi eq, %arg0, %eq3A : i32
    %eq3A_47 = arith.constant 0 : i32
    %eq3A_48 = arith.cmpi eq, %arg1, %eq3A_47 : i32
    %and3A = arith.andi %eq3A_46, %eq3A_48 : i1
    %convert_element_type3A = arith.extui %and3A : i1 to i32
    %cond3A = arith.constant 0 : i32
    %cond3A_49 = arith.cmpi ne, %convert_element_type3A, %cond3A : i32
    scf.if %cond3A_49 {
      %broadcast_in_dim3A_69 = arith.constant 0.000000e+00 : f32
      %broadcast_in_dim3A_70 = vector.broadcast %broadcast_in_dim3A_69 : f32 to vector<1x256xf32>
      %swap3A_71 = arith.constant 0 : index
      %swap3A_72 = arith.constant 0 : index
      %swap3A_73 = vector.load %arg9[%swap3A_71, %swap3A_72] : memref<1x256xf32, #tpu.memory_space<vmem>>, vector<1x256xf32>
      tpu.vector_store %arg9[%swap3A_71, %swap3A_72], %broadcast_in_dim3A_70 {strides = array<i32>} : memref<1x256xf32, #tpu.memory_space<vmem>>, vector<1x256xf32>,
      %broadcast_in_dim3A_74 = arith.constant 0.000000e+00 : f32
      %broadcast_in_dim3A_75 = vector.broadcast %broadcast_in_dim3A_74 : f32 to vector<1x256xf32>
      %swap3A_76 = arith.constant 0 : index
      %swap3A_77 = arith.constant 0 : index
      %swap3A_78 = vector.load %arg10[%swap3A_76, %swap3A_77] : memref<1x256xf32, #tpu.memory_space<vmem>>, vector<1x256xf32>
      tpu.vector_store %arg10[%swap3A_76, %swap3A_77], %broadcast_in_dim3A_75 {strides = array<i32>} : memref<1x256xf32, #tpu.memory_space<vmem>>, vector<1x256xf32>,
    } else {
    }
    %get3A_50 = arith.constant 0 : index
    %get3A_51 = arith.constant 0 : index
    %get3A_52 = vector.load %arg9[%get3A_50, %get3A_51] : memref<1x256xf32, #tpu.memory_space<vmem>>, vector<1x256xf32>
    %reduce_sum3A = arith.constant dense<0.000000e+00> : vector<256xf32>
    %reduce_sum3A_53 = vector.multi_reduction <add>, %dot_general3A_40, %reduce_sum3A [0] : vector<128x256xf32> to vector<256xf32>
    %broadcast_in_dim3A = vector.shape_cast %reduce_sum3A_53 : vector<256xf32> to vector<1x256xf32>
    %add3A_54 = arith.addf %get3A_52, %broadcast_in_dim3A : vector<1x256xf32>
    %swap3A_55 = arith.constant 0 : index
    %swap3A_56 = arith.constant 0 : index
    %swap3A_57 = vector.load %arg9[%swap3A_55, %swap3A_56] : memref<1x256xf32, #tpu.memory_space<vmem>>, vector<1x256xf32>
    tpu.vector_store %arg9[%swap3A_55, %swap3A_56], %add3A_54 {strides = array<i32>} : memref<1x256xf32, #tpu.memory_space<vmem>>, vector<1x256xf32>,
    %get3A_58 = arith.constant 0 : index
    %get3A_59 = arith.constant 0 : index
    %get3A_60 = vector.load %arg10[%get3A_58, %get3A_59] : memref<1x256xf32, #tpu.memory_space<vmem>>, vector<1x256xf32>
    %mul3A_61 = arith.mulf %dot_general3A_40, %dot_general3A_40 : vector<128x256xf32>
    %reduce_sum3A_62 = arith.constant dense<0.000000e+00> : vector<256xf32>
    %reduce_sum3A_63 = vector.multi_reduction <add>, %mul3A_61, %reduce_sum3A_62 [0] : vector<128x256xf32> to vector<256xf32>
    %broadcast_in_dim3A_64 = vector.shape_cast %reduce_sum3A_63 : vector<256xf32> to vector<1x256xf32>
    %add3A_65 = arith.addf %get3A_60, %broadcast_in_dim3A_64 : vector<1x256xf32>
    %swap3A_66 = arith.constant 0 : index
    %swap3A_67 = arith.constant 0 : index
    %swap3A_68 = vector.load %arg10[%swap3A_66, %swap3A_67] : memref<1x256xf32, #tpu.memory_space<vmem>>, vector<1x256xf32>
    tpu.vector_store %arg10[%swap3A_66, %swap3A_67], %add3A_65 {strides = array<i32>} : memref<1x256xf32, #tpu.memory_space<vmem>>, vector<1x256xf32>,
    return
  }
  func.func @transform_0(%arg0: i32, %arg1: i32) -> (i32, i32, i32) {
    %c0_i32 = arith.constant 0 : i32
    %c0_i32_0 = arith.constant 0 : i32
    return %arg0, %arg1, %c0_i32 : i32, i32, i32
  }
  func.func @transform_1(%arg0: i32, %arg1: i32) -> (i32, i32, i32) {
    %c0_i32 = arith.constant 0 : i32
    %c0_i32_0 = arith.constant 0 : i32
    %c0_i32_1 = arith.constant 0 : i32
    return %arg0, %c0_i32, %c0_i32_0 : i32, i32, i32
  }
  func.func @transform_2(%arg0: i32, %arg1: i32) -> (i32, i32, i32) {
    %c0_i32 = arith.constant 0 : i32
    %c0_i32_0 = arith.constant 0 : i32
    %c0_i32_1 = arith.constant 0 : i32
    return %arg0, %c0_i32, %c0_i32_0 : i32, i32, i32
  }
  func.func @transform_3(%arg0: i32, %arg1: i32) -> (i32, i32) {
    %c0_i32 = arith.constant 0 : i32
    %c0_i32_0 = arith.constant 0 : i32
    %c0_i32_1 = arith.constant 0 : i32
    return %c0_i32, %c0_i32_0 : i32, i32
  }
  func.func @transform_4(%arg0: i32, %arg1: i32) -> (i32, i32) {
    %c0_i32 = arith.constant 0 : i32
    %c0_i32_0 = arith.constant 0 : i32
    %c0_i32_1 = arith.constant 0 : i32
    return %c0_i32, %c0_i32_0 : i32, i32
  }
  func.func @transform_5(%arg0: i32, %arg1: i32) -> (i32, i32) {
    %c0_i32 = arith.constant 0 : i32
    %c0_i32_0 = arith.constant 0 : i32
    %c0_i32_1 = arith.constant 0 : i32
    return %c0_i32, %c0_i32_0 : i32, i32
  }
  func.func @transform_6(%arg0: i32, %arg1: i32) -> (i32, i32, i32) {
    %c0_i32 = arith.constant 0 : i32
    %c0_i32_0 = arith.constant 0 : i32
    return %arg0, %arg1, %c0_i32 : i32, i32, i32
  }
  func.func @transform_7(%arg0: i32, %arg1: i32) -> (i32, i32) {
    %c0_i32 = arith.constant 0 : i32
    %c0_i32_0 = arith.constant 0 : i32
    %c0_i32_1 = arith.constant 0 : i32
    return %c0_i32, %c0_i32_0 : i32, i32
  }
  func.func @transform_8(%arg0: i32, %arg1: i32) -> (i32, i32) {
    %c0_i32 = arith.constant 0 : i32
    %c0_i32_0 = arith.constant 0 : i32
    %c0_i32_1 = arith.constant 0 : i32
    return %c0_i32, %c0_i32_0 : i32, i32
  }
}

module attributes {stable_mosaic.version = 14 : i64} {
  func.func @_final_body(%arg0: i32, %arg1: i32, %arg2: memref<1x2048x256xf32, #tpu.memory_space<vmem>>, %arg3: memref<1x256xf32, #tpu.memory_space<vmem>>, %arg4: memref<1x256xf32, #tpu.memory_space<vmem>>, %arg5: memref<1x256xf32, #tpu.memory_space<vmem>>, %arg6: memref<1x256xf32, #tpu.memory_space<vmem>>, %arg7: memref<256x256xf32, #tpu.memory_space<vmem>>, %arg8: memref<1x256xf32, #tpu.memory_space<vmem>>, %arg9: memref<1x1x256xf32, #tpu.memory_space<vmem>>, %arg10: memref<1x256xf32, #tpu.memory_space<vmem>>) attributes {dimension_semantics = [#tpu.dimension_semantics<arbitrary>, #tpu.dimension_semantics<arbitrary>], iteration_bounds = array<i64: 2, 4>, scalar_prefetch = 0 : i64, scratch_operands = 1 : i64, tpu.core_type = #tpu.core_type<tc>, window_params = [{transform_indices = @transform_0, window_bounds = array<i64: 1, 2048, 256>}, {pipeline_mode = #tpu.pipeline_mode<synchronous>, transform_indices = @transform_1, window_bounds = array<i64: 1, 256>}, {pipeline_mode = #tpu.pipeline_mode<synchronous>, transform_indices = @transform_2, window_bounds = array<i64: 1, 256>}, {pipeline_mode = #tpu.pipeline_mode<synchronous>, transform_indices = @transform_3, window_bounds = array<i64: 1, 256>}, {pipeline_mode = #tpu.pipeline_mode<synchronous>, transform_indices = @transform_4, window_bounds = array<i64: 1, 256>}, {pipeline_mode = #tpu.pipeline_mode<synchronous>, transform_indices = @transform_5, window_bounds = array<i64: 256, 256>}, {pipeline_mode = #tpu.pipeline_mode<synchronous>, transform_indices = @transform_6, window_bounds = array<i64: 1, 256>}, {transform_indices = @transform_7, window_bounds = array<i64: 1, 1, 256>}]} {
    %get3A = arith.constant 0 : index
    %get3A_0 = arith.constant 0 : index
    %get3A_1 = vector.load %arg3[%get3A, %get3A_0] : memref<1x256xf32, #tpu.memory_space<vmem>>, vector<1x256xf32>
    %div3A = arith.constant 1.638400e+04 : f32
    %div3A_2 = vector.broadcast %div3A : f32 to vector<1x256xf32>
    %div3A_3 = arith.divf %get3A_1, %div3A_2 : vector<1x256xf32>
    %get3A_4 = arith.constant 0 : index
    %get3A_5 = arith.constant 0 : index
    %get3A_6 = vector.load %arg4[%get3A_4, %get3A_5] : memref<1x256xf32, #tpu.memory_space<vmem>>, vector<1x256xf32>
    %div3A_7 = arith.constant 1.638400e+04 : f32
    %div3A_8 = vector.broadcast %div3A_7 : f32 to vector<1x256xf32>
    %div3A_9 = arith.divf %get3A_6, %div3A_8 : vector<1x256xf32>
    %mul3A = arith.mulf %div3A_3, %div3A_3 : vector<1x256xf32>
    %sub3A = arith.subf %div3A_9, %mul3A : vector<1x256xf32>
    %get3A_10 = arith.constant 0 : index
    %get3A_11 = arith.constant 0 : index
    %get3A_12 = vector.load %arg5[%get3A_10, %get3A_11] : memref<1x256xf32, #tpu.memory_space<vmem>>, vector<1x256xf32>
    %add3A = arith.constant 9.99999974E-6 : f32
    %add3A_13 = vector.broadcast %add3A : f32 to vector<1x256xf32>
    %add3A_14 = arith.addf %sub3A, %add3A_13 : vector<1x256xf32>
    %rsqrt3A = math.rsqrt %add3A_14 : vector<1x256xf32>
    %mul3A_15 = arith.mulf %get3A_12, %rsqrt3A : vector<1x256xf32>
    %get3A_16 = arith.constant 0 : index
    %get3A_17 = arith.constant 0 : index
    %get3A_18 = vector.load %arg6[%get3A_16, %get3A_17] : memref<1x256xf32, #tpu.memory_space<vmem>>, vector<1x256xf32>
    %mul3A_19 = arith.mulf %div3A_3, %mul3A_15 : vector<1x256xf32>
    %sub3A_20 = arith.subf %get3A_18, %mul3A_19 : vector<1x256xf32>
    %get3A_21 = arith.constant 0 : index
    %get3A_22 = arith.constant 0 : index
    %get3A_23 = arith.constant 0 : index
    %get3A_24 = vector.load %arg2[%get3A_21, %get3A_22, %get3A_23] : memref<1x2048x256xf32, #tpu.memory_space<vmem>>, vector<1x2048x256xf32>
    %get3A_25 = vector.shape_cast %get3A_24 : vector<1x2048x256xf32> to vector<2048x256xf32>
    %mul3A_26 = vector.broadcast %mul3A_15 : vector<1x256xf32> to vector<2048x256xf32>
    %mul3A_27 = arith.mulf %get3A_25, %mul3A_26 : vector<2048x256xf32>
    %add3A_28 = vector.broadcast %sub3A_20 : vector<1x256xf32> to vector<2048x256xf32>
    %add3A_29 = arith.addf %mul3A_27, %add3A_28 : vector<2048x256xf32>
    %max3A = arith.constant 0.000000e+00 : f32
    %max3A_30 = vector.broadcast %max3A : f32 to vector<2048x256xf32>
    %max3A_31 = arith.maximumf %add3A_29, %max3A_30 : vector<2048x256xf32>
    %eq3A = arith.constant 0 : i32
    %eq3A_32 = arith.cmpi eq, %arg1, %eq3A : i32
    %convert_element_type3A = arith.extui %eq3A_32 : i1 to i32
    %cond3A = arith.constant 0 : i32
    %cond3A_33 = arith.cmpi ne, %convert_element_type3A, %cond3A : i32
    scf.if %cond3A_33 {
      %broadcast_in_dim3A_46 = arith.constant 0.000000e+00 : f32
      %broadcast_in_dim3A_47 = vector.broadcast %broadcast_in_dim3A_46 : f32 to vector<1x256xf32>
      %swap3A_48 = arith.constant 0 : index
      %swap3A_49 = arith.constant 0 : index
      %swap3A_50 = vector.load %arg10[%swap3A_48, %swap3A_49] : memref<1x256xf32, #tpu.memory_space<vmem>>, vector<1x256xf32>
      tpu.vector_store %arg10[%swap3A_48, %swap3A_49], %broadcast_in_dim3A_47 {strides = array<i32>} : memref<1x256xf32, #tpu.memory_space<vmem>>, vector<1x256xf32>,
    } else {
    }
    %get3A_34 = arith.constant 0 : index
    %get3A_35 = arith.constant 0 : index
    %get3A_36 = vector.load %arg10[%get3A_34, %get3A_35] : memref<1x256xf32, #tpu.memory_space<vmem>>, vector<1x256xf32>
    %reduce_sum3A = arith.constant dense<0.000000e+00> : vector<256xf32>
    %reduce_sum3A_37 = vector.multi_reduction <add>, %max3A_31, %reduce_sum3A [0] : vector<2048x256xf32> to vector<256xf32>
    %broadcast_in_dim3A = vector.shape_cast %reduce_sum3A_37 : vector<256xf32> to vector<1x256xf32>
    %add3A_38 = arith.addf %get3A_36, %broadcast_in_dim3A : vector<1x256xf32>
    %swap3A = arith.constant 0 : index
    %swap3A_39 = arith.constant 0 : index
    %swap3A_40 = vector.load %arg10[%swap3A, %swap3A_39] : memref<1x256xf32, #tpu.memory_space<vmem>>, vector<1x256xf32>
    tpu.vector_store %arg10[%swap3A, %swap3A_39], %add3A_38 {strides = array<i32>} : memref<1x256xf32, #tpu.memory_space<vmem>>, vector<1x256xf32>,
    %eq3A_41 = arith.constant 3 : i32
    %eq3A_42 = arith.cmpi eq, %arg1, %eq3A_41 : i32
    %convert_element_type3A_43 = arith.extui %eq3A_42 : i1 to i32
    %cond3A_44 = arith.constant 0 : i32
    %cond3A_45 = arith.cmpi ne, %convert_element_type3A_43, %cond3A_44 : i32
    scf.if %cond3A_45 {
      %get3A_46 = arith.constant 0 : index
      %get3A_47 = arith.constant 0 : index
      %get3A_48 = vector.load %arg10[%get3A_46, %get3A_47] : memref<1x256xf32, #tpu.memory_space<vmem>>, vector<1x256xf32>
      %get3A_49 = arith.constant 0 : index
      %get3A_50 = arith.constant 0 : index
      %get3A_51 = vector.load %arg7[%get3A_49, %get3A_50] : memref<256x256xf32, #tpu.memory_space<vmem>>, vector<256x256xf32>
      %dot_general3A = arith.constant dense<0.000000e+00> : vector<1x256xf32>
      %dot_general3A_52 = tpu.matmul %get3A_48, %get3A_51, %dot_general3A {dimension_numbers = #tpu.dot_dimension_numbers<[1], [1], [0], [0], [0, 0, 1, 0], [], []>, transpose_lhs_hint = false} : vector<1x256xf32>, vector<256x256xf32>, vector<1x256xf32> -> vector<1x256xf32>
      %div3A_53 = arith.constant 8.192000e+03 : f32
      %div3A_54 = vector.broadcast %div3A_53 : f32 to vector<1x256xf32>
      %div3A_55 = arith.divf %dot_general3A_52, %div3A_54 : vector<1x256xf32>
      %get3A_56 = arith.constant 0 : index
      %get3A_57 = arith.constant 0 : index
      %get3A_58 = vector.load %arg8[%get3A_56, %get3A_57] : memref<1x256xf32, #tpu.memory_space<vmem>>, vector<1x256xf32>
      %add3A_59 = arith.addf %div3A_55, %get3A_58 : vector<1x256xf32>
      %reshape3A = vector.shape_cast %add3A_59 : vector<1x256xf32> to vector<1x1x256xf32>
      %swap3A_60 = arith.constant 0 : index
      %swap3A_61 = arith.constant 0 : index
      %swap3A_62 = arith.constant 0 : index
      %swap3A_63 = vector.load %arg9[%swap3A_60, %swap3A_61, %swap3A_62] : memref<1x1x256xf32, #tpu.memory_space<vmem>>, vector<1x1x256xf32>
      tpu.vector_store %arg9[%swap3A_60, %swap3A_61, %swap3A_62], %reshape3A {strides = array<i32>} : memref<1x1x256xf32, #tpu.memory_space<vmem>>, vector<1x1x256xf32>,
    } else {
    }
    return
  }
  func.func @transform_0(%arg0: i32, %arg1: i32) -> (i32, i32, i32) {
    %c0_i32 = arith.constant 0 : i32
    %c0_i32_0 = arith.constant 0 : i32
    return %arg0, %arg1, %c0_i32 : i32, i32, i32
  }
  func.func @transform_1(%arg0: i32, %arg1: i32) -> (i32, i32) {
    %c0_i32 = arith.constant 0 : i32
    %c0_i32_0 = arith.constant 0 : i32
    %c0_i32_1 = arith.constant 0 : i32
    return %c0_i32, %c0_i32_0 : i32, i32
  }
  func.func @transform_2(%arg0: i32, %arg1: i32) -> (i32, i32) {
    %c0_i32 = arith.constant 0 : i32
    %c0_i32_0 = arith.constant 0 : i32
    %c0_i32_1 = arith.constant 0 : i32
    return %c0_i32, %c0_i32_0 : i32, i32
  }
  func.func @transform_3(%arg0: i32, %arg1: i32) -> (i32, i32) {
    %c0_i32 = arith.constant 0 : i32
    %c0_i32_0 = arith.constant 0 : i32
    %c0_i32_1 = arith.constant 0 : i32
    return %c0_i32, %c0_i32_0 : i32, i32
  }
  func.func @transform_4(%arg0: i32, %arg1: i32) -> (i32, i32) {
    %c0_i32 = arith.constant 0 : i32
    %c0_i32_0 = arith.constant 0 : i32
    %c0_i32_1 = arith.constant 0 : i32
    return %c0_i32, %c0_i32_0 : i32, i32
  }
  func.func @transform_5(%arg0: i32, %arg1: i32) -> (i32, i32) {
    %c0_i32 = arith.constant 0 : i32
    %c0_i32_0 = arith.constant 0 : i32
    %c0_i32_1 = arith.constant 0 : i32
    return %c0_i32, %c0_i32_0 : i32, i32
  }
  func.func @transform_6(%arg0: i32, %arg1: i32) -> (i32, i32) {
    %c0_i32 = arith.constant 0 : i32
    %c0_i32_0 = arith.constant 0 : i32
    %c0_i32_1 = arith.constant 0 : i32
    return %c0_i32, %c0_i32_0 : i32, i32
  }
  func.func @transform_7(%arg0: i32, %arg1: i32) -> (i32, i32, i32) {
    %c0_i32 = arith.constant 0 : i32
    %c0_i32_0 = arith.constant 0 : i32
    %c0_i32_1 = arith.constant 0 : i32
    return %arg0, %c0_i32, %c0_i32_0 : i32, i32, i32
  }
}

</mosaic_0001>

<sc_bundles>
// kernel: kernel.14.cloned.1.call-start
scs
__scs_entry_jumppad:
0x0: {  	(pc) =	sbr.rel $0x88, $3  }
0x1: {  	(tag) =	ssettag $0x0;
	lr =	simm.s32 $0x1  }
0x2: {  	[smem:$0x3F88] =	sst lr;
	_ =	strace $0xD0000000  }
0x3: {  	_ = 	snop  }
0x4: {  	_ = 	snop  }
0x5: {  	_ = 	snop  }
0x6: {  	_ = 	snop  }
0x7: {  	_ = 	snop  }
__scs_overlays_trampoline_lowered:
0x8: {  	[smem:$0x3F97] =	sst s0  }
0x9: {  	[smem:$0x3F98] =	sst s1  }
0xa: {  	[smem:$0x3F99] =	sst s2  }
0xb: {  	[smem:$0x3F9A] =	sst s3  }
0xc: {  	[smem:$0x3F9B] =	sst s4  }
0xd: {  	[smem:$0x3F9C] =	sst s5  }
0xe: {  	[smem:$0x3F9D] =	sst s6  }
0xf: {  	[smem:$0x3F9E] =	sst s7  }
0x10: {  	[smem:$0x3F9F] =	sst s8  }
0x11: {  	[smem:$0x3FA0] =	sst s9;
	s0 =	simm.s32 @!p0 $0x0  }
0x12: {  	s1 =	sld [smem:$0x3F86];
	s0 =	simm.s32 @p0 $0x1  }
0x13: {  	[smem:$0x3FA1] =	sst s0;
	s0 =	simm.s32 @!p1 $0x0  }
0x14: {  	s2 =	sld [smem:$0x3F85];
	s0 =	simm.s32 @p1 $0x1  }
0x15: {  	[smem:$0x3FA2] =	sst s0;
	s0 =	simm.s32 @!p2 $0x0  }
0x16: {  	s3 =	sld [smem:$0x3FDB];
	s0 =	simm.s32 @p2 $0x1  }
0x17: {  	s4 =	simm.s32 $0x1BF5;
	[smem:$0x3FA4] =	sst s0  }
0x18: {  	s0 =	sld [smem:$0x3F87];
	_ =	swait.ge [sflag:s4], $0x0  }
0x19: {  	s7 =	sld [smem:$0x3F88]  }
0x1a: {  	s8 =	sadd.s32 $0xFFFFE003, lr  }
0x1b: {  	s9 =	sadd.s32 $0xFFFFFEF7, lr;
	s5 =	simm.s32 $0xFFFFFFFF;
	p2 =	slt.u32 s8, $0xFFFFF086  }
0x1c: {  	p1 =	slt.u32 s9, $0xF7A;
	s5 =	simm.s32 @!p2 $0x0  }
0x1d: {  	s5 =	simm.s32 @p1 $0x1;
	p0 =	seq.s32 s7, s2  }
0x1e: {  	s7 =	smul.u32 @!p0 $0xF7A, s2;
	p2 =	seq.s32 @!p0 s5, $0x0  }
0x1f: {  	s9 =	smul.u32 $0xF7A, s1;
	s8 =	simm.s32 @!p0 $0x1BF5;
	p2 =	por !p2, p0  }
0x20: {  	[sflag:s8] =	ssyncset.s32 @!p0 $0xFFFFF086;
	s6 =	sadd.s32 @!p0 s3, s7;
	s7 =	simm.s32 @!p0 $0x108  }
0x21: {  	s3 =	sadd.s32 s3, s9;
	s6 =	sadd.s32 @!p0 $0x88, s6;
	s7 =	simm.s32 @p2 $0x1082  }
0x22: {  	[simem:s7], [sflag:s8] =	dma.local @!p0 [hbm:s6], $0xF7A  }
0x23: {  	s9 =	sor.u32 $0xD0000000, s2;
	s6 =	simm.s32 $0x108;
	_ =	swait.ge @!p0 [sflag:s8], $0x0  }
0x24: {  	s3 =	sadd.s32 $0x88, s3;
	s6 =	simm.s32 @!p1 $0x1082;
	[sflag:s4] =	ssyncset.s32 $0xFFFFF086  }
0x25: {  	[simem:s6], [sflag:s4] =	dma.local [hbm:s3], $0xF7A  }
0x26: {  	[smem:$0x3F88] =	sst s1;
	(tag) =	ssettag s2;
	_ =	strace s9  }
0x27: {  	s1 =	sld [smem:$0x3F98]  }
0x28: {  	s2 =	sld [smem:$0x3F99]  }
0x29: {  	s4 =	sld [smem:$0x3F9B]  }
0x2a: {  	p0 =	seq.s32 s5, $0x0;
	s5 =	sld [smem:$0x3F9C]  }
0x2b: {  	s6 =	sld [smem:$0x3F9D]  }
0x2c: {  	s7 =	sld [smem:$0x3F9E]  }
0x2d: {  	s3 =	simm.s32 $0x108;
	s8 =	sld [smem:$0x3F9F]  }
0x2e: {  	s3 =	simm.s32 @!p0 $0x1082;
	s9 =	sld [smem:$0x3FA0]  }
0x2f: {  	lr =	sadd.s32 s0, s3;
	s0 =	sld [smem:$0x3F97]  }
0x30: {  	s3 =	sld [smem:$0x3F9A]  }
0x31: {  	[smem:$0x3FA3] =	sst s10  }
0x32: {  	s10 =	sld [smem:$0x3FA1];
	_ =	sdelay $0x3  }
0x33: {  	p0 =	seq.s32 s10, $0x1;
	s10 =	sld [smem:$0x3FA3];
	_ =	sdelay $0x3  }
0x34: {  	[smem:$0x3FA3] =	sst s10  }
0x35: {  	s10 =	sld [smem:$0x3FA2];
	_ =	sdelay $0x3  }
0x36: {  	p1 =	seq.s32 s10, $0x1;
	s10 =	sld [smem:$0x3FA3];
	_ =	sdelay $0x3  }
0x37: {  	[smem:$0x3FA3] =	sst s10  }
0x38: {  	s10 =	sld [smem:$0x3FA4]  }
0x39: {  	_ = 	snop;
	(pc) =	sbr.ind lr, $3  }
0x3a: {  	_ = 	snop  }
0x3b: {  	_ = 	snop  }
0x3c: {  	p2 =	seq.s32 s10, $0x1;
	s10 =	sld [smem:$0x3FA3]  }
0x3d: {  	_ =	shalt  }
0x3e: {  	_ =	shalt  }
0x3f: {  	_ =	shalt  }
0x40: {  	_ =	shalt  }
0x41: {  	_ =	shalt  }
0x42: {  	_ =	shalt  }
0x43: {  	_ =	shalt  }
0x44: {  	_ =	shalt  }
0x45: {  	_ =	shalt  }
0x46: {  	_ =	shalt  }
0x47: {  	_ =	shalt  }
0x48: {  	_ =	shalt  }
0x49: {  	_ =	shalt  }
0x4a: {  	_ =	shalt  }
0x4b: {  	_ =	shalt  }
0x4c: {  	_ =	shalt  }
0x4d: {  	_ =	shalt  }
0x4e: {  	_ =	shalt  }
0x4f: {  	_ =	shalt  }
0x50: {  	_ =	shalt  }
0x51: {  	_ =	shalt  }
0x52: {  	_ =	shalt  }
0x53: {  	_ =	shalt  }
0x54: {  	_ =	shalt  }
0x55: {  	_ =	shalt  }
0x56: {  	_ =	shalt  }
0x57: {  	_ =	shalt  }
0x58: {  	_ =	shalt  }
0x59: {  	_ =	shalt  }
0x5a: {  	_ =	shalt  }
0x5b: {  	_ =	shalt  }
0x5c: {  	_ =	shalt  }
0x5d: {  	_ =	shalt  }
0x5e: {  	_ =	shalt  }
0x5f: {  	_ =	shalt  }
0x60: {  	_ =	shalt  }
0x61: {  	_ =	shalt  }
0x62: {  	_ =	shalt  }
0x63: {  	_ =	shalt  }
0x64: {  	_ =	shalt  }
0x65: {  	_ =	shalt  }
0x66: {  	_ =	shalt  }
0x67: {  	_ =	shalt  }
0x68: {  	_ =	shalt  }
0x69: {  	_ =	shalt  }
0x6a: {  	_ =	shalt  }
0x6b: {  	_ =	shalt  }
0x6c: {  	_ =	shalt  }
0x6d: {  	_ =	shalt  }
0x6e: {  	_ =	shalt  }
0x6f: {  	_ =	shalt  }
0x70: {  	_ =	shalt  }
0x71: {  	_ =	shalt  }
0x72: {  	_ =	shalt  }
0x73: {  	_ =	shalt  }
0x74: {  	_ =	shalt  }
0x75: {  	_ =	shalt  }
0x76: {  	_ =	shalt  }
0x77: {  	_ =	shalt  }
0x78: {  	_ =	shalt  }
0x79: {  	_ =	shalt  }
0x7a: {  	_ =	shalt  }
0x7b: {  	_ =	shalt  }
0x7c: {  	_ =	shalt  }
0x7d: {  	_ =	shalt  }
0x7e: {  	_ =	shalt  }
0x7f: {  	_ =	shalt  }
0x80: {  	_ =	shalt  }
0x81: {  	_ =	shalt  }
0x82: {  	_ =	shalt  }
0x83: {  	_ =	shalt  }
0x84: {  	_ =	shalt  }
0x85: {  	_ =	shalt  }
0x86: {  	_ =	shalt  }
0x87: {  	_ =	shalt  }
.Lfunc_end0:
.L_simem_size_0:
called_computation_lowered:
.L_overlay_start_0:
0x88: {  	s2 =	sld [smem:$0x3FD9]  }
0x89: {  	s3 =	sld [smem:$0x3FFE];
	_ =	sdelay $0x1  }
0x8a: {  	s1 =	srdreg.scid  }
0x8b: {  	s0 =	sand.u32 $0x1, s1  }
0x8c: {  	s16 =	sshll.u32 s0, $0xA;
	s2 =	sadd.s32 s3, s2  }
0x8d: {  	s2 =	sadd.s32 s2, s16  }
0x8e: {  	[smem:$0x3FAF] =	sst s2  }
0x8f: {  	_ = 	snop  }
0x90: {  	(tm) =	ssettm $0x1  }
0x91: {  	s17 =	sld [smem:$0x3FFB];
	_ =	sdelay $0x3  }
0x92: {  	_ =	strace s17  }
0x93: {  	s2 =	sld [smem:$0x3FFC];
	_ =	sdelay $0x3  }
0x94: {  	_ =	strace s2  }
0x95: {  	s2 =	sld [smem:$0x3FFD];
	_ =	sdelay $0x3  }
0x96: {  	_ =	strace s2  }
0x97: {  	_ =	strace $0x8FFFFFFF  }
0x98: {  	s18 =	sld [smem:$0x3FDB];
	_ =	sdelay $0x1  }
0x99: {  	s19 =	simm.s32 $_scs_section_size  }
0x9a: {  	s4 =	simm.s32 $_size__tile_overlayer_lowered;
	s5 =	simm.s32 $_tile_overlayer_lowered  }
0x9b: {  	s22 =	simm.s32 $0x1BFF;
	s21 =	sshll.u32 s5, $0x1;
	s2 =	sadd.s32 s19, s18  }
0x9c: {  	s6 =	simm.s32 $0x0;
	s20 =	sshll.u32 s4, $0x1;
	s4 =	sadd.s32 s21, s2  }
0x9d: {  	[timem:s6], [sflag:s22] =	dma.local [hbm:s4], s20  }
0x9e: {  	_ =	swait.ge [sflag:s22], s20  }
0x9f: {  	s3 =	ssub.s32 $0x0, s20;
	[sflag:s22] =	ssyncset.done $0x0  }
0xa0: {  	[sflag:s22] =	ssyncadd.s32 s3;
	_ =	sdelay $0x1  }
0xa1: {  	s23 =	simm.s32 $0x1B8B  }
0xa2: {  	_ =	swait.ge [sflag:s23], $0x1  }
0xa3: {  	[sflag:s23] =	ssyncset.done $0x0  }
0xa4: {  	s25 =	simm.s32 $0x1B8E;
	s24 =	sld [smem:$0x3FFE];
	[sflag:s23] =	ssyncadd.s32 $0xFFFFFFFF  }
0xa5: {  	s26 =	simm.s32 $execute0_lowered;
	[smem:$0x3FD2] =	sst s25  }
0xa6: {  	s4 =	sshll.u32 s26, $0x1;
	_ =	strace $0x80000046;
	[dreg:$0x1] =	wrdreg $0xFFFFFFFF  }
0xa7: {  	s28 =	simm.s32 $_size_execute0_lowered;
	s2 =	sadd.s32 s2, s4;
	[dreg:$0x0] =	wrdreg $0x0  }
0xa8: {  	s4 =	sshll.u32 s28, $0x1;
	[dreg:$0x2] =	wrdreg s2  }
0xa9: {  	[dreg:$0x3] =	wrdreg s4  }
0xaa: {  	[dreg:$0x4] =	wrdreg $0xC0  }
0xab: {  	_ =	task [dreg:s6], $0x5FFFF  }
0xac: {  	[dreg:$0x1] =	wrdreg $0xFFFFFFFF  }
0xad: {  	[dreg:$0x0] =	wrdreg $0x60  }
0xae: {  	[dreg:$0x2] =	wrdreg s24  }
0xaf: {  	[dreg:$0x3] =	wrdreg $0x9  }
0xb0: {  	_ =	task.clear_ibuf [dreg:s6], $0x4FFFF;
	_ =	strace $0x90000046  }
0xb1: {  	s29 =	simm.s32 $0x9;
	_ =	strace $0x80000048  }
0xb2: {  	_ =	swait.ge [sflag:s29], $0x1  }
0xb3: {  	[sflag:s29] =	ssyncadd.s32 $0xFFFFFFFF  }
0xb4: {  	_ =	strace $0x90000048  }
0xb5: {  	_ =	sfence  }
0xb6: {  	s30 =	sld [smem:$0x0];
	_ =	sdelay $0x2  }
0xb7: {  	s31 =	sshll.u32 s1, $0xD;
	s1 =	sshrl.u32 s1, $0x2  }
0xb8: {  	s3 =	sand.u32 $0x4000, s31;
	s1 =	sadd.s32 s1, s30  }
0xb9: {  	s0 =	sor.u32 s3, s0;
	s1 =	sshll.u32 s1, $0x11  }
0xba: {  	s0 =	sor.u32 s1, s0  }
0xbb: {  	s0 =	sadd.s32 $0x8F2B, s0  }
0xbc: {  	[sflag:s0] =	ssyncadd.remote.s32 $0x1  }
0xbd: {  	_ =	sfence.sel $0xFFFF  }
0xbe: {  	[dreg:$0x0] =	wrdreg $0xFFFFFFFF;
	(pc) =	sbr.abs _section_cstart, $3  }
0xbf: {  	[dreg:$0x1] =	wrdreg $0xFFFFFFFF  }
0xc0: {  	_ =	task.clear_ibuf [dreg:s6], $0x2FFFF;
	_ =	strace $0x9FFFFFFF  }
0xc1: {  	(tm) =	ssettm $0x7FFFFFFF  }
tec
execute0_lowered:
.L_overlay_start_1:
0x0: {  	(tag) =	ssettag $0x1  }
0x1: {  	s4 =	rddreg [dreg:$0x0]  }
0x2: {  	s0 =	rddreg [dreg:$0x1];
	s2 =	simm.s32 $0x0;
	s3 =	srdreg.scid  }
0x3: {  	s1 =	stileid.u32;
	s10 =	simm.s32 $0x1;
	s11 =	simm.s32 $0x0  }
0x4: {  	[smem:$0x7FF] =	sst s2;
	s5 =	sand.u32 $0x1, s3;
	s6 =	sshll.u32 s1, $0xB  }
0x5: {  	s3 =	sadd.s32 $0x4D000, s4;
	s8 =	sshll.u32 s1, $0x10;
	_ =	strace $0x80000047  }
0x6: {  	s7 =	sshll.u32 s5, $0xA;
	s29 =	ssub.s32 $0x2, s5;
	s8 =	sadd.s32 s8, s4  }
0x7: {  	s30 =	sshll.u32 s5, $0xF;
	s6 =	sor.u32 s7, s6;
	s9 =	sshrl.u32 s29, $0x1  }
0x8: {  	s31 =	sadd.s32 s30, s8;
	s8 =	simm.s32 $0x80;
	s6 =	sadd.s32 s6, s4  }
0x9: {  	s7 =	ssub.s32 s29, s9;
	s9 =	simm.s32 $0x2000;
	s4 =	sadd.s32 $0x45000, s6  }
0xa: {  	s5 =	smax.u32 s7, $0x1;
	s6 =	sadd.s32 $0x5D000, s31;
	s7 =	simm.s32 $0x2  }
.LBB2_1:
0xb: {  	[tilespmem:s2], [sflag:$0x2] =	stream.linear.gather [hbm4b:s4+s2], $0x2000, $0x38;
	[tilespmem:$0x3000] =	vst v63  }
0xc: {  	_ =	swait.ge [sflag:s7], $0x2000  }
0xd: {  	[sflag:s7] =	ssyncset.done $0x0  }
0xe: {  	s12 =	simm.s32 $0x0;
	[sflag:s7] =	ssyncadd.s32 $0xFFFFE000  }
0xf: {  	[tilespmem:s9], [sflag:$0x1] =	stream.indirect.gather [hbm4b:s3+s8], $0x20, s12, s8, $0xb8;
	[tilespmem:$0x3000] =	vst v63  }
0x10: {  	_ =	swait.ge [sflag:s10], $0x1000  }
0x11: {  	[sflag:s10] =	ssyncset.done $0x0  }
0x12: {  	s31 =	sadd.s32 $0x0, s6;
	[sflag:s10] =	ssyncadd.s32 $0xFFFFF000  }
0x13: {  	[hbm4b:s31+s2] =	stream.linear.scatter [tilespmem:s9], [sflag:$0x2], $0x1000, $0x38;
	[tilespmem:$0x3000] =	vst v63  }
0x14: {  	_ =	swait.ge [sflag:s7], $0x1000  }
0x15: {  	s13 =	simm.s32 $0x400;
	s12 =	simm.s32 $0x200;
	[sflag:s7] =	ssyncset.done $0x0  }
.LBB2_2:
0x16: {  	s14 =	sshra.s32 s12, $0x2  }
0x17: {  	[sflag:s7] =	ssyncadd.s32 $0xFFFFF000;
	s15 =	smov.u32 s13;
	s16 =	sadd.s32 $0x200, s13  }
0x18: {  	[tilespmem:s9], [sflag:$0x1] =	stream.indirect.gather [hbm4b:s3+s8], $0x20, s14, s8, $0xb8;
	[tilespmem:$0x3000] =	vst v63  }
0x19: {  	p0 =	sne.s32 s13, $0x7E00;
	_ =	swait.ge [sflag:s10], $0x1000  }
.Ltmp0:
0x1a: {  	[sflag:s10] =	ssyncset.done $0x0;
	(pc) =	sbr.rel @p0 .LBB2_2-.Ltmp0, $4  }
0x1b: {  	s13 =	sadd.s32 s12, s6;
	s12 =	smov.u32 s15;
	[sflag:s10] =	ssyncadd.s32 $0xFFFFF000  }
0x1c: {  	[hbm4b:s13+s2] =	stream.linear.scatter [tilespmem:s9], [sflag:$0x2], $0x1000, $0x38;
	[tilespmem:$0x3000] =	vst v63  }
0x1d: {  	_ =	swait.ge [sflag:s7], $0x1000  }
0x1e: {  	s13 =	smov.u32 s16;
	[sflag:s7] =	ssyncset.done $0x0  }
0x1f: {  	s13 =	sshra.s32 s12, $0x2;
	[sflag:s7] =	ssyncadd.s32 $0xFFFFF000  }
0x20: {  	[tilespmem:s9], [sflag:$0x1] =	stream.indirect.gather [hbm4b:s3+s8], $0x20, s13, s8, $0xb8;
	[tilespmem:$0x3000] =	vst v63  }
0x21: {  	s11 =	sadd.s32 $0x1, s11;
	_ =	swait.ge [sflag:s10], $0x1000  }
0x22: {  	p0 =	sne.s32 s11, s5;
	[sflag:s10] =	ssyncset.done $0x0  }
.Ltmp1:
0x23: {  	s31 =	sadd.s32 s12, s6;
	[sflag:s10] =	ssyncadd.s32 $0xFFFFF000;
	(pc) =	sbr.rel @p0 .LBB2_1-.Ltmp1, $4  }
0x24: {  	[hbm4b:s31+s2] =	stream.linear.scatter [tilespmem:s9], [sflag:$0x2], $0x1000, $0x38;
	[tilespmem:$0x3000] =	vst v63  }
0x25: {  	_ =	swait.ge [sflag:s7], $0x1000  }
0x26: {  	[sflag:s7] =	ssyncset.done $0x0  }
0x27: {  	[sflag:s7] =	ssyncadd.s32 $0xFFFFF000  }
0x28: {  	_ =	sfence.sel $0x180000  }
0x29: {  	[bflag:$0x0] =	sbarrier.arrive $0xFFFF  }
0x2a: {  	p0 =	sne.s32 s1, $0x0;
	_ =	strace $0x90000047  }
0x2b: {  	s0 =	sadd.s32 @!p0 $0x100000, s0;
	[bflag:$0x2] =	sbarrier.arrive $0xFFFF  }
0x2c: {  	[sflag:s0] =	ssyncadd.tile.s32 @!p0 $0x1;
	_ =	shalt  }
.Lfunc_end2:
_tile_overlayer_lowered:
.L_overlay_start_2:
0x2d: {  	(tag) =	ssettag $0x2  }
0x2e: {  	s0 =	rddreg [dreg:$0x0];
	s2 =	stileid.u32  }
0x2f: {  	s1 =	rddreg [dreg:$0x1];
	p0 =	sne.s32 s2, $0x0  }
0x30: {  	s3 =	rddreg [dreg:$0x2];
	[bflag:$0x3] =	sbarrier.arrive $0xFFFF;
	s2 =	simm.s32 @!p0 $0x1C02  }
0x31: {  	[timem:s3], [sflag:s2] =	dma.local @!p0 [hbm:s0], s1  }
0x32: {  	s0 =	simm.s32 @!p0 $0x2  }
0x33: {  	_ =	swait.ge @!p0 [sflag:s0], s1  }
0x34: {  	s1 =	ssub.s32 @!p0 $0x0, s1;
	[sflag:s0] =	ssyncset.done @!p0 $0x0  }
0x35: {  	[sflag:s0] =	ssyncadd.s32 @!p0 s1  }
0x36: {  	[bflag:$0x3] =	sbarrier.arrive $0xFFFF  }
0x37: {  	_ =	shalt  }

// kernel: kernel.17.cloned.1.call-start
scs
__scs_entry_jumppad:
0x0: {  	(pc) =	sbr.rel $0x88, $3  }
0x1: {  	(tag) =	ssettag $0x0;
	lr =	simm.s32 $0x1  }
0x2: {  	[smem:$0x3F88] =	sst lr;
	_ =	strace $0xD0000000  }
0x3: {  	_ = 	snop  }
0x4: {  	_ = 	snop  }
0x5: {  	_ = 	snop  }
0x6: {  	_ = 	snop  }
0x7: {  	_ = 	snop  }
__scs_overlays_trampoline_lowered:
0x8: {  	[smem:$0x3F97] =	sst s0  }
0x9: {  	[smem:$0x3F98] =	sst s1  }
0xa: {  	[smem:$0x3F99] =	sst s2  }
0xb: {  	[smem:$0x3F9A] =	sst s3  }
0xc: {  	[smem:$0x3F9B] =	sst s4  }
0xd: {  	[smem:$0x3F9C] =	sst s5  }
0xe: {  	[smem:$0x3F9D] =	sst s6  }
0xf: {  	[smem:$0x3F9E] =	sst s7  }
0x10: {  	[smem:$0x3F9F] =	sst s8  }
0x11: {  	[smem:$0x3FA0] =	sst s9;
	s0 =	simm.s32 @!p0 $0x0  }
0x12: {  	s1 =	sld [smem:$0x3F86];
	s0 =	simm.s32 @p0 $0x1  }
0x13: {  	[smem:$0x3FA1] =	sst s0;
	s0 =	simm.s32 @!p1 $0x0  }
0x14: {  	s2 =	sld [smem:$0x3F85];
	s0 =	simm.s32 @p1 $0x1  }
0x15: {  	[smem:$0x3FA2] =	sst s0;
	s0 =	simm.s32 @!p2 $0x0  }
0x16: {  	s3 =	sld [smem:$0x3FDB];
	s0 =	simm.s32 @p2 $0x1  }
0x17: {  	s4 =	simm.s32 $0x1BF5;
	[smem:$0x3FA4] =	sst s0  }
0x18: {  	s0 =	sld [smem:$0x3F87];
	_ =	swait.ge [sflag:s4], $0x0  }
0x19: {  	s7 =	sld [smem:$0x3F88]  }
0x1a: {  	s8 =	sadd.s32 $0xFFFFE003, lr  }
0x1b: {  	s9 =	sadd.s32 $0xFFFFFEF7, lr;
	s5 =	simm.s32 $0xFFFFFFFF;
	p2 =	slt.u32 s8, $0xFFFFF086  }
0x1c: {  	p1 =	slt.u32 s9, $0xF7A;
	s5 =	simm.s32 @!p2 $0x0  }
0x1d: {  	s5 =	simm.s32 @p1 $0x1;
	p0 =	seq.s32 s7, s2  }
0x1e: {  	s7 =	smul.u32 @!p0 $0xF7A, s2;
	p2 =	seq.s32 @!p0 s5, $0x0  }
0x1f: {  	s9 =	smul.u32 $0xF7A, s1;
	s8 =	simm.s32 @!p0 $0x1BF5;
	p2 =	por !p2, p0  }
0x20: {  	[sflag:s8] =	ssyncset.s32 @!p0 $0xFFFFF086;
	s6 =	sadd.s32 @!p0 s3, s7;
	s7 =	simm.s32 @!p0 $0x108  }
0x21: {  	s3 =	sadd.s32 s3, s9;
	s6 =	sadd.s32 @!p0 $0x88, s6;
	s7 =	simm.s32 @p2 $0x1082  }
0x22: {  	[simem:s7], [sflag:s8] =	dma.local @!p0 [hbm:s6], $0xF7A  }
0x23: {  	s9 =	sor.u32 $0xD0000000, s2;
	s6 =	simm.s32 $0x108;
	_ =	swait.ge @!p0 [sflag:s8], $0x0  }
0x24: {  	s3 =	sadd.s32 $0x88, s3;
	s6 =	simm.s32 @!p1 $0x1082;
	[sflag:s4] =	ssyncset.s32 $0xFFFFF086  }
0x25: {  	[simem:s6], [sflag:s4] =	dma.local [hbm:s3], $0xF7A  }
0x26: {  	[smem:$0x3F88] =	sst s1;
	(tag) =	ssettag s2;
	_ =	strace s9  }
0x27: {  	s1 =	sld [smem:$0x3F98]  }
0x28: {  	s2 =	sld [smem:$0x3F99]  }
0x29: {  	s4 =	sld [smem:$0x3F9B]  }
0x2a: {  	p0 =	seq.s32 s5, $0x0;
	s5 =	sld [smem:$0x3F9C]  }
0x2b: {  	s6 =	sld [smem:$0x3F9D]  }
0x2c: {  	s7 =	sld [smem:$0x3F9E]  }
0x2d: {  	s3 =	simm.s32 $0x108;
	s8 =	sld [smem:$0x3F9F]  }
0x2e: {  	s3 =	simm.s32 @!p0 $0x1082;
	s9 =	sld [smem:$0x3FA0]  }
0x2f: {  	lr =	sadd.s32 s0, s3;
	s0 =	sld [smem:$0x3F97]  }
0x30: {  	s3 =	sld [smem:$0x3F9A]  }
0x31: {  	[smem:$0x3FA3] =	sst s10  }
0x32: {  	s10 =	sld [smem:$0x3FA1];
	_ =	sdelay $0x3  }
0x33: {  	p0 =	seq.s32 s10, $0x1;
	s10 =	sld [smem:$0x3FA3];
	_ =	sdelay $0x3  }
0x34: {  	[smem:$0x3FA3] =	sst s10  }
0x35: {  	s10 =	sld [smem:$0x3FA2];
	_ =	sdelay $0x3  }
0x36: {  	p1 =	seq.s32 s10, $0x1;
	s10 =	sld [smem:$0x3FA3];
	_ =	sdelay $0x3  }
0x37: {  	[smem:$0x3FA3] =	sst s10  }
0x38: {  	s10 =	sld [smem:$0x3FA4]  }
0x39: {  	_ = 	snop;
	(pc) =	sbr.ind lr, $3  }
0x3a: {  	_ = 	snop  }
0x3b: {  	_ = 	snop  }
0x3c: {  	p2 =	seq.s32 s10, $0x1;
	s10 =	sld [smem:$0x3FA3]  }
0x3d: {  	_ =	shalt  }
0x3e: {  	_ =	shalt  }
0x3f: {  	_ =	shalt  }
0x40: {  	_ =	shalt  }
0x41: {  	_ =	shalt  }
0x42: {  	_ =	shalt  }
0x43: {  	_ =	shalt  }
0x44: {  	_ =	shalt  }
0x45: {  	_ =	shalt  }
0x46: {  	_ =	shalt  }
0x47: {  	_ =	shalt  }
0x48: {  	_ =	shalt  }
0x49: {  	_ =	shalt  }
0x4a: {  	_ =	shalt  }
0x4b: {  	_ =	shalt  }
0x4c: {  	_ =	shalt  }
0x4d: {  	_ =	shalt  }
0x4e: {  	_ =	shalt  }
0x4f: {  	_ =	shalt  }
0x50: {  	_ =	shalt  }
0x51: {  	_ =	shalt  }
0x52: {  	_ =	shalt  }
0x53: {  	_ =	shalt  }
0x54: {  	_ =	shalt  }
0x55: {  	_ =	shalt  }
0x56: {  	_ =	shalt  }
0x57: {  	_ =	shalt  }
0x58: {  	_ =	shalt  }
0x59: {  	_ =	shalt  }
0x5a: {  	_ =	shalt  }
0x5b: {  	_ =	shalt  }
0x5c: {  	_ =	shalt  }
0x5d: {  	_ =	shalt  }
0x5e: {  	_ =	shalt  }
0x5f: {  	_ =	shalt  }
0x60: {  	_ =	shalt  }
0x61: {  	_ =	shalt  }
0x62: {  	_ =	shalt  }
0x63: {  	_ =	shalt  }
0x64: {  	_ =	shalt  }
0x65: {  	_ =	shalt  }
0x66: {  	_ =	shalt  }
0x67: {  	_ =	shalt  }
0x68: {  	_ =	shalt  }
0x69: {  	_ =	shalt  }
0x6a: {  	_ =	shalt  }
0x6b: {  	_ =	shalt  }
0x6c: {  	_ =	shalt  }
0x6d: {  	_ =	shalt  }
0x6e: {  	_ =	shalt  }
0x6f: {  	_ =	shalt  }
0x70: {  	_ =	shalt  }
0x71: {  	_ =	shalt  }
0x72: {  	_ =	shalt  }
0x73: {  	_ =	shalt  }
0x74: {  	_ =	shalt  }
0x75: {  	_ =	shalt  }
0x76: {  	_ =	shalt  }
0x77: {  	_ =	shalt  }
0x78: {  	_ =	shalt  }
0x79: {  	_ =	shalt  }
0x7a: {  	_ =	shalt  }
0x7b: {  	_ =	shalt  }
0x7c: {  	_ =	shalt  }
0x7d: {  	_ =	shalt  }
0x7e: {  	_ =	shalt  }
0x7f: {  	_ =	shalt  }
0x80: {  	_ =	shalt  }
0x81: {  	_ =	shalt  }
0x82: {  	_ =	shalt  }
0x83: {  	_ =	shalt  }
0x84: {  	_ =	shalt  }
0x85: {  	_ =	shalt  }
0x86: {  	_ =	shalt  }
0x87: {  	_ =	shalt  }
.Lfunc_end0:
.L_simem_size_0:
called_computation.1_lowered:
.L_overlay_start_0:
0x88: {  	s2 =	sld [smem:$0x3FD9]  }
0x89: {  	s3 =	sld [smem:$0x3FFE];
	_ =	sdelay $0x1  }
0x8a: {  	s1 =	srdreg.scid  }
0x8b: {  	s0 =	sand.u32 $0x1, s1  }
0x8c: {  	s16 =	sshll.u32 s0, $0xA;
	s2 =	sadd.s32 s3, s2  }
0x8d: {  	s2 =	sadd.s32 s2, s16  }
0x8e: {  	[smem:$0x3FAF] =	sst s2  }
0x8f: {  	_ = 	snop  }
0x90: {  	(tm) =	ssettm $0x1  }
0x91: {  	s17 =	sld [smem:$0x3FFB];
	_ =	sdelay $0x3  }
0x92: {  	_ =	strace s17  }
0x93: {  	s2 =	sld [smem:$0x3FFC];
	_ =	sdelay $0x3  }
0x94: {  	_ =	strace s2  }
0x95: {  	s2 =	sld [smem:$0x3FFD];
	_ =	sdelay $0x3  }
0x96: {  	_ =	strace s2  }
0x97: {  	_ =	strace $0x8FFFFFFF  }
0x98: {  	s18 =	sld [smem:$0x3FDB];
	_ =	sdelay $0x1  }
0x99: {  	s19 =	simm.s32 $_scs_section_size  }
0x9a: {  	s4 =	simm.s32 $_size__tile_overlayer_lowered;
	s5 =	simm.s32 $_tile_overlayer_lowered  }
0x9b: {  	s22 =	simm.s32 $0x1BFF;
	s21 =	sshll.u32 s5, $0x1;
	s2 =	sadd.s32 s19, s18  }
0x9c: {  	s6 =	simm.s32 $0x0;
	s20 =	sshll.u32 s4, $0x1;
	s4 =	sadd.s32 s21, s2  }
0x9d: {  	[timem:s6], [sflag:s22] =	dma.local [hbm:s4], s20  }
0x9e: {  	_ =	swait.ge [sflag:s22], s20  }
0x9f: {  	s3 =	ssub.s32 $0x0, s20;
	[sflag:s22] =	ssyncset.done $0x0  }
0xa0: {  	[sflag:s22] =	ssyncadd.s32 s3;
	_ =	sdelay $0x1  }
0xa1: {  	s23 =	simm.s32 $0x1B8B  }
0xa2: {  	_ =	swait.ge [sflag:s23], $0x1  }
0xa3: {  	[sflag:s23] =	ssyncset.done $0x0  }
0xa4: {  	s25 =	simm.s32 $0x1B8E;
	s24 =	sld [smem:$0x3FFE];
	[sflag:s23] =	ssyncadd.s32 $0xFFFFFFFF  }
0xa5: {  	s26 =	simm.s32 $execute0_lowered;
	[smem:$0x3FD2] =	sst s25  }
0xa6: {  	s4 =	sshll.u32 s26, $0x1;
	_ =	strace $0x80000049;
	[dreg:$0x1] =	wrdreg $0xFFFFFFFF  }
0xa7: {  	s28 =	simm.s32 $_size_execute0_lowered;
	s2 =	sadd.s32 s2, s4;
	[dreg:$0x0] =	wrdreg $0x0  }
0xa8: {  	s4 =	sshll.u32 s28, $0x1;
	[dreg:$0x2] =	wrdreg s2  }
0xa9: {  	[dreg:$0x3] =	wrdreg s4  }
0xaa: {  	[dreg:$0x4] =	wrdreg $0xC0  }
0xab: {  	_ =	task [dreg:s6], $0x5FFFF  }
0xac: {  	[dreg:$0x1] =	wrdreg $0xFFFFFFFF  }
0xad: {  	[dreg:$0x0] =	wrdreg $0x60  }
0xae: {  	[dreg:$0x2] =	wrdreg s24  }
0xaf: {  	[dreg:$0x3] =	wrdreg $0x9  }
0xb0: {  	_ =	task.clear_ibuf [dreg:s6], $0x4FFFF;
	_ =	strace $0x90000049  }
0xb1: {  	s29 =	simm.s32 $0x9;
	_ =	strace $0x8000004B  }
0xb2: {  	_ =	swait.ge [sflag:s29], $0x1  }
0xb3: {  	[sflag:s29] =	ssyncadd.s32 $0xFFFFFFFF  }
0xb4: {  	_ =	strace $0x9000004B  }
0xb5: {  	_ =	sfence  }
0xb6: {  	s30 =	sld [smem:$0x0];
	_ =	sdelay $0x2  }
0xb7: {  	s31 =	sshll.u32 s1, $0xD;
	s1 =	sshrl.u32 s1, $0x2  }
0xb8: {  	s3 =	sand.u32 $0x4000, s31;
	s1 =	sadd.s32 s1, s30  }
0xb9: {  	s0 =	sor.u32 s3, s0;
	s1 =	sshll.u32 s1, $0x11  }
0xba: {  	s0 =	sor.u32 s1, s0  }
0xbb: {  	s0 =	sadd.s32 $0x8F2B, s0  }
0xbc: {  	[sflag:s0] =	ssyncadd.remote.s32 $0x1  }
0xbd: {  	_ =	sfence.sel $0xFFFF  }
0xbe: {  	[dreg:$0x0] =	wrdreg $0xFFFFFFFF;
	(pc) =	sbr.abs _section_cstart, $3  }
0xbf: {  	[dreg:$0x1] =	wrdreg $0xFFFFFFFF  }
0xc0: {  	_ =	task.clear_ibuf [dreg:s6], $0x2FFFF;
	_ =	strace $0x9FFFFFFF  }
0xc1: {  	(tm) =	ssettm $0x7FFFFFFF  }
tec
execute0_lowered:
.L_overlay_start_1:
0x0: {  	(tag) =	ssettag $0x1  }
0x1: {  	s4 =	rddreg [dreg:$0x0]  }
0x2: {  	s0 =	rddreg [dreg:$0x1];
	s2 =	simm.s32 $0x0;
	s3 =	srdreg.scid  }
0x3: {  	s1 =	stileid.u32;
	s10 =	simm.s32 $0x1;
	s11 =	simm.s32 $0x0  }
0x4: {  	[smem:$0x7FF] =	sst s2;
	s5 =	sand.u32 $0x1, s3;
	s6 =	sshll.u32 s1, $0xB  }
0x5: {  	s3 =	sadd.s32 $0x5000, s4;
	s8 =	sshll.u32 s1, $0x11;
	_ =	strace $0x8000004A  }
0x6: {  	s7 =	sshll.u32 s5, $0xA;
	s29 =	ssub.s32 $0x2, s5;
	s8 =	sadd.s32 s8, s4  }
0x7: {  	s30 =	sshll.u32 s5, $0x10;
	s6 =	sor.u32 s7, s6;
	s9 =	sshrl.u32 s29, $0x1  }
0x8: {  	s31 =	sadd.s32 s30, s8;
	s8 =	simm.s32 $0x80;
	s6 =	sadd.s32 s6, s4  }
0x9: {  	s7 =	ssub.s32 s29, s9;
	s9 =	simm.s32 $0x2000;
	s4 =	sadd.s32 $0x45000, s6  }
0xa: {  	s5 =	smax.u32 s7, $0x1;
	s6 =	sadd.s32 $0x4D000, s31;
	s7 =	simm.s32 $0x2  }
.LBB2_1:
0xb: {  	[tilespmem:s2], [sflag:$0x2] =	stream.linear.gather [hbm4b:s4+s2], $0x2000, $0x38;
	[tilespmem:$0x4000] =	vst v63  }
0xc: {  	_ =	swait.ge [sflag:s7], $0x2000  }
0xd: {  	[sflag:s7] =	ssyncset.done $0x0  }
0xe: {  	s12 =	simm.s32 $0x0;
	[sflag:s7] =	ssyncadd.s32 $0xFFFFE000  }
0xf: {  	[tilespmem:s9], [sflag:$0x1] =	stream.indirect.gather [hbm4b:s3+s8], $0x40, s12, s8, $0xb8;
	[tilespmem:$0x4000] =	vst v63  }
0x10: {  	_ =	swait.ge [sflag:s10], $0x2000  }
0x11: {  	[sflag:s10] =	ssyncset.done $0x0  }
0x12: {  	[sflag:s10] =	ssyncadd.s32 $0xFFFFE000  }
0x13: {  	[hbm4b:s6+s2] =	stream.linear.scatter [tilespmem:s9], [sflag:$0x2], $0x2000, $0x38;
	[tilespmem:$0x4000] =	vst v63  }
0x14: {  	s13 =	simm.s32 $0x200;
	_ =	swait.ge [sflag:s7], $0x2000  }
0x15: {  	s14 =	simm.s32 $0x400;
	s12 =	sadd.s32 $0x400, s6;
	[sflag:s7] =	ssyncset.done $0x0  }
.LBB2_2:
0x16: {  	s15 =	sshra.s32 s13, $0x2  }
0x17: {  	[sflag:s7] =	ssyncadd.s32 $0xFFFFE000;
	s13 =	smov.u32 s14;
	s16 =	sadd.s32 $0x200, s14  }
0x18: {  	[tilespmem:s9], [sflag:$0x1] =	stream.indirect.gather [hbm4b:s3+s8], $0x40, s15, s8, $0xb8;
	[tilespmem:$0x4000] =	vst v63  }
0x19: {  	p0 =	sne.s32 s14, $0x7E00;
	_ =	swait.ge [sflag:s10], $0x2000  }
.Ltmp0:
0x1a: {  	[sflag:s10] =	ssyncset.done $0x0;
	(pc) =	sbr.rel @p0 .LBB2_2-.Ltmp0, $4  }
0x1b: {  	[sflag:s10] =	ssyncadd.s32 $0xFFFFE000  }
0x1c: {  	[hbm4b:s12+s2] =	stream.linear.scatter [tilespmem:s9], [sflag:$0x2], $0x2000, $0x38;
	[tilespmem:$0x4000] =	vst v63  }
0x1d: {  	_ =	swait.ge [sflag:s7], $0x2000  }
0x1e: {  	s14 =	smov.u32 s16;
	s12 =	sadd.s32 $0x400, s12;
	[sflag:s7] =	ssyncset.done $0x0  }
0x1f: {  	s13 =	sshra.s32 s13, $0x2;
	[sflag:s7] =	ssyncadd.s32 $0xFFFFE000  }
0x20: {  	[tilespmem:s9], [sflag:$0x1] =	stream.indirect.gather [hbm4b:s3+s8], $0x40, s13, s8, $0xb8;
	[tilespmem:$0x4000] =	vst v63  }
0x21: {  	s11 =	sadd.s32 $0x1, s11;
	_ =	swait.ge [sflag:s10], $0x2000  }
0x22: {  	p0 =	sne.s32 s11, s5;
	[sflag:s10] =	ssyncset.done $0x0  }
.Ltmp1:
0x23: {  	[sflag:s10] =	ssyncadd.s32 $0xFFFFE000;
	(pc) =	sbr.rel @p0 .LBB2_1-.Ltmp1, $4  }
0x24: {  	[hbm4b:s12+s2] =	stream.linear.scatter [tilespmem:s9], [sflag:$0x2], $0x2000, $0x38;
	[tilespmem:$0x4000] =	vst v63  }
0x25: {  	_ =	swait.ge [sflag:s7], $0x2000  }
0x26: {  	[sflag:s7] =	ssyncset.done $0x0  }
0x27: {  	[sflag:s7] =	ssyncadd.s32 $0xFFFFE000  }
0x28: {  	_ =	sfence.sel $0x180000  }
0x29: {  	[bflag:$0x0] =	sbarrier.arrive $0xFFFF  }
0x2a: {  	p0 =	sne.s32 s1, $0x0;
	_ =	strace $0x9000004A  }
0x2b: {  	s0 =	sadd.s32 @!p0 $0x100000, s0;
	[bflag:$0x2] =	sbarrier.arrive $0xFFFF  }
0x2c: {  	[sflag:s0] =	ssyncadd.tile.s32 @!p0 $0x1;
	_ =	shalt  }
.Lfunc_end2:
_tile_overlayer_lowered:
.L_overlay_start_2:
0x2d: {  	(tag) =	ssettag $0x2  }
0x2e: {  	s0 =	rddreg [dreg:$0x0];
	s2 =	stileid.u32  }
0x2f: {  	s1 =	rddreg [dreg:$0x1];
	p0 =	sne.s32 s2, $0x0  }
0x30: {  	s3 =	rddreg [dreg:$0x2];
	[bflag:$0x3] =	sbarrier.arrive $0xFFFF;
	s2 =	simm.s32 @!p0 $0x1C02  }
0x31: {  	[timem:s3], [sflag:s2] =	dma.local @!p0 [hbm:s0], s1  }
0x32: {  	s0 =	simm.s32 @!p0 $0x2  }
0x33: {  	_ =	swait.ge @!p0 [sflag:s0], s1  }
0x34: {  	s1 =	ssub.s32 @!p0 $0x0, s1;
	[sflag:s0] =	ssyncset.done @!p0 $0x0  }
0x35: {  	[sflag:s0] =	ssyncadd.s32 @!p0 s1  }
0x36: {  	[bflag:$0x3] =	sbarrier.arrive $0xFFFF  }
0x37: {  	_ =	shalt  }

</sc_bundles>
